<compile_context>
chip_gen: v7x
topology: tpu7x:2x2x1
jax: 0.10.2.dev20260603
libtpu: 0.0.44.dev20260713+nightly
codegen_flags: <defaults>
</compile_context>

<pallas_src>
import functools

import jax
import jax.numpy as jnp
from jax import lax
from jax.experimental import pallas as pl
from jax.experimental.pallas import tpu as pltpu
from jax.experimental.pallas import tpu_sc as plsc

DIMS = 10000
LEVELS = 1000
POS = 784
BATCH = 8
CLASSES = 10

W = 80
NCHUNK = DIMS // W
NTILES = 32
PSTRIP = 56
NSTRIP = POS // PSTRIP
NV = W // 16

DTC = 9600
DBLK = 640
C0 = DTC // W
NSC = NCHUNK - C0
BPT = 2
TPC = BATCH // BPT


def _sc_encode_body(lev_hbm, pos_hbm, idx_hbm, out_hbm,
                    idxb, ilist, lrA, lrB, ptA, ptB, accb, semA, semB):
    wid = lax.axis_index("s") * 2 + lax.axis_index("c")
    ci = wid // TPC
    bg = wid % TPC
    c = C0 + ci
    b0 = bg * BPT

    @pl.when(wid < NSC * TPC)
    def _():
        pltpu.sync_copy(idx_hbm.at[pl.ds(b0, BPT)], idxb)

        for bl in range(BPT):
            for v in range(POS // 16):
                sl = pl.ds(v * 16, 16)
                ilist[bl, sl] = idxb[bl, sl] * NCHUNK + c

        zero = jnp.zeros((16,), jnp.float32)
        for bl in range(BPT):
            for j in range(NV):
                accb[bl, pl.ds(j * 16, 16)] = zero

        def copies(s, lr, pt, sem):
            cps = [
                pltpu.make_async_copy(
                    lev_hbm.at[ilist.at[bl, pl.ds(s * PSTRIP, PSTRIP)]],
                    lr.at[bl], sem)
                for bl in range(BPT)
            ]
            cps.append(pltpu.make_async_copy(
                pos_hbm.at[pl.ds(s * PSTRIP, PSTRIP), pl.ds(c * W, W)],
                pt, sem))
            return cps

        def issue(s, lr, pt, sem):
            for cp in copies(s, lr, pt, sem):
                cp.start()

        def drain(s, lr, pt, sem):
            for cp in copies(s, lr, pt, sem):
                cp.wait()

        def compute(lr, pt):
            def pbody(p, carry2):
                pv = [pt[p, pl.ds(j * 16, 16)] for j in range(NV)]
                for bl in range(BPT):
                    for j in range(NV):
                        lv = lr[bl, p, pl.ds(j * 16, 16)]
                        plsc.addupdate(accb.at[bl, pl.ds(j * 16, 16)],
                                       lv * pv[j])
                return carry2

            lax.fori_loop(0, PSTRIP, pbody, 0)

        issue(0, lrA, ptA, semA)

        def ring(g, carry1):
            s0 = 2 * g
            issue(s0 + 1, lrB, ptB, semB)
            drain(s0, lrA, ptA, semA)
            compute(lrA, ptA)

            @pl.when(s0 + 2 < NSTRIP)
            def _():
                issue(s0 + 2, lrA, ptA, semA)

            drain(s0 + 1, lrB, ptB, semB)
            compute(lrB, ptB)
            return carry1

        lax.fori_loop(0, NSTRIP // 2, ring, 0)
        pltpu.sync_copy(
            accb, out_hbm.at[pl.ds(b0, BPT), pl.ds((c - C0) * W, W)])


def _sc_encode(level_weight, position_weight, idx):
    lev_rows = level_weight.reshape(LEVELS * NCHUNK, W)
    mesh = plsc.VectorSubcoreMesh(core_axis_name="c", subcore_axis_name="s")
    sc_encode = pl.kernel(
        _sc_encode_body,
        out_type=jax.ShapeDtypeStruct((BATCH, DIMS - DTC), jnp.float32),
        mesh=mesh,
        compiler_params=pltpu.CompilerParams(use_tc_tiling_on_sc=False),
        scratch_types=[
            pltpu.VMEM((BPT, POS), jnp.int32),
            pltpu.VMEM((BPT, POS), jnp.int32),
            pltpu.VMEM((BPT, PSTRIP, W), jnp.float32),
            pltpu.VMEM((BPT, PSTRIP, W), jnp.float32),
            pltpu.VMEM((PSTRIP, W), jnp.float32),
            pltpu.VMEM((PSTRIP, W), jnp.float32),
            pltpu.VMEM((BPT, W), jnp.float32),
            pltpu.SemaphoreType.DMA,
            pltpu.SemaphoreType.DMA,
        ],
    )
    return sc_encode(lev_rows, position_weight, idx)


sc_encode_for_test = jax.jit(_sc_encode)


def _tc_encode_body(xt_ref, lev_ref, pos_ref, out_ref):
    lev_f8 = lev_ref[...].astype(jnp.float8_e4m3fn)
    pos_blk = pos_ref[...]
    lvl_iota = jax.lax.broadcasted_iota(jnp.int32, (POS, LEVELS), 1)
    for b in range(BATCH):
        xb = xt_ref[:, b : b + 1]
        idx = jnp.clip(jnp.round(xb * (LEVELS - 1)), 0, LEVELS - 1).astype(jnp.int32)
        onehot = (idx == lvl_iota).astype(jnp.float8_e4m3fn)
        g = jnp.dot(onehot, lev_f8, preferred_element_type=jnp.float32)
        out_ref[b, :] = jnp.sum(g * pos_blk, axis=0)


def _finish_body(hv_tc_ref, hv_sc_ref, cw_ref, out_ref):
    cw = cw_ref[...]
    enc_tc = jnp.where(hv_tc_ref[...] > 0, 1.0, -1.0).astype(jnp.float32)
    enc_sc = jnp.where(hv_sc_ref[...] > 0, 1.0, -1.0).astype(jnp.float32)
    out_ref[...] = (
        jax.lax.dot_general(enc_tc, cw[:, :DTC], (((1,), (1,)), ((), ())),
                            preferred_element_type=jnp.float32)
        + jax.lax.dot_general(enc_sc, cw[:, DTC:], (((1,), (1,)), ((), ())),
                              preferred_element_type=jnp.float32))


@jax.jit
def kernel(x, position_weight, level_weight, classify_weight):
    xf = x.reshape(BATCH, POS)
    idx = jnp.clip(jnp.round(xf * (LEVELS - 1)), 0, LEVELS - 1).astype(jnp.int32)
    xt = xf.T

    hv_tc = pl.pallas_call(
        _tc_encode_body,
        grid=((DTC + DBLK - 1) // DBLK,),
        in_specs=[
            pl.BlockSpec((POS, BATCH), lambda i: (0, 0)),
            pl.BlockSpec((LEVELS, DBLK), lambda i: (0, i)),
            pl.BlockSpec((POS, DBLK), lambda i: (0, i)),
        ],
        out_specs=pl.BlockSpec((BATCH, DBLK), lambda i: (0, i)),
        out_shape=jax.ShapeDtypeStruct((BATCH, DTC), jnp.float32),
    )(xt, level_weight, position_weight)

    hv_sc = _sc_encode(level_weight, position_weight, idx)

    logit = pl.pallas_call(
        _finish_body,
        out_shape=jax.ShapeDtypeStruct((BATCH, CLASSES), jnp.float32),
    )(hv_tc, hv_sc, classify_weight)
    return logit

# --- scband reference (transcript-rebuilt; emitter-appended) ---
"""Pipeline reference for scband-model-57217554317716 (READ-ONLY COPY).

The authoritative reference and input builder live on the scoring server;
editing this copy changes nothing except your own understanding.
"""

import jax, jax.numpy as jnp
import numpy as np

DIMENSIONS = 10000
NUM_LEVELS = 1000
SIZE = 28
NUM_CLASSES = 10
BATCH = 8


def _bipolar(key, shape):
    # torchhd MAP vectors are random +/-1
    return jnp.where(jax.random.bernoulli(key, 0.5, shape), 1.0, -1.0).astype(jnp.float32)


def setup_inputs(seed: int = 0) -> dict:
    key = jax.random.key(seed)
    k1, k2, k3 = jax.random.split(key, 3)
    x = jax.random.uniform(k1, (BATCH, 1, SIZE, SIZE), dtype=jnp.float32)
    position_weight = _bipolar(k2, (SIZE * SIZE, DIMENSIONS))
    level_weight = _bipolar(k3, (NUM_LEVELS, DIMENSIONS))
    # classify.weight.data.fill_(0.0) in the original module
    classify_weight = jnp.zeros((NUM_CLASSES, DIMENSIONS), dtype=jnp.float32)
    return {"x": x, "position_weight": position_weight, "level_weight": level_weight, "classify_weight": classify_weight}


def reference(x, position_weight, level_weight, classify_weight):
    B = x.shape[0]
    xf = x.reshape(B, -1)  # Flatten -> [B, 784]
    # torchhd embeddings.Level: value_to_index with low=0, high=1
    idx = jnp.clip(jnp.round(xf * (NUM_LEVELS - 1)), 0, NUM_LEVELS - 1).astype(jnp.int32)
    value_hv = jnp.take(level_weight, idx, axis=0)  # [B, 784, D] gather
    # torchhd.bind (MAP) = elementwise multiply, broadcasting position over batch
    sample_hv = position_weight[None, :, :] * value_hv  # [B, 784, D]
    # torchhd.multiset = sum over hypervector set dim (-2)
    sample_hv = jnp.sum(sample_hv, axis=-2)  # [B, D]
    # torchhd.hard_quantize = sign-like: >0 -> 1 else -1
    enc = jnp.where(sample_hv > 0, 1.0, -1.0).astype(jnp.float32)
    logit = enc @ classify_weight.T  # Linear(DIMENSIONS, num_classes, bias=False)
    return logit

if __name__ == "__main__":
    import jax
    _d = setup_inputs()
    print(jax.jit(kernel)(*tuple(_d.values())))

</pallas_src>

<mosaic_0001>
#map = affine_map<(d0, d1) -> (0, 0)>
module attributes {stable_mosaic.version = 14 : i64} {
  func.func @_sc_encode_body(%arg0: i32, %arg1: i32, %arg2: memref<125000x80xf32, #tpu.memory_space<hbm>>, %arg3: memref<784x10000xf32, #tpu.memory_space<hbm>>, %arg4: memref<8x784xi32, #tpu.memory_space<hbm>>, %arg5: memref<8x400xf32, #tpu.memory_space<hbm>>, %arg6: memref<2x784xi32, #tpu.memory_space<vmem>>, %arg7: memref<2x784xi32, #tpu.memory_space<vmem>>, %arg8: memref<2x56x80xf32, #tpu.memory_space<vmem>>, %arg9: memref<2x56x80xf32, #tpu.memory_space<vmem>>, %arg10: memref<56x80xf32, #tpu.memory_space<vmem>>, %arg11: memref<56x80xf32, #tpu.memory_space<vmem>>, %arg12: memref<2x80xf32, #tpu.memory_space<vmem>>, %arg13: memref<!tpu.dma_semaphore, #tpu.memory_space<semaphore_mem>>, %arg14: memref<!tpu.dma_semaphore, #tpu.memory_space<semaphore_mem>>) attributes {dimension_semantics = [#tpu.dimension_semantics<core_parallel>, #tpu.dimension_semantics<subcore_parallel>], iteration_bounds = array<i64: 2, 16>, scalar_prefetch = 0 : i64, scratch_operands = 9 : i64, tpu.core_type = #tpu.core_type<sc_vector_subcore>, window_params = [{transform_indices = #map}, {transform_indices = #map}, {transform_indices = #map}, {transform_indices = #map}]} {
    %mul3A = arith.constant 2 : i32
    %mul3A_0 = arith.muli %arg1, %mul3A : i32
    %add3A = arith.addi %mul3A_0, %arg0 : i32
    %jit3A = arith.constant 4 : i32
    %div3A = arith.divsi %add3A, %jit3A : i32
    %sign3A = arith.constant 0 : i32
    %sign3A_1 = arith.cmpi sgt, %add3A, %sign3A : i32
    %sign3A_2 = arith.extui %sign3A_1 : i1 to i32
    %sign3A_3 = arith.constant 0 : i32
    %sign3A_4 = arith.cmpi slt, %add3A, %sign3A_3 : i32
    %sign3A_5 = arith.extui %sign3A_4 : i1 to i32
    %sign3A_6 = arith.subi %sign3A_2, %sign3A_5 : i32
    %sign3A_7 = arith.constant 0 : i32
    %sign3A_8 = arith.cmpi sgt, %jit3A, %sign3A_7 : i32
    %sign3A_9 = arith.extui %sign3A_8 : i1 to i32
    %sign3A_10 = arith.constant 0 : i32
    %sign3A_11 = arith.cmpi slt, %jit3A, %sign3A_10 : i32
    %sign3A_12 = arith.extui %sign3A_11 : i1 to i32
    %sign3A_13 = arith.subi %sign3A_9, %sign3A_12 : i32
    %ne3A = arith.cmpi ne, %sign3A_6, %sign3A_13 : i32
    %rem3A = arith.remsi %add3A, %jit3A : i32
    %ne3A_14 = arith.constant 0 : i32
    %ne3A_15 = arith.cmpi ne, %rem3A, %ne3A_14 : i32
    %and3A = arith.andi %ne3A, %ne3A_15 : i1
    %sub3A = arith.constant 1 : i32
    %sub3A_16 = arith.subi %div3A, %sub3A : i32
    %select_n3A = arith.select %and3A, %sub3A_16, %div3A : i32
    %jit3A_17 = arith.constant 4 : i32
    %eq3A = arith.constant 0 : i32
    %eq3A_18 = arith.cmpi eq, %jit3A_17, %eq3A : i32
    %jit3A_19 = arith.constant 1 : i32
    %select_n3A_20 = arith.select %eq3A_18, %jit3A_19, %jit3A_17 : i32
    %rem3A_21 = arith.remsi %add3A, %select_n3A_20 : i32
    %ne3A_22 = arith.constant 0 : i32
    %ne3A_23 = arith.cmpi ne, %rem3A_21, %ne3A_22 : i32
    %lt3A = arith.constant 0 : i32
    %lt3A_24 = arith.cmpi slt, %rem3A_21, %lt3A : i32
    %lt3A_25 = arith.constant 0 : i32
    %lt3A_26 = arith.cmpi slt, %select_n3A_20, %lt3A_25 : i32
    %ne3A_27 = arith.xori %lt3A_24, %lt3A_26 : i1
    %and3A_28 = arith.andi %ne3A_27, %ne3A_23 : i1
    %add3A_29 = arith.addi %rem3A_21, %select_n3A_20 : i32
    %select_n3A_30 = arith.select %and3A_28, %add3A_29, %rem3A_21 : i32
    %add3A_31 = arith.constant 120 : i32
    %add3A_32 = arith.addi %add3A_31, %select_n3A : i32
    %mul3A_33 = arith.constant 2 : i32
    %mul3A_34 = arith.muli %select_n3A_30, %mul3A_33 : i32
    %lt3A_35 = arith.constant 20 : i32
    %lt3A_36 = arith.cmpi slt, %add3A, %lt3A_35 : i32
    %convert_element_type3A = arith.extui %lt3A_36 : i1 to i32
    %cond3A = arith.constant 0 : i32
    %cond3A_37 = arith.cmpi ne, %convert_element_type3A, %cond3A : i32
    scf.if %cond3A_37 {
      "tpu.region"() ({
        %run_scoped3A = tpu.sem_alloc : memref<!tpu.dma_semaphore, #tpu.memory_space<semaphore_mem>>
        %dma_start3A_1703 = arith.constant 0 : i32
        %dma_start3A_1704 = tpu.memref_slice %arg4[%mul3A_34, %dma_start3A_1703] : memref<8x784xi32, #tpu.memory_space<hbm>> -> memref<2x784xi32, #tpu.memory_space<hbm>>
        %dma_start3A_1705 = arith.constant 0 : i32
        %dma_start3A_1706 = tpu.memref_slice %arg4[%mul3A_34, %dma_start3A_1705] : memref<8x784xi32, #tpu.memory_space<hbm>> -> memref<2x784xi32, #tpu.memory_space<hbm>>
        tpu.enqueue_dma source(%dma_start3A_1706 : memref<2x784xi32, #tpu.memory_space<hbm>>) target(%arg6 : memref<2x784xi32, #tpu.memory_space<vmem>>) target_semaphore(%run_scoped3A : memref<!tpu.dma_semaphore, #tpu.memory_space<semaphore_mem>>)
        %dma_wait3A = arith.constant 0 : i32
        %dma_wait3A_1707 = tpu.memref_slice %arg4[%mul3A_34, %dma_wait3A] : memref<8x784xi32, #tpu.memory_space<hbm>> -> memref<2x784xi32, #tpu.memory_space<hbm>>
        %dma_wait3A_1708 = arith.constant 0 : i32
        %dma_wait3A_1709 = tpu.memref_slice %arg4[%mul3A_34, %dma_wait3A_1708] : memref<8x784xi32, #tpu.memory_space<hbm>> -> memref<2x784xi32, #tpu.memory_space<hbm>>
        tpu.wait_dma2 semaphore(%run_scoped3A : memref<!tpu.dma_semaphore, #tpu.memory_space<semaphore_mem>>) src(%dma_wait3A_1709 : memref<2x784xi32, #tpu.memory_space<hbm>>) dst(%arg6 : memref<2x784xi32, #tpu.memory_space<vmem>>)
        tpu.yield
      }) : () -> ()
      %get3A = arith.constant 0 : i32
      %get3A_38 = arith.index_cast %get3A : i32 to index
      %get3A_39 = arith.constant 0 : index
      %get3A_40 = tpu.vector_load %arg6[%get3A_38, %get3A_39] {strides = array<i32>} : memref<2x784xi32, #tpu.memory_space<vmem>>, vector<1x16xi32>,
      %get3A_41 = vector.shape_cast %get3A_40 : vector<1x16xi32> to vector<16xi32>
      %mul3A_42 = arith.constant 125 : i32
      %mul3A_43 = vector.broadcast %mul3A_42 : i32 to vector<16xi32>
      %mul3A_44 = arith.muli %get3A_41, %mul3A_43 : vector<16xi32>
      %add3A_45 = vector.broadcast %add3A_32 : i32 to vector<16xi32>
      %add3A_46 = arith.addi %mul3A_44, %add3A_45 : vector<16xi32>
      %swap3A = arith.constant 0 : i32
      %swap3A_47 = arith.index_cast %swap3A : i32 to index
      %swap3A_48 = arith.constant 0 : index
      %swap3A_49 = tpu.vector_load %arg7[%swap3A_47, %swap3A_48] {strides = array<i32>} : memref<2x784xi32, #tpu.memory_space<vmem>>, vector<1x16xi32>,
      %swap3A_50 = vector.shape_cast %swap3A_49 : vector<1x16xi32> to vector<16xi32>
      %swap3A_51 = vector.shape_cast %add3A_46 : vector<16xi32> to vector<1x16xi32>
      tpu.vector_store %arg7[%swap3A_47, %swap3A_48], %swap3A_51 {strides = array<i32>} : memref<2x784xi32, #tpu.memory_space<vmem>>, vector<1x16xi32>,
      %get3A_52 = arith.constant 0 : i32
      %get3A_53 = arith.index_cast %get3A_52 : i32 to index
      %get3A_54 = arith.constant 16 : index
      %get3A_55 = tpu.vector_load %arg6[%get3A_53, %get3A_54] {strides = array<i32>} : memref<2x784xi32, #tpu.memory_space<vmem>>, vector<1x16xi32>,
      %get3A_56 = vector.shape_cast %get3A_55 : vector<1x16xi32> to vector<16xi32>
      %mul3A_57 = arith.constant 125 : i32
      %mul3A_58 = vector.broadcast %mul3A_57 : i32 to vector<16xi32>
      %mul3A_59 = arith.muli %get3A_56, %mul3A_58 : vector<16xi32>
      %add3A_60 = vector.broadcast %add3A_32 : i32 to vector<16xi32>
      %add3A_61 = arith.addi %mul3A_59, %add3A_60 : vector<16xi32>
      %swap3A_62 = arith.constant 0 : i32
      %swap3A_63 = arith.index_cast %swap3A_62 : i32 to index
      %swap3A_64 = arith.constant 16 : index
      %swap3A_65 = tpu.vector_load %arg7[%swap3A_63, %swap3A_64] {strides = array<i32>} : memref<2x784xi32, #tpu.memory_space<vmem>>, vector<1x16xi32>,
      %swap3A_66 = vector.shape_cast %swap3A_65 : vector<1x16xi32> to vector<16xi32>
      %swap3A_67 = vector.shape_cast %add3A_61 : vector<16xi32> to vector<1x16xi32>
      tpu.vector_store %arg7[%swap3A_63, %swap3A_64], %swap3A_67 {strides = array<i32>} : memref<2x784xi32, #tpu.memory_space<vmem>>, vector<1x16xi32>,
      %get3A_68 = arith.constant 0 : i32
      %get3A_69 = arith.index_cast %get3A_68 : i32 to index
      %get3A_70 = arith.constant 32 : index
      %get3A_71 = tpu.vector_load %arg6[%get3A_69, %get3A_70] {strides = array<i32>} : memref<2x784xi32, #tpu.memory_space<vmem>>, vector<1x16xi32>,
      %get3A_72 = vector.shape_cast %get3A_71 : vector<1x16xi32> to vector<16xi32>
      %mul3A_73 = arith.constant 125 : i32
      %mul3A_74 = vector.broadcast %mul3A_73 : i32 to vector<16xi32>
      %mul3A_75 = arith.muli %get3A_72, %mul3A_74 : vector<16xi32>
      %add3A_76 = vector.broadcast %add3A_32 : i32 to vector<16xi32>
      %add3A_77 = arith.addi %mul3A_75, %add3A_76 : vector<16xi32>
      %swap3A_78 = arith.constant 0 : i32
      %swap3A_79 = arith.index_cast %swap3A_78 : i32 to index
      %swap3A_80 = arith.constant 32 : index
      %swap3A_81 = tpu.vector_load %arg7[%swap3A_79, %swap3A_80] {strides = array<i32>} : memref<2x784xi32, #tpu.memory_space<vmem>>, vector<1x16xi32>,
      %swap3A_82 = vector.shape_cast %swap3A_81 : vector<1x16xi32> to vector<16xi32>
      %swap3A_83 = vector.shape_cast %add3A_77 : vector<16xi32> to vector<1x16xi32>
      tpu.vector_store %arg7[%swap3A_79, %swap3A_80], %swap3A_83 {strides = array<i32>} : memref<2x784xi32, #tpu.memory_space<vmem>>, vector<1x16xi32>,
      %get3A_84 = arith.constant 0 : i32
      %get3A_85 = arith.index_cast %get3A_84 : i32 to index
      %get3A_86 = arith.constant 48 : index
      %get3A_87 = tpu.vector_load %arg6[%get3A_85, %get3A_86] {strides = array<i32>} : memref<2x784xi32, #tpu.memory_space<vmem>>, vector<1x16xi32>,
      %get3A_88 = vector.shape_cast %get3A_87 : vector<1x16xi32> to vector<16xi32>
      %mul3A_89 = arith.constant 125 : i32
      %mul3A_90 = vector.broadcast %mul3A_89 : i32 to vector<16xi32>
      %mul3A_91 = arith.muli %get3A_88, %mul3A_90 : vector<16xi32>
      %add3A_92 = vector.broadcast %add3A_32 : i32 to vector<16xi32>
      %add3A_93 = arith.addi %mul3A_91, %add3A_92 : vector<16xi32>
      %swap3A_94 = arith.constant 0 : i32
      %swap3A_95 = arith.index_cast %swap3A_94 : i32 to index
      %swap3A_96 = arith.constant 48 : index
      %swap3A_97 = tpu.vector_load %arg7[%swap3A_95, %swap3A_96] {strides = array<i32>} : memref<2x784xi32, #tpu.memory_space<vmem>>, vector<1x16xi32>,
      %swap3A_98 = vector.shape_cast %swap3A_97 : vector<1x16xi32> to vector<16xi32>
      %swap3A_99 = vector.shape_cast %add3A_93 : vector<16xi32> to vector<1x16xi32>
      tpu.vector_store %arg7[%swap3A_95, %swap3A_96], %swap3A_99 {strides = array<i32>} : memref<2x784xi32, #tpu.memory_space<vmem>>, vector<1x16xi32>,
      %get3A_100 = arith.constant 0 : i32
      %get3A_101 = arith.index_cast %get3A_100 : i32 to index
      %get3A_102 = arith.constant 64 : index
      %get3A_103 = tpu.vector_load %arg6[%get3A_101, %get3A_102] {strides = array<i32>} : memref<2x784xi32, #tpu.memory_space<vmem>>, vector<1x16xi32>,
      %get3A_104 = vector.shape_cast %get3A_103 : vector<1x16xi32> to vector<16xi32>
      %mul3A_105 = arith.constant 125 : i32
      %mul3A_106 = vector.broadcast %mul3A_105 : i32 to vector<16xi32>
      %mul3A_107 = arith.muli %get3A_104, %mul3A_106 : vector<16xi32>
      %add3A_108 = vector.broadcast %add3A_32 : i32 to vector<16xi32>
      %add3A_109 = arith.addi %mul3A_107, %add3A_108 : vector<16xi32>
      %swap3A_110 = arith.constant 0 : i32
      %swap3A_111 = arith.index_cast %swap3A_110 : i32 to index
      %swap3A_112 = arith.constant 64 : index
      %swap3A_113 = tpu.vector_load %arg7[%swap3A_111, %swap3A_112] {strides = array<i32>} : memref<2x784xi32, #tpu.memory_space<vmem>>, vector<1x16xi32>,
      %swap3A_114 = vector.shape_cast %swap3A_113 : vector<1x16xi32> to vector<16xi32>
      %swap3A_115 = vector.shape_cast %add3A_109 : vector<16xi32> to vector<1x16xi32>
      tpu.vector_store %arg7[%swap3A_111, %swap3A_112], %swap3A_115 {strides = array<i32>} : memref<2x784xi32, #tpu.memory_space<vmem>>, vector<1x16xi32>,
      %get3A_116 = arith.constant 0 : i32
      %get3A_117 = arith.index_cast %get3A_116 : i32 to index
      %get3A_118 = arith.constant 80 : index
      %get3A_119 = tpu.vector_load %arg6[%get3A_117, %get3A_118] {strides = array<i32>} : memref<2x784xi32, #tpu.memory_space<vmem>>, vector<1x16xi32>,
      %get3A_120 = vector.shape_cast %get3A_119 : vector<1x16xi32> to vector<16xi32>
      %mul3A_121 = arith.constant 125 : i32
      %mul3A_122 = vector.broadcast %mul3A_121 : i32 to vector<16xi32>
      %mul3A_123 = arith.muli %get3A_120, %mul3A_122 : vector<16xi32>
      %add3A_124 = vector.broadcast %add3A_32 : i32 to vector<16xi32>
      %add3A_125 = arith.addi %mul3A_123, %add3A_124 : vector<16xi32>
      %swap3A_126 = arith.constant 0 : i32
      %swap3A_127 = arith.index_cast %swap3A_126 : i32 to index
      %swap3A_128 = arith.constant 80 : index
      %swap3A_129 = tpu.vector_load %arg7[%swap3A_127, %swap3A_128] {strides = array<i32>} : memref<2x784xi32, #tpu.memory_space<vmem>>, vector<1x16xi32>,
      %swap3A_130 = vector.shape_cast %swap3A_129 : vector<1x16xi32> to vector<16xi32>
      %swap3A_131 = vector.shape_cast %add3A_125 : vector<16xi32> to vector<1x16xi32>
      tpu.vector_store %arg7[%swap3A_127, %swap3A_128], %swap3A_131 {strides = array<i32>} : memref<2x784xi32, #tpu.memory_space<vmem>>, vector<1x16xi32>,
      %get3A_132 = arith.constant 0 : i32
      %get3A_133 = arith.index_cast %get3A_132 : i32 to index
      %get3A_134 = arith.constant 96 : index
      %get3A_135 = tpu.vector_load %arg6[%get3A_133, %get3A_134] {strides = array<i32>} : memref<2x784xi32, #tpu.memory_space<vmem>>, vector<1x16xi32>,
      %get3A_136 = vector.shape_cast %get3A_135 : vector<1x16xi32> to vector<16xi32>
      %mul3A_137 = arith.constant 125 : i32
      %mul3A_138 = vector.broadcast %mul3A_137 : i32 to vector<16xi32>
      %mul3A_139 = arith.muli %get3A_136, %mul3A_138 : vector<16xi32>
      %add3A_140 = vector.broadcast %add3A_32 : i32 to vector<16xi32>
      %add3A_141 = arith.addi %mul3A_139, %add3A_140 : vector<16xi32>
      %swap3A_142 = arith.constant 0 : i32
      %swap3A_143 = arith.index_cast %swap3A_142 : i32 to index
      %swap3A_144 = arith.constant 96 : index
      %swap3A_145 = tpu.vector_load %arg7[%swap3A_143, %swap3A_144] {strides = array<i32>} : memref<2x784xi32, #tpu.memory_space<vmem>>, vector<1x16xi32>,
      %swap3A_146 = vector.shape_cast %swap3A_145 : vector<1x16xi32> to vector<16xi32>
      %swap3A_147 = vector.shape_cast %add3A_141 : vector<16xi32> to vector<1x16xi32>
      tpu.vector_store %arg7[%swap3A_143, %swap3A_144], %swap3A_147 {strides = array<i32>} : memref<2x784xi32, #tpu.memory_space<vmem>>, vector<1x16xi32>,
      %get3A_148 = arith.constant 0 : i32
      %get3A_149 = arith.index_cast %get3A_148 : i32 to index
      %get3A_150 = arith.constant 112 : index
      %get3A_151 = tpu.vector_load %arg6[%get3A_149, %get3A_150] {strides = array<i32>} : memref<2x784xi32, #tpu.memory_space<vmem>>, vector<1x16xi32>,
      %get3A_152 = vector.shape_cast %get3A_151 : vector<1x16xi32> to vector<16xi32>
      %mul3A_153 = arith.constant 125 : i32
      %mul3A_154 = vector.broadcast %mul3A_153 : i32 to vector<16xi32>
      %mul3A_155 = arith.muli %get3A_152, %mul3A_154 : vector<16xi32>
      %add3A_156 = vector.broadcast %add3A_32 : i32 to vector<16xi32>
      %add3A_157 = arith.addi %mul3A_155, %add3A_156 : vector<16xi32>
      %swap3A_158 = arith.constant 0 : i32
      %swap3A_159 = arith.index_cast %swap3A_158 : i32 to index
      %swap3A_160 = arith.constant 112 : index
      %swap3A_161 = tpu.vector_load %arg7[%swap3A_159, %swap3A_160] {strides = array<i32>} : memref<2x784xi32, #tpu.memory_space<vmem>>, vector<1x16xi32>,
      %swap3A_162 = vector.shape_cast %swap3A_161 : vector<1x16xi32> to vector<16xi32>
      %swap3A_163 = vector.shape_cast %add3A_157 : vector<16xi32> to vector<1x16xi32>
      tpu.vector_store %arg7[%swap3A_159, %swap3A_160], %swap3A_163 {strides = array<i32>} : memref<2x784xi32, #tpu.memory_space<vmem>>, vector<1x16xi32>,
      %get3A_164 = arith.constant 0 : i32
      %get3A_165 = arith.index_cast %get3A_164 : i32 to index
      %get3A_166 = arith.constant 128 : index
      %get3A_167 = tpu.vector_load %arg6[%get3A_165, %get3A_166] {strides = array<i32>} : memref<2x784xi32, #tpu.memory_space<vmem>>, vector<1x16xi32>,
      %get3A_168 = vector.shape_cast %get3A_167 : vector<1x16xi32> to vector<16xi32>
      %mul3A_169 = arith.constant 125 : i32
      %mul3A_170 = vector.broadcast %mul3A_169 : i32 to vector<16xi32>
      %mul3A_171 = arith.muli %get3A_168, %mul3A_170 : vector<16xi32>
      %add3A_172 = vector.broadcast %add3A_32 : i32 to vector<16xi32>
      %add3A_173 = arith.addi %mul3A_171, %add3A_172 : vector<16xi32>
      %swap3A_174 = arith.constant 0 : i32
      %swap3A_175 = arith.index_cast %swap3A_174 : i32 to index
      %swap3A_176 = arith.constant 128 : index
      %swap3A_177 = tpu.vector_load %arg7[%swap3A_175, %swap3A_176] {strides = array<i32>} : memref<2x784xi32, #tpu.memory_space<vmem>>, vector<1x16xi32>,
      %swap3A_178 = vector.shape_cast %swap3A_177 : vector<1x16xi32> to vector<16xi32>
      %swap3A_179 = vector.shape_cast %add3A_173 : vector<16xi32> to vector<1x16xi32>
      tpu.vector_store %arg7[%swap3A_175, %swap3A_176], %swap3A_179 {strides = array<i32>} : memref<2x784xi32, #tpu.memory_space<vmem>>, vector<1x16xi32>,
      %get3A_180 = arith.constant 0 : i32
      %get3A_181 = arith.index_cast %get3A_180 : i32 to index
      %get3A_182 = arith.constant 144 : index
      %get3A_183 = tpu.vector_load %arg6[%get3A_181, %get3A_182] {strides = array<i32>} : memref<2x784xi32, #tpu.memory_space<vmem>>, vector<1x16xi32>,
      %get3A_184 = vector.shape_cast %get3A_183 : vector<1x16xi32> to vector<16xi32>
      %mul3A_185 = arith.constant 125 : i32
      %mul3A_186 = vector.broadcast %mul3A_185 : i32 to vector<16xi32>
      %mul3A_187 = arith.muli %get3A_184, %mul3A_186 : vector<16xi32>
      %add3A_188 = vector.broadcast %add3A_32 : i32 to vector<16xi32>
      %add3A_189 = arith.addi %mul3A_187, %add3A_188 : vector<16xi32>
      %swap3A_190 = arith.constant 0 : i32
      %swap3A_191 = arith.index_cast %swap3A_190 : i32 to index
      %swap3A_192 = arith.constant 144 : index
      %swap3A_193 = tpu.vector_load %arg7[%swap3A_191, %swap3A_192] {strides = array<i32>} : memref<2x784xi32, #tpu.memory_space<vmem>>, vector<1x16xi32>,
      %swap3A_194 = vector.shape_cast %swap3A_193 : vector<1x16xi32> to vector<16xi32>
      %swap3A_195 = vector.shape_cast %add3A_189 : vector<16xi32> to vector<1x16xi32>
      tpu.vector_store %arg7[%swap3A_191, %swap3A_192], %swap3A_195 {strides = array<i32>} : memref<2x784xi32, #tpu.memory_space<vmem>>, vector<1x16xi32>,
      %get3A_196 = arith.constant 0 : i32
      %get3A_197 = arith.index_cast %get3A_196 : i32 to index
      %get3A_198 = arith.constant 160 : index
      %get3A_199 = tpu.vector_load %arg6[%get3A_197, %get3A_198] {strides = array<i32>} : memref<2x784xi32, #tpu.memory_space<vmem>>, vector<1x16xi32>,
      %get3A_200 = vector.shape_cast %get3A_199 : vector<1x16xi32> to vector<16xi32>
      %mul3A_201 = arith.constant 125 : i32
      %mul3A_202 = vector.broadcast %mul3A_201 : i32 to vector<16xi32>
      %mul3A_203 = arith.muli %get3A_200, %mul3A_202 : vector<16xi32>
      %add3A_204 = vector.broadcast %add3A_32 : i32 to vector<16xi32>
      %add3A_205 = arith.addi %mul3A_203, %add3A_204 : vector<16xi32>
      %swap3A_206 = arith.constant 0 : i32
      %swap3A_207 = arith.index_cast %swap3A_206 : i32 to index
      %swap3A_208 = arith.constant 160 : index
      %swap3A_209 = tpu.vector_load %arg7[%swap3A_207, %swap3A_208] {strides = array<i32>} : memref<2x784xi32, #tpu.memory_space<vmem>>, vector<1x16xi32>,
      %swap3A_210 = vector.shape_cast %swap3A_209 : vector<1x16xi32> to vector<16xi32>
      %swap3A_211 = vector.shape_cast %add3A_205 : vector<16xi32> to vector<1x16xi32>
      tpu.vector_store %arg7[%swap3A_207, %swap3A_208], %swap3A_211 {strides = array<i32>} : memref<2x784xi32, #tpu.memory_space<vmem>>, vector<1x16xi32>,
      %get3A_212 = arith.constant 0 : i32
      %get3A_213 = arith.index_cast %get3A_212 : i32 to index
      %get3A_214 = arith.constant 176 : index
      %get3A_215 = tpu.vector_load %arg6[%get3A_213, %get3A_214] {strides = array<i32>} : memref<2x784xi32, #tpu.memory_space<vmem>>, vector<1x16xi32>,
      %get3A_216 = vector.shape_cast %get3A_215 : vector<1x16xi32> to vector<16xi32>
      %mul3A_217 = arith.constant 125 : i32
      %mul3A_218 = vector.broadcast %mul3A_217 : i32 to vector<16xi32>
      %mul3A_219 = arith.muli %get3A_216, %mul3A_218 : vector<16xi32>
      %add3A_220 = vector.broadcast %add3A_32 : i32 to vector<16xi32>
      %add3A_221 = arith.addi %mul3A_219, %add3A_220 : vector<16xi32>
      %swap3A_222 = arith.constant 0 : i32
      %swap3A_223 = arith.index_cast %swap3A_222 : i32 to index
      %swap3A_224 = arith.constant 176 : index
      %swap3A_225 = tpu.vector_load %arg7[%swap3A_223, %swap3A_224] {strides = array<i32>} : memref<2x784xi32, #tpu.memory_space<vmem>>, vector<1x16xi32>,
      %swap3A_226 = vector.shape_cast %swap3A_225 : vector<1x16xi32> to vector<16xi32>
      %swap3A_227 = vector.shape_cast %add3A_221 : vector<16xi32> to vector<1x16xi32>
      tpu.vector_store %arg7[%swap3A_223, %swap3A_224], %swap3A_227 {strides = array<i32>} : memref<2x784xi32, #tpu.memory_space<vmem>>, vector<1x16xi32>,
      %get3A_228 = arith.constant 0 : i32
      %get3A_229 = arith.index_cast %get3A_228 : i32 to index
      %get3A_230 = arith.constant 192 : index
      %get3A_231 = tpu.vector_load %arg6[%get3A_229, %get3A_230] {strides = array<i32>} : memref<2x784xi32, #tpu.memory_space<vmem>>, vector<1x16xi32>,
      %get3A_232 = vector.shape_cast %get3A_231 : vector<1x16xi32> to vector<16xi32>
      %mul3A_233 = arith.constant 125 : i32
      %mul3A_234 = vector.broadcast %mul3A_233 : i32 to vector<16xi32>
      %mul3A_235 = arith.muli %get3A_232, %mul3A_234 : vector<16xi32>
      %add3A_236 = vector.broadcast %add3A_32 : i32 to vector<16xi32>
      %add3A_237 = arith.addi %mul3A_235, %add3A_236 : vector<16xi32>
      %swap3A_238 = arith.constant 0 : i32
      %swap3A_239 = arith.index_cast %swap3A_238 : i32 to index
      %swap3A_240 = arith.constant 192 : index
      %swap3A_241 = tpu.vector_load %arg7[%swap3A_239, %swap3A_240] {strides = array<i32>} : memref<2x784xi32, #tpu.memory_space<vmem>>, vector<1x16xi32>,
      %swap3A_242 = vector.shape_cast %swap3A_241 : vector<1x16xi32> to vector<16xi32>
      %swap3A_243 = vector.shape_cast %add3A_237 : vector<16xi32> to vector<1x16xi32>
      tpu.vector_store %arg7[%swap3A_239, %swap3A_240], %swap3A_243 {strides = array<i32>} : memref<2x784xi32, #tpu.memory_space<vmem>>, vector<1x16xi32>,
      %get3A_244 = arith.constant 0 : i32
      %get3A_245 = arith.index_cast %get3A_244 : i32 to index
      %get3A_246 = arith.constant 208 : index
      %get3A_247 = tpu.vector_load %arg6[%get3A_245, %get3A_246] {strides = array<i32>} : memref<2x784xi32, #tpu.memory_space<vmem>>, vector<1x16xi32>,
      %get3A_248 = vector.shape_cast %get3A_247 : vector<1x16xi32> to vector<16xi32>
      %mul3A_249 = arith.constant 125 : i32
      %mul3A_250 = vector.broadcast %mul3A_249 : i32 to vector<16xi32>
      %mul3A_251 = arith.muli %get3A_248, %mul3A_250 : vector<16xi32>
      %add3A_252 = vector.broadcast %add3A_32 : i32 to vector<16xi32>
      %add3A_253 = arith.addi %mul3A_251, %add3A_252 : vector<16xi32>
      %swap3A_254 = arith.constant 0 : i32
      %swap3A_255 = arith.index_cast %swap3A_254 : i32 to index
      %swap3A_256 = arith.constant 208 : index
      %swap3A_257 = tpu.vector_load %arg7[%swap3A_255, %swap3A_256] {strides = array<i32>} : memref<2x784xi32, #tpu.memory_space<vmem>>, vector<1x16xi32>,
      %swap3A_258 = vector.shape_cast %swap3A_257 : vector<1x16xi32> to vector<16xi32>
      %swap3A_259 = vector.shape_cast %add3A_253 : vector<16xi32> to vector<1x16xi32>
      tpu.vector_store %arg7[%swap3A_255, %swap3A_256], %swap3A_259 {strides = array<i32>} : memref<2x784xi32, #tpu.memory_space<vmem>>, vector<1x16xi32>,
      %get3A_260 = arith.constant 0 : i32
      %get3A_261 = arith.index_cast %get3A_260 : i32 to index
      %get3A_262 = arith.constant 224 : index
      %get3A_263 = tpu.vector_load %arg6[%get3A_261, %get3A_262] {strides = array<i32>} : memref<2x784xi32, #tpu.memory_space<vmem>>, vector<1x16xi32>,
      %get3A_264 = vector.shape_cast %get3A_263 : vector<1x16xi32> to vector<16xi32>
      %mul3A_265 = arith.constant 125 : i32
      %mul3A_266 = vector.broadcast %mul3A_265 : i32 to vector<16xi32>
      %mul3A_267 = arith.muli %get3A_264, %mul3A_266 : vector<16xi32>
      %add3A_268 = vector.broadcast %add3A_32 : i32 to vector<16xi32>
      %add3A_269 = arith.addi %mul3A_267, %add3A_268 : vector<16xi32>
      %swap3A_270 = arith.constant 0 : i32
      %swap3A_271 = arith.index_cast %swap3A_270 : i32 to index
      %swap3A_272 = arith.constant 224 : index
      %swap3A_273 = tpu.vector_load %arg7[%swap3A_271, %swap3A_272] {strides = array<i32>} : memref<2x784xi32, #tpu.memory_space<vmem>>, vector<1x16xi32>,
      %swap3A_274 = vector.shape_cast %swap3A_273 : vector<1x16xi32> to vector<16xi32>
      %swap3A_275 = vector.shape_cast %add3A_269 : vector<16xi32> to vector<1x16xi32>
      tpu.vector_store %arg7[%swap3A_271, %swap3A_272], %swap3A_275 {strides = array<i32>} : memref<2x784xi32, #tpu.memory_space<vmem>>, vector<1x16xi32>,
      %get3A_276 = arith.constant 0 : i32
      %get3A_277 = arith.index_cast %get3A_276 : i32 to index
      %get3A_278 = arith.constant 240 : index
      %get3A_279 = tpu.vector_load %arg6[%get3A_277, %get3A_278] {strides = array<i32>} : memref<2x784xi32, #tpu.memory_space<vmem>>, vector<1x16xi32>,
      %get3A_280 = vector.shape_cast %get3A_279 : vector<1x16xi32> to vector<16xi32>
      %mul3A_281 = arith.constant 125 : i32
      %mul3A_282 = vector.broadcast %mul3A_281 : i32 to vector<16xi32>
      %mul3A_283 = arith.muli %get3A_280, %mul3A_282 : vector<16xi32>
      %add3A_284 = vector.broadcast %add3A_32 : i32 to vector<16xi32>
      %add3A_285 = arith.addi %mul3A_283, %add3A_284 : vector<16xi32>
      %swap3A_286 = arith.constant 0 : i32
      %swap3A_287 = arith.index_cast %swap3A_286 : i32 to index
      %swap3A_288 = arith.constant 240 : index
      %swap3A_289 = tpu.vector_load %arg7[%swap3A_287, %swap3A_288] {strides = array<i32>} : memref<2x784xi32, #tpu.memory_space<vmem>>, vector<1x16xi32>,
      %swap3A_290 = vector.shape_cast %swap3A_289 : vector<1x16xi32> to vector<16xi32>
      %swap3A_291 = vector.shape_cast %add3A_285 : vector<16xi32> to vector<1x16xi32>
      tpu.vector_store %arg7[%swap3A_287, %swap3A_288], %swap3A_291 {strides = array<i32>} : memref<2x784xi32, #tpu.memory_space<vmem>>, vector<1x16xi32>,
      %get3A_292 = arith.constant 0 : i32
      %get3A_293 = arith.index_cast %get3A_292 : i32 to index
      %get3A_294 = arith.constant 256 : index
      %get3A_295 = tpu.vector_load %arg6[%get3A_293, %get3A_294] {strides = array<i32>} : memref<2x784xi32, #tpu.memory_space<vmem>>, vector<1x16xi32>,
      %get3A_296 = vector.shape_cast %get3A_295 : vector<1x16xi32> to vector<16xi32>
      %mul3A_297 = arith.constant 125 : i32
      %mul3A_298 = vector.broadcast %mul3A_297 : i32 to vector<16xi32>
      %mul3A_299 = arith.muli %get3A_296, %mul3A_298 : vector<16xi32>
      %add3A_300 = vector.broadcast %add3A_32 : i32 to vector<16xi32>
      %add3A_301 = arith.addi %mul3A_299, %add3A_300 : vector<16xi32>
      %swap3A_302 = arith.constant 0 : i32
      %swap3A_303 = arith.index_cast %swap3A_302 : i32 to index
      %swap3A_304 = arith.constant 256 : index
      %swap3A_305 = tpu.vector_load %arg7[%swap3A_303, %swap3A_304] {strides = array<i32>} : memref<2x784xi32, #tpu.memory_space<vmem>>, vector<1x16xi32>,
      %swap3A_306 = vector.shape_cast %swap3A_305 : vector<1x16xi32> to vector<16xi32>
      %swap3A_307 = vector.shape_cast %add3A_301 : vector<16xi32> to vector<1x16xi32>
      tpu.vector_store %arg7[%swap3A_303, %swap3A_304], %swap3A_307 {strides = array<i32>} : memref<2x784xi32, #tpu.memory_space<vmem>>, vector<1x16xi32>,
      %get3A_308 = arith.constant 0 : i32
      %get3A_309 = arith.index_cast %get3A_308 : i32 to index
      %get3A_310 = arith.constant 272 : index
      %get3A_311 = tpu.vector_load %arg6[%get3A_309, %get3A_310] {strides = array<i32>} : memref<2x784xi32, #tpu.memory_space<vmem>>, vector<1x16xi32>,
      %get3A_312 = vector.shape_cast %get3A_311 : vector<1x16xi32> to vector<16xi32>
      %mul3A_313 = arith.constant 125 : i32
      %mul3A_314 = vector.broadcast %mul3A_313 : i32 to vector<16xi32>
      %mul3A_315 = arith.muli %get3A_312, %mul3A_314 : vector<16xi32>
      %add3A_316 = vector.broadcast %add3A_32 : i32 to vector<16xi32>
      %add3A_317 = arith.addi %mul3A_315, %add3A_316 : vector<16xi32>
      %swap3A_318 = arith.constant 0 : i32
      %swap3A_319 = arith.index_cast %swap3A_318 : i32 to index
      %swap3A_320 = arith.constant 272 : index
      %swap3A_321 = tpu.vector_load %arg7[%swap3A_319, %swap3A_320] {strides = array<i32>} : memref<2x784xi32, #tpu.memory_space<vmem>>, vector<1x16xi32>,
      %swap3A_322 = vector.shape_cast %swap3A_321 : vector<1x16xi32> to vector<16xi32>
      %swap3A_323 = vector.shape_cast %add3A_317 : vector<16xi32> to vector<1x16xi32>
      tpu.vector_store %arg7[%swap3A_319, %swap3A_320], %swap3A_323 {strides = array<i32>} : memref<2x784xi32, #tpu.memory_space<vmem>>, vector<1x16xi32>,
      %get3A_324 = arith.constant 0 : i32
      %get3A_325 = arith.index_cast %get3A_324 : i32 to index
      %get3A_326 = arith.constant 288 : index
      %get3A_327 = tpu.vector_load %arg6[%get3A_325, %get3A_326] {strides = array<i32>} : memref<2x784xi32, #tpu.memory_space<vmem>>, vector<1x16xi32>,
      %get3A_328 = vector.shape_cast %get3A_327 : vector<1x16xi32> to vector<16xi32>
      %mul3A_329 = arith.constant 125 : i32
      %mul3A_330 = vector.broadcast %mul3A_329 : i32 to vector<16xi32>
      %mul3A_331 = arith.muli %get3A_328, %mul3A_330 : vector<16xi32>
      %add3A_332 = vector.broadcast %add3A_32 : i32 to vector<16xi32>
      %add3A_333 = arith.addi %mul3A_331, %add3A_332 : vector<16xi32>
      %swap3A_334 = arith.constant 0 : i32
      %swap3A_335 = arith.index_cast %swap3A_334 : i32 to index
      %swap3A_336 = arith.constant 288 : index
      %swap3A_337 = tpu.vector_load %arg7[%swap3A_335, %swap3A_336] {strides = array<i32>} : memref<2x784xi32, #tpu.memory_space<vmem>>, vector<1x16xi32>,
      %swap3A_338 = vector.shape_cast %swap3A_337 : vector<1x16xi32> to vector<16xi32>
      %swap3A_339 = vector.shape_cast %add3A_333 : vector<16xi32> to vector<1x16xi32>
      tpu.vector_store %arg7[%swap3A_335, %swap3A_336], %swap3A_339 {strides = array<i32>} : memref<2x784xi32, #tpu.memory_space<vmem>>, vector<1x16xi32>,
      %get3A_340 = arith.constant 0 : i32
      %get3A_341 = arith.index_cast %get3A_340 : i32 to index
      %get3A_342 = arith.constant 304 : index
      %get3A_343 = tpu.vector_load %arg6[%get3A_341, %get3A_342] {strides = array<i32>} : memref<2x784xi32, #tpu.memory_space<vmem>>, vector<1x16xi32>,
      %get3A_344 = vector.shape_cast %get3A_343 : vector<1x16xi32> to vector<16xi32>
      %mul3A_345 = arith.constant 125 : i32
      %mul3A_346 = vector.broadcast %mul3A_345 : i32 to vector<16xi32>
      %mul3A_347 = arith.muli %get3A_344, %mul3A_346 : vector<16xi32>
      %add3A_348 = vector.broadcast %add3A_32 : i32 to vector<16xi32>
      %add3A_349 = arith.addi %mul3A_347, %add3A_348 : vector<16xi32>
      %swap3A_350 = arith.constant 0 : i32
      %swap3A_351 = arith.index_cast %swap3A_350 : i32 to index
      %swap3A_352 = arith.constant 304 : index
      %swap3A_353 = tpu.vector_load %arg7[%swap3A_351, %swap3A_352] {strides = array<i32>} : memref<2x784xi32, #tpu.memory_space<vmem>>, vector<1x16xi32>,
      %swap3A_354 = vector.shape_cast %swap3A_353 : vector<1x16xi32> to vector<16xi32>
      %swap3A_355 = vector.shape_cast %add3A_349 : vector<16xi32> to vector<1x16xi32>
      tpu.vector_store %arg7[%swap3A_351, %swap3A_352], %swap3A_355 {strides = array<i32>} : memref<2x784xi32, #tpu.memory_space<vmem>>, vector<1x16xi32>,
      %get3A_356 = arith.constant 0 : i32
      %get3A_357 = arith.index_cast %get3A_356 : i32 to index
      %get3A_358 = arith.constant 320 : index
      %get3A_359 = tpu.vector_load %arg6[%get3A_357, %get3A_358] {strides = array<i32>} : memref<2x784xi32, #tpu.memory_space<vmem>>, vector<1x16xi32>,
      %get3A_360 = vector.shape_cast %get3A_359 : vector<1x16xi32> to vector<16xi32>
      %mul3A_361 = arith.constant 125 : i32
      %mul3A_362 = vector.broadcast %mul3A_361 : i32 to vector<16xi32>
      %mul3A_363 = arith.muli %get3A_360, %mul3A_362 : vector<16xi32>
      %add3A_364 = vector.broadcast %add3A_32 : i32 to vector<16xi32>
      %add3A_365 = arith.addi %mul3A_363, %add3A_364 : vector<16xi32>
      %swap3A_366 = arith.constant 0 : i32
      %swap3A_367 = arith.index_cast %swap3A_366 : i32 to index
      %swap3A_368 = arith.constant 320 : index
      %swap3A_369 = tpu.vector_load %arg7[%swap3A_367, %swap3A_368] {strides = array<i32>} : memref<2x784xi32, #tpu.memory_space<vmem>>, vector<1x16xi32>,
      %swap3A_370 = vector.shape_cast %swap3A_369 : vector<1x16xi32> to vector<16xi32>
      %swap3A_371 = vector.shape_cast %add3A_365 : vector<16xi32> to vector<1x16xi32>
      tpu.vector_store %arg7[%swap3A_367, %swap3A_368], %swap3A_371 {strides = array<i32>} : memref<2x784xi32, #tpu.memory_space<vmem>>, vector<1x16xi32>,
      %get3A_372 = arith.constant 0 : i32
      %get3A_373 = arith.index_cast %get3A_372 : i32 to index
      %get3A_374 = arith.constant 336 : index
      %get3A_375 = tpu.vector_load %arg6[%get3A_373, %get3A_374] {strides = array<i32>} : memref<2x784xi32, #tpu.memory_space<vmem>>, vector<1x16xi32>,
      %get3A_376 = vector.shape_cast %get3A_375 : vector<1x16xi32> to vector<16xi32>
      %mul3A_377 = arith.constant 125 : i32
      %mul3A_378 = vector.broadcast %mul3A_377 : i32 to vector<16xi32>
      %mul3A_379 = arith.muli %get3A_376, %mul3A_378 : vector<16xi32>
      %add3A_380 = vector.broadcast %add3A_32 : i32 to vector<16xi32>
      %add3A_381 = arith.addi %mul3A_379, %add3A_380 : vector<16xi32>
      %swap3A_382 = arith.constant 0 : i32
      %swap3A_383 = arith.index_cast %swap3A_382 : i32 to index
      %swap3A_384 = arith.constant 336 : index
      %swap3A_385 = tpu.vector_load %arg7[%swap3A_383, %swap3A_384] {strides = array<i32>} : memref<2x784xi32, #tpu.memory_space<vmem>>, vector<1x16xi32>,
      %swap3A_386 = vector.shape_cast %swap3A_385 : vector<1x16xi32> to vector<16xi32>
      %swap3A_387 = vector.shape_cast %add3A_381 : vector<16xi32> to vector<1x16xi32>
      tpu.vector_store %arg7[%swap3A_383, %swap3A_384], %swap3A_387 {strides = array<i32>} : memref<2x784xi32, #tpu.memory_space<vmem>>, vector<1x16xi32>,
      %get3A_388 = arith.constant 0 : i32
      %get3A_389 = arith.index_cast %get3A_388 : i32 to index
      %get3A_390 = arith.constant 352 : index
      %get3A_391 = tpu.vector_load %arg6[%get3A_389, %get3A_390] {strides = array<i32>} : memref<2x784xi32, #tpu.memory_space<vmem>>, vector<1x16xi32>,
      %get3A_392 = vector.shape_cast %get3A_391 : vector<1x16xi32> to vector<16xi32>
      %mul3A_393 = arith.constant 125 : i32
      %mul3A_394 = vector.broadcast %mul3A_393 : i32 to vector<16xi32>
      %mul3A_395 = arith.muli %get3A_392, %mul3A_394 : vector<16xi32>
      %add3A_396 = vector.broadcast %add3A_32 : i32 to vector<16xi32>
      %add3A_397 = arith.addi %mul3A_395, %add3A_396 : vector<16xi32>
      %swap3A_398 = arith.constant 0 : i32
      %swap3A_399 = arith.index_cast %swap3A_398 : i32 to index
      %swap3A_400 = arith.constant 352 : index
      %swap3A_401 = tpu.vector_load %arg7[%swap3A_399, %swap3A_400] {strides = array<i32>} : memref<2x784xi32, #tpu.memory_space<vmem>>, vector<1x16xi32>,
      %swap3A_402 = vector.shape_cast %swap3A_401 : vector<1x16xi32> to vector<16xi32>
      %swap3A_403 = vector.shape_cast %add3A_397 : vector<16xi32> to vector<1x16xi32>
      tpu.vector_store %arg7[%swap3A_399, %swap3A_400], %swap3A_403 {strides = array<i32>} : memref<2x784xi32, #tpu.memory_space<vmem>>, vector<1x16xi32>,
      %get3A_404 = arith.constant 0 : i32
      %get3A_405 = arith.index_cast %get3A_404 : i32 to index
      %get3A_406 = arith.constant 368 : index
      %get3A_407 = tpu.vector_load %arg6[%get3A_405, %get3A_406] {strides = array<i32>} : memref<2x784xi32, #tpu.memory_space<vmem>>, vector<1x16xi32>,
      %get3A_408 = vector.shape_cast %get3A_407 : vector<1x16xi32> to vector<16xi32>
      %mul3A_409 = arith.constant 125 : i32
      %mul3A_410 = vector.broadcast %mul3A_409 : i32 to vector<16xi32>
      %mul3A_411 = arith.muli %get3A_408, %mul3A_410 : vector<16xi32>
      %add3A_412 = vector.broadcast %add3A_32 : i32 to vector<16xi32>
      %add3A_413 = arith.addi %mul3A_411, %add3A_412 : vector<16xi32>
      %swap3A_414 = arith.constant 0 : i32
      %swap3A_415 = arith.index_cast %swap3A_414 : i32 to index
      %swap3A_416 = arith.constant 368 : index
      %swap3A_417 = tpu.vector_load %arg7[%swap3A_415, %swap3A_416] {strides = array<i32>} : memref<2x784xi32, #tpu.memory_space<vmem>>, vector<1x16xi32>,
      %swap3A_418 = vector.shape_cast %swap3A_417 : vector<1x16xi32> to vector<16xi32>
      %swap3A_419 = vector.shape_cast %add3A_413 : vector<16xi32> to vector<1x16xi32>
      tpu.vector_store %arg7[%swap3A_415, %swap3A_416], %swap3A_419 {strides = array<i32>} : memref<2x784xi32, #tpu.memory_space<vmem>>, vector<1x16xi32>,
      %get3A_420 = arith.constant 0 : i32
      %get3A_421 = arith.index_cast %get3A_420 : i32 to index
      %get3A_422 = arith.constant 384 : index
      %get3A_423 = tpu.vector_load %arg6[%get3A_421, %get3A_422] {strides = array<i32>} : memref<2x784xi32, #tpu.memory_space<vmem>>, vector<1x16xi32>,
      %get3A_424 = vector.shape_cast %get3A_423 : vector<1x16xi32> to vector<16xi32>
      %mul3A_425 = arith.constant 125 : i32
      %mul3A_426 = vector.broadcast %mul3A_425 : i32 to vector<16xi32>
      %mul3A_427 = arith.muli %get3A_424, %mul3A_426 : vector<16xi32>
      %add3A_428 = vector.broadcast %add3A_32 : i32 to vector<16xi32>
      %add3A_429 = arith.addi %mul3A_427, %add3A_428 : vector<16xi32>
      %swap3A_430 = arith.constant 0 : i32
      %swap3A_431 = arith.index_cast %swap3A_430 : i32 to index
      %swap3A_432 = arith.constant 384 : index
      %swap3A_433 = tpu.vector_load %arg7[%swap3A_431, %swap3A_432] {strides = array<i32>} : memref<2x784xi32, #tpu.memory_space<vmem>>, vector<1x16xi32>,
      %swap3A_434 = vector.shape_cast %swap3A_433 : vector<1x16xi32> to vector<16xi32>
      %swap3A_435 = vector.shape_cast %add3A_429 : vector<16xi32> to vector<1x16xi32>
      tpu.vector_store %arg7[%swap3A_431, %swap3A_432], %swap3A_435 {strides = array<i32>} : memref<2x784xi32, #tpu.memory_space<vmem>>, vector<1x16xi32>,
      %get3A_436 = arith.constant 0 : i32
      %get3A_437 = arith.index_cast %get3A_436 : i32 to index
      %get3A_438 = arith.constant 400 : index
      %get3A_439 = tpu.vector_load %arg6[%get3A_437, %get3A_438] {strides = array<i32>} : memref<2x784xi32, #tpu.memory_space<vmem>>, vector<1x16xi32>,
      %get3A_440 = vector.shape_cast %get3A_439 : vector<1x16xi32> to vector<16xi32>
      %mul3A_441 = arith.constant 125 : i32
      %mul3A_442 = vector.broadcast %mul3A_441 : i32 to vector<16xi32>
      %mul3A_443 = arith.muli %get3A_440, %mul3A_442 : vector<16xi32>
      %add3A_444 = vector.broadcast %add3A_32 : i32 to vector<16xi32>
      %add3A_445 = arith.addi %mul3A_443, %add3A_444 : vector<16xi32>
      %swap3A_446 = arith.constant 0 : i32
      %swap3A_447 = arith.index_cast %swap3A_446 : i32 to index
      %swap3A_448 = arith.constant 400 : index
      %swap3A_449 = tpu.vector_load %arg7[%swap3A_447, %swap3A_448] {strides = array<i32>} : memref<2x784xi32, #tpu.memory_space<vmem>>, vector<1x16xi32>,
      %swap3A_450 = vector.shape_cast %swap3A_449 : vector<1x16xi32> to vector<16xi32>
      %swap3A_451 = vector.shape_cast %add3A_445 : vector<16xi32> to vector<1x16xi32>
      tpu.vector_store %arg7[%swap3A_447, %swap3A_448], %swap3A_451 {strides = array<i32>} : memref<2x784xi32, #tpu.memory_space<vmem>>, vector<1x16xi32>,
      %get3A_452 = arith.constant 0 : i32
      %get3A_453 = arith.index_cast %get3A_452 : i32 to index
      %get3A_454 = arith.constant 416 : index
      %get3A_455 = tpu.vector_load %arg6[%get3A_453, %get3A_454] {strides = array<i32>} : memref<2x784xi32, #tpu.memory_space<vmem>>, vector<1x16xi32>,
      %get3A_456 = vector.shape_cast %get3A_455 : vector<1x16xi32> to vector<16xi32>
      %mul3A_457 = arith.constant 125 : i32
      %mul3A_458 = vector.broadcast %mul3A_457 : i32 to vector<16xi32>
      %mul3A_459 = arith.muli %get3A_456, %mul3A_458 : vector<16xi32>
      %add3A_460 = vector.broadcast %add3A_32 : i32 to vector<16xi32>
      %add3A_461 = arith.addi %mul3A_459, %add3A_460 : vector<16xi32>
      %swap3A_462 = arith.constant 0 : i32
      %swap3A_463 = arith.index_cast %swap3A_462 : i32 to index
      %swap3A_464 = arith.constant 416 : index
      %swap3A_465 = tpu.vector_load %arg7[%swap3A_463, %swap3A_464] {strides = array<i32>} : memref<2x784xi32, #tpu.memory_space<vmem>>, vector<1x16xi32>,
      %swap3A_466 = vector.shape_cast %swap3A_465 : vector<1x16xi32> to vector<16xi32>
      %swap3A_467 = vector.shape_cast %add3A_461 : vector<16xi32> to vector<1x16xi32>
      tpu.vector_store %arg7[%swap3A_463, %swap3A_464], %swap3A_467 {strides = array<i32>} : memref<2x784xi32, #tpu.memory_space<vmem>>, vector<1x16xi32>,
      %get3A_468 = arith.constant 0 : i32
      %get3A_469 = arith.index_cast %get3A_468 : i32 to index
      %get3A_470 = arith.constant 432 : index
      %get3A_471 = tpu.vector_load %arg6[%get3A_469, %get3A_470] {strides = array<i32>} : memref<2x784xi32, #tpu.memory_space<vmem>>, vector<1x16xi32>,
      %get3A_472 = vector.shape_cast %get3A_471 : vector<1x16xi32> to vector<16xi32>
      %mul3A_473 = arith.constant 125 : i32
      %mul3A_474 = vector.broadcast %mul3A_473 : i32 to vector<16xi32>
      %mul3A_475 = arith.muli %get3A_472, %mul3A_474 : vector<16xi32>
      %add3A_476 = vector.broadcast %add3A_32 : i32 to vector<16xi32>
      %add3A_477 = arith.addi %mul3A_475, %add3A_476 : vector<16xi32>
      %swap3A_478 = arith.constant 0 : i32
      %swap3A_479 = arith.index_cast %swap3A_478 : i32 to index
      %swap3A_480 = arith.constant 432 : index
      %swap3A_481 = tpu.vector_load %arg7[%swap3A_479, %swap3A_480] {strides = array<i32>} : memref<2x784xi32, #tpu.memory_space<vmem>>, vector<1x16xi32>,
      %swap3A_482 = vector.shape_cast %swap3A_481 : vector<1x16xi32> to vector<16xi32>
      %swap3A_483 = vector.shape_cast %add3A_477 : vector<16xi32> to vector<1x16xi32>
      tpu.vector_store %arg7[%swap3A_479, %swap3A_480], %swap3A_483 {strides = array<i32>} : memref<2x784xi32, #tpu.memory_space<vmem>>, vector<1x16xi32>,
      %get3A_484 = arith.constant 0 : i32
      %get3A_485 = arith.index_cast %get3A_484 : i32 to index
      %get3A_486 = arith.constant 448 : index
      %get3A_487 = tpu.vector_load %arg6[%get3A_485, %get3A_486] {strides = array<i32>} : memref<2x784xi32, #tpu.memory_space<vmem>>, vector<1x16xi32>,
      %get3A_488 = vector.shape_cast %get3A_487 : vector<1x16xi32> to vector<16xi32>
      %mul3A_489 = arith.constant 125 : i32
      %mul3A_490 = vector.broadcast %mul3A_489 : i32 to vector<16xi32>
      %mul3A_491 = arith.muli %get3A_488, %mul3A_490 : vector<16xi32>
      %add3A_492 = vector.broadcast %add3A_32 : i32 to vector<16xi32>
      %add3A_493 = arith.addi %mul3A_491, %add3A_492 : vector<16xi32>
      %swap3A_494 = arith.constant 0 : i32
      %swap3A_495 = arith.index_cast %swap3A_494 : i32 to index
      %swap3A_496 = arith.constant 448 : index
      %swap3A_497 = tpu.vector_load %arg7[%swap3A_495, %swap3A_496] {strides = array<i32>} : memref<2x784xi32, #tpu.memory_space<vmem>>, vector<1x16xi32>,
      %swap3A_498 = vector.shape_cast %swap3A_497 : vector<1x16xi32> to vector<16xi32>
      %swap3A_499 = vector.shape_cast %add3A_493 : vector<16xi32> to vector<1x16xi32>
      tpu.vector_store %arg7[%swap3A_495, %swap3A_496], %swap3A_499 {strides = array<i32>} : memref<2x784xi32, #tpu.memory_space<vmem>>, vector<1x16xi32>,
      %get3A_500 = arith.constant 0 : i32
      %get3A_501 = arith.index_cast %get3A_500 : i32 to index
      %get3A_502 = arith.constant 464 : index
      %get3A_503 = tpu.vector_load %arg6[%get3A_501, %get3A_502] {strides = array<i32>} : memref<2x784xi32, #tpu.memory_space<vmem>>, vector<1x16xi32>,
      %get3A_504 = vector.shape_cast %get3A_503 : vector<1x16xi32> to vector<16xi32>
      %mul3A_505 = arith.constant 125 : i32
      %mul3A_506 = vector.broadcast %mul3A_505 : i32 to vector<16xi32>
      %mul3A_507 = arith.muli %get3A_504, %mul3A_506 : vector<16xi32>
      %add3A_508 = vector.broadcast %add3A_32 : i32 to vector<16xi32>
      %add3A_509 = arith.addi %mul3A_507, %add3A_508 : vector<16xi32>
      %swap3A_510 = arith.constant 0 : i32
      %swap3A_511 = arith.index_cast %swap3A_510 : i32 to index
      %swap3A_512 = arith.constant 464 : index
      %swap3A_513 = tpu.vector_load %arg7[%swap3A_511, %swap3A_512] {strides = array<i32>} : memref<2x784xi32, #tpu.memory_space<vmem>>, vector<1x16xi32>,
      %swap3A_514 = vector.shape_cast %swap3A_513 : vector<1x16xi32> to vector<16xi32>
      %swap3A_515 = vector.shape_cast %add3A_509 : vector<16xi32> to vector<1x16xi32>
      tpu.vector_store %arg7[%swap3A_511, %swap3A_512], %swap3A_515 {strides = array<i32>} : memref<2x784xi32, #tpu.memory_space<vmem>>, vector<1x16xi32>,
      %get3A_516 = arith.constant 0 : i32
      %get3A_517 = arith.index_cast %get3A_516 : i32 to index
      %get3A_518 = arith.constant 480 : index
      %get3A_519 = tpu.vector_load %arg6[%get3A_517, %get3A_518] {strides = array<i32>} : memref<2x784xi32, #tpu.memory_space<vmem>>, vector<1x16xi32>,
      %get3A_520 = vector.shape_cast %get3A_519 : vector<1x16xi32> to vector<16xi32>
      %mul3A_521 = arith.constant 125 : i32
      %mul3A_522 = vector.broadcast %mul3A_521 : i32 to vector<16xi32>
      %mul3A_523 = arith.muli %get3A_520, %mul3A_522 : vector<16xi32>
      %add3A_524 = vector.broadcast %add3A_32 : i32 to vector<16xi32>
      %add3A_525 = arith.addi %mul3A_523, %add3A_524 : vector<16xi32>
      %swap3A_526 = arith.constant 0 : i32
      %swap3A_527 = arith.index_cast %swap3A_526 : i32 to index
      %swap3A_528 = arith.constant 480 : index
      %swap3A_529 = tpu.vector_load %arg7[%swap3A_527, %swap3A_528] {strides = array<i32>} : memref<2x784xi32, #tpu.memory_space<vmem>>, vector<1x16xi32>,
      %swap3A_530 = vector.shape_cast %swap3A_529 : vector<1x16xi32> to vector<16xi32>
      %swap3A_531 = vector.shape_cast %add3A_525 : vector<16xi32> to vector<1x16xi32>
      tpu.vector_store %arg7[%swap3A_527, %swap3A_528], %swap3A_531 {strides = array<i32>} : memref<2x784xi32, #tpu.memory_space<vmem>>, vector<1x16xi32>,
      %get3A_532 = arith.constant 0 : i32
      %get3A_533 = arith.index_cast %get3A_532 : i32 to index
      %get3A_534 = arith.constant 496 : index
      %get3A_535 = tpu.vector_load %arg6[%get3A_533, %get3A_534] {strides = array<i32>} : memref<2x784xi32, #tpu.memory_space<vmem>>, vector<1x16xi32>,
      %get3A_536 = vector.shape_cast %get3A_535 : vector<1x16xi32> to vector<16xi32>
      %mul3A_537 = arith.constant 125 : i32
      %mul3A_538 = vector.broadcast %mul3A_537 : i32 to vector<16xi32>
      %mul3A_539 = arith.muli %get3A_536, %mul3A_538 : vector<16xi32>
      %add3A_540 = vector.broadcast %add3A_32 : i32 to vector<16xi32>
      %add3A_541 = arith.addi %mul3A_539, %add3A_540 : vector<16xi32>
      %swap3A_542 = arith.constant 0 : i32
      %swap3A_543 = arith.index_cast %swap3A_542 : i32 to index
      %swap3A_544 = arith.constant 496 : index
      %swap3A_545 = tpu.vector_load %arg7[%swap3A_543, %swap3A_544] {strides = array<i32>} : memref<2x784xi32, #tpu.memory_space<vmem>>, vector<1x16xi32>,
      %swap3A_546 = vector.shape_cast %swap3A_545 : vector<1x16xi32> to vector<16xi32>
      %swap3A_547 = vector.shape_cast %add3A_541 : vector<16xi32> to vector<1x16xi32>
      tpu.vector_store %arg7[%swap3A_543, %swap3A_544], %swap3A_547 {strides = array<i32>} : memref<2x784xi32, #tpu.memory_space<vmem>>, vector<1x16xi32>,
      %get3A_548 = arith.constant 0 : i32
      %get3A_549 = arith.index_cast %get3A_548 : i32 to index
      %get3A_550 = arith.constant 512 : index
      %get3A_551 = tpu.vector_load %arg6[%get3A_549, %get3A_550] {strides = array<i32>} : memref<2x784xi32, #tpu.memory_space<vmem>>, vector<1x16xi32>,
      %get3A_552 = vector.shape_cast %get3A_551 : vector<1x16xi32> to vector<16xi32>
      %mul3A_553 = arith.constant 125 : i32
      %mul3A_554 = vector.broadcast %mul3A_553 : i32 to vector<16xi32>
      %mul3A_555 = arith.muli %get3A_552, %mul3A_554 : vector<16xi32>
      %add3A_556 = vector.broadcast %add3A_32 : i32 to vector<16xi32>
      %add3A_557 = arith.addi %mul3A_555, %add3A_556 : vector<16xi32>
      %swap3A_558 = arith.constant 0 : i32
      %swap3A_559 = arith.index_cast %swap3A_558 : i32 to index
      %swap3A_560 = arith.constant 512 : index
      %swap3A_561 = tpu.vector_load %arg7[%swap3A_559, %swap3A_560] {strides = array<i32>} : memref<2x784xi32, #tpu.memory_space<vmem>>, vector<1x16xi32>,
      %swap3A_562 = vector.shape_cast %swap3A_561 : vector<1x16xi32> to vector<16xi32>
      %swap3A_563 = vector.shape_cast %add3A_557 : vector<16xi32> to vector<1x16xi32>
      tpu.vector_store %arg7[%swap3A_559, %swap3A_560], %swap3A_563 {strides = array<i32>} : memref<2x784xi32, #tpu.memory_space<vmem>>, vector<1x16xi32>,
      %get3A_564 = arith.constant 0 : i32
      %get3A_565 = arith.index_cast %get3A_564 : i32 to index
      %get3A_566 = arith.constant 528 : index
      %get3A_567 = tpu.vector_load %arg6[%get3A_565, %get3A_566] {strides = array<i32>} : memref<2x784xi32, #tpu.memory_space<vmem>>, vector<1x16xi32>,
      %get3A_568 = vector.shape_cast %get3A_567 : vector<1x16xi32> to vector<16xi32>
      %mul3A_569 = arith.constant 125 : i32
      %mul3A_570 = vector.broadcast %mul3A_569 : i32 to vector<16xi32>
      %mul3A_571 = arith.muli %get3A_568, %mul3A_570 : vector<16xi32>
      %add3A_572 = vector.broadcast %add3A_32 : i32 to vector<16xi32>
      %add3A_573 = arith.addi %mul3A_571, %add3A_572 : vector<16xi32>
      %swap3A_574 = arith.constant 0 : i32
      %swap3A_575 = arith.index_cast %swap3A_574 : i32 to index
      %swap3A_576 = arith.constant 528 : index
      %swap3A_577 = tpu.vector_load %arg7[%swap3A_575, %swap3A_576] {strides = array<i32>} : memref<2x784xi32, #tpu.memory_space<vmem>>, vector<1x16xi32>,
      %swap3A_578 = vector.shape_cast %swap3A_577 : vector<1x16xi32> to vector<16xi32>
      %swap3A_579 = vector.shape_cast %add3A_573 : vector<16xi32> to vector<1x16xi32>
      tpu.vector_store %arg7[%swap3A_575, %swap3A_576], %swap3A_579 {strides = array<i32>} : memref<2x784xi32, #tpu.memory_space<vmem>>, vector<1x16xi32>,
      %get3A_580 = arith.constant 0 : i32
      %get3A_581 = arith.index_cast %get3A_580 : i32 to index
      %get3A_582 = arith.constant 544 : index
      %get3A_583 = tpu.vector_load %arg6[%get3A_581, %get3A_582] {strides = array<i32>} : memref<2x784xi32, #tpu.memory_space<vmem>>, vector<1x16xi32>,
      %get3A_584 = vector.shape_cast %get3A_583 : vector<1x16xi32> to vector<16xi32>
      %mul3A_585 = arith.constant 125 : i32
      %mul3A_586 = vector.broadcast %mul3A_585 : i32 to vector<16xi32>
      %mul3A_587 = arith.muli %get3A_584, %mul3A_586 : vector<16xi32>
      %add3A_588 = vector.broadcast %add3A_32 : i32 to vector<16xi32>
      %add3A_589 = arith.addi %mul3A_587, %add3A_588 : vector<16xi32>
      %swap3A_590 = arith.constant 0 : i32
      %swap3A_591 = arith.index_cast %swap3A_590 : i32 to index
      %swap3A_592 = arith.constant 544 : index
      %swap3A_593 = tpu.vector_load %arg7[%swap3A_591, %swap3A_592] {strides = array<i32>} : memref<2x784xi32, #tpu.memory_space<vmem>>, vector<1x16xi32>,
      %swap3A_594 = vector.shape_cast %swap3A_593 : vector<1x16xi32> to vector<16xi32>
      %swap3A_595 = vector.shape_cast %add3A_589 : vector<16xi32> to vector<1x16xi32>
      tpu.vector_store %arg7[%swap3A_591, %swap3A_592], %swap3A_595 {strides = array<i32>} : memref<2x784xi32, #tpu.memory_space<vmem>>, vector<1x16xi32>,
      %get3A_596 = arith.constant 0 : i32
      %get3A_597 = arith.index_cast %get3A_596 : i32 to index
      %get3A_598 = arith.constant 560 : index
      %get3A_599 = tpu.vector_load %arg6[%get3A_597, %get3A_598] {strides = array<i32>} : memref<2x784xi32, #tpu.memory_space<vmem>>, vector<1x16xi32>,
      %get3A_600 = vector.shape_cast %get3A_599 : vector<1x16xi32> to vector<16xi32>
      %mul3A_601 = arith.constant 125 : i32
      %mul3A_602 = vector.broadcast %mul3A_601 : i32 to vector<16xi32>
      %mul3A_603 = arith.muli %get3A_600, %mul3A_602 : vector<16xi32>
      %add3A_604 = vector.broadcast %add3A_32 : i32 to vector<16xi32>
      %add3A_605 = arith.addi %mul3A_603, %add3A_604 : vector<16xi32>
      %swap3A_606 = arith.constant 0 : i32
      %swap3A_607 = arith.index_cast %swap3A_606 : i32 to index
      %swap3A_608 = arith.constant 560 : index
      %swap3A_609 = tpu.vector_load %arg7[%swap3A_607, %swap3A_608] {strides = array<i32>} : memref<2x784xi32, #tpu.memory_space<vmem>>, vector<1x16xi32>,
      %swap3A_610 = vector.shape_cast %swap3A_609 : vector<1x16xi32> to vector<16xi32>
      %swap3A_611 = vector.shape_cast %add3A_605 : vector<16xi32> to vector<1x16xi32>
      tpu.vector_store %arg7[%swap3A_607, %swap3A_608], %swap3A_611 {strides = array<i32>} : memref<2x784xi32, #tpu.memory_space<vmem>>, vector<1x16xi32>,
      %get3A_612 = arith.constant 0 : i32
      %get3A_613 = arith.index_cast %get3A_612 : i32 to index
      %get3A_614 = arith.constant 576 : index
      %get3A_615 = tpu.vector_load %arg6[%get3A_613, %get3A_614] {strides = array<i32>} : memref<2x784xi32, #tpu.memory_space<vmem>>, vector<1x16xi32>,
      %get3A_616 = vector.shape_cast %get3A_615 : vector<1x16xi32> to vector<16xi32>
      %mul3A_617 = arith.constant 125 : i32
      %mul3A_618 = vector.broadcast %mul3A_617 : i32 to vector<16xi32>
      %mul3A_619 = arith.muli %get3A_616, %mul3A_618 : vector<16xi32>
      %add3A_620 = vector.broadcast %add3A_32 : i32 to vector<16xi32>
      %add3A_621 = arith.addi %mul3A_619, %add3A_620 : vector<16xi32>
      %swap3A_622 = arith.constant 0 : i32
      %swap3A_623 = arith.index_cast %swap3A_622 : i32 to index
      %swap3A_624 = arith.constant 576 : index
      %swap3A_625 = tpu.vector_load %arg7[%swap3A_623, %swap3A_624] {strides = array<i32>} : memref<2x784xi32, #tpu.memory_space<vmem>>, vector<1x16xi32>,
      %swap3A_626 = vector.shape_cast %swap3A_625 : vector<1x16xi32> to vector<16xi32>
      %swap3A_627 = vector.shape_cast %add3A_621 : vector<16xi32> to vector<1x16xi32>
      tpu.vector_store %arg7[%swap3A_623, %swap3A_624], %swap3A_627 {strides = array<i32>} : memref<2x784xi32, #tpu.memory_space<vmem>>, vector<1x16xi32>,
      %get3A_628 = arith.constant 0 : i32
      %get3A_629 = arith.index_cast %get3A_628 : i32 to index
      %get3A_630 = arith.constant 592 : index
      %get3A_631 = tpu.vector_load %arg6[%get3A_629, %get3A_630] {strides = array<i32>} : memref<2x784xi32, #tpu.memory_space<vmem>>, vector<1x16xi32>,
      %get3A_632 = vector.shape_cast %get3A_631 : vector<1x16xi32> to vector<16xi32>
      %mul3A_633 = arith.constant 125 : i32
      %mul3A_634 = vector.broadcast %mul3A_633 : i32 to vector<16xi32>
      %mul3A_635 = arith.muli %get3A_632, %mul3A_634 : vector<16xi32>
      %add3A_636 = vector.broadcast %add3A_32 : i32 to vector<16xi32>
      %add3A_637 = arith.addi %mul3A_635, %add3A_636 : vector<16xi32>
      %swap3A_638 = arith.constant 0 : i32
      %swap3A_639 = arith.index_cast %swap3A_638 : i32 to index
      %swap3A_640 = arith.constant 592 : index
      %swap3A_641 = tpu.vector_load %arg7[%swap3A_639, %swap3A_640] {strides = array<i32>} : memref<2x784xi32, #tpu.memory_space<vmem>>, vector<1x16xi32>,
      %swap3A_642 = vector.shape_cast %swap3A_641 : vector<1x16xi32> to vector<16xi32>
      %swap3A_643 = vector.shape_cast %add3A_637 : vector<16xi32> to vector<1x16xi32>
      tpu.vector_store %arg7[%swap3A_639, %swap3A_640], %swap3A_643 {strides = array<i32>} : memref<2x784xi32, #tpu.memory_space<vmem>>, vector<1x16xi32>,
      %get3A_644 = arith.constant 0 : i32
      %get3A_645 = arith.index_cast %get3A_644 : i32 to index
      %get3A_646 = arith.constant 608 : index
      %get3A_647 = tpu.vector_load %arg6[%get3A_645, %get3A_646] {strides = array<i32>} : memref<2x784xi32, #tpu.memory_space<vmem>>, vector<1x16xi32>,
      %get3A_648 = vector.shape_cast %get3A_647 : vector<1x16xi32> to vector<16xi32>
      %mul3A_649 = arith.constant 125 : i32
      %mul3A_650 = vector.broadcast %mul3A_649 : i32 to vector<16xi32>
      %mul3A_651 = arith.muli %get3A_648, %mul3A_650 : vector<16xi32>
      %add3A_652 = vector.broadcast %add3A_32 : i32 to vector<16xi32>
      %add3A_653 = arith.addi %mul3A_651, %add3A_652 : vector<16xi32>
      %swap3A_654 = arith.constant 0 : i32
      %swap3A_655 = arith.index_cast %swap3A_654 : i32 to index
      %swap3A_656 = arith.constant 608 : index
      %swap3A_657 = tpu.vector_load %arg7[%swap3A_655, %swap3A_656] {strides = array<i32>} : memref<2x784xi32, #tpu.memory_space<vmem>>, vector<1x16xi32>,
      %swap3A_658 = vector.shape_cast %swap3A_657 : vector<1x16xi32> to vector<16xi32>
      %swap3A_659 = vector.shape_cast %add3A_653 : vector<16xi32> to vector<1x16xi32>
      tpu.vector_store %arg7[%swap3A_655, %swap3A_656], %swap3A_659 {strides = array<i32>} : memref<2x784xi32, #tpu.memory_space<vmem>>, vector<1x16xi32>,
      %get3A_660 = arith.constant 0 : i32
      %get3A_661 = arith.index_cast %get3A_660 : i32 to index
      %get3A_662 = arith.constant 624 : index
      %get3A_663 = tpu.vector_load %arg6[%get3A_661, %get3A_662] {strides = array<i32>} : memref<2x784xi32, #tpu.memory_space<vmem>>, vector<1x16xi32>,
      %get3A_664 = vector.shape_cast %get3A_663 : vector<1x16xi32> to vector<16xi32>
      %mul3A_665 = arith.constant 125 : i32
      %mul3A_666 = vector.broadcast %mul3A_665 : i32 to vector<16xi32>
      %mul3A_667 = arith.muli %get3A_664, %mul3A_666 : vector<16xi32>
      %add3A_668 = vector.broadcast %add3A_32 : i32 to vector<16xi32>
      %add3A_669 = arith.addi %mul3A_667, %add3A_668 : vector<16xi32>
      %swap3A_670 = arith.constant 0 : i32
      %swap3A_671 = arith.index_cast %swap3A_670 : i32 to index
      %swap3A_672 = arith.constant 624 : index
      %swap3A_673 = tpu.vector_load %arg7[%swap3A_671, %swap3A_672] {strides = array<i32>} : memref<2x784xi32, #tpu.memory_space<vmem>>, vector<1x16xi32>,
      %swap3A_674 = vector.shape_cast %swap3A_673 : vector<1x16xi32> to vector<16xi32>
      %swap3A_675 = vector.shape_cast %add3A_669 : vector<16xi32> to vector<1x16xi32>
      tpu.vector_store %arg7[%swap3A_671, %swap3A_672], %swap3A_675 {strides = array<i32>} : memref<2x784xi32, #tpu.memory_space<vmem>>, vector<1x16xi32>,
      %get3A_676 = arith.constant 0 : i32
      %get3A_677 = arith.index_cast %get3A_676 : i32 to index
      %get3A_678 = arith.constant 640 : index
      %get3A_679 = tpu.vector_load %arg6[%get3A_677, %get3A_678] {strides = array<i32>} : memref<2x784xi32, #tpu.memory_space<vmem>>, vector<1x16xi32>,
      %get3A_680 = vector.shape_cast %get3A_679 : vector<1x16xi32> to vector<16xi32>
      %mul3A_681 = arith.constant 125 : i32
      %mul3A_682 = vector.broadcast %mul3A_681 : i32 to vector<16xi32>
      %mul3A_683 = arith.muli %get3A_680, %mul3A_682 : vector<16xi32>
      %add3A_684 = vector.broadcast %add3A_32 : i32 to vector<16xi32>
      %add3A_685 = arith.addi %mul3A_683, %add3A_684 : vector<16xi32>
      %swap3A_686 = arith.constant 0 : i32
      %swap3A_687 = arith.index_cast %swap3A_686 : i32 to index
      %swap3A_688 = arith.constant 640 : index
      %swap3A_689 = tpu.vector_load %arg7[%swap3A_687, %swap3A_688] {strides = array<i32>} : memref<2x784xi32, #tpu.memory_space<vmem>>, vector<1x16xi32>,
      %swap3A_690 = vector.shape_cast %swap3A_689 : vector<1x16xi32> to vector<16xi32>
      %swap3A_691 = vector.shape_cast %add3A_685 : vector<16xi32> to vector<1x16xi32>
      tpu.vector_store %arg7[%swap3A_687, %swap3A_688], %swap3A_691 {strides = array<i32>} : memref<2x784xi32, #tpu.memory_space<vmem>>, vector<1x16xi32>,
      %get3A_692 = arith.constant 0 : i32
      %get3A_693 = arith.index_cast %get3A_692 : i32 to index
      %get3A_694 = arith.constant 656 : index
      %get3A_695 = tpu.vector_load %arg6[%get3A_693, %get3A_694] {strides = array<i32>} : memref<2x784xi32, #tpu.memory_space<vmem>>, vector<1x16xi32>,
      %get3A_696 = vector.shape_cast %get3A_695 : vector<1x16xi32> to vector<16xi32>
      %mul3A_697 = arith.constant 125 : i32
      %mul3A_698 = vector.broadcast %mul3A_697 : i32 to vector<16xi32>
      %mul3A_699 = arith.muli %get3A_696, %mul3A_698 : vector<16xi32>
      %add3A_700 = vector.broadcast %add3A_32 : i32 to vector<16xi32>
      %add3A_701 = arith.addi %mul3A_699, %add3A_700 : vector<16xi32>
      %swap3A_702 = arith.constant 0 : i32
      %swap3A_703 = arith.index_cast %swap3A_702 : i32 to index
      %swap3A_704 = arith.constant 656 : index
      %swap3A_705 = tpu.vector_load %arg7[%swap3A_703, %swap3A_704] {strides = array<i32>} : memref<2x784xi32, #tpu.memory_space<vmem>>, vector<1x16xi32>,
      %swap3A_706 = vector.shape_cast %swap3A_705 : vector<1x16xi32> to vector<16xi32>
      %swap3A_707 = vector.shape_cast %add3A_701 : vector<16xi32> to vector<1x16xi32>
      tpu.vector_store %arg7[%swap3A_703, %swap3A_704], %swap3A_707 {strides = array<i32>} : memref<2x784xi32, #tpu.memory_space<vmem>>, vector<1x16xi32>,
      %get3A_708 = arith.constant 0 : i32
      %get3A_709 = arith.index_cast %get3A_708 : i32 to index
      %get3A_710 = arith.constant 672 : index
      %get3A_711 = tpu.vector_load %arg6[%get3A_709, %get3A_710] {strides = array<i32>} : memref<2x784xi32, #tpu.memory_space<vmem>>, vector<1x16xi32>,
      %get3A_712 = vector.shape_cast %get3A_711 : vector<1x16xi32> to vector<16xi32>
      %mul3A_713 = arith.constant 125 : i32
      %mul3A_714 = vector.broadcast %mul3A_713 : i32 to vector<16xi32>
      %mul3A_715 = arith.muli %get3A_712, %mul3A_714 : vector<16xi32>
      %add3A_716 = vector.broadcast %add3A_32 : i32 to vector<16xi32>
      %add3A_717 = arith.addi %mul3A_715, %add3A_716 : vector<16xi32>
      %swap3A_718 = arith.constant 0 : i32
      %swap3A_719 = arith.index_cast %swap3A_718 : i32 to index
      %swap3A_720 = arith.constant 672 : index
      %swap3A_721 = tpu.vector_load %arg7[%swap3A_719, %swap3A_720] {strides = array<i32>} : memref<2x784xi32, #tpu.memory_space<vmem>>, vector<1x16xi32>,
      %swap3A_722 = vector.shape_cast %swap3A_721 : vector<1x16xi32> to vector<16xi32>
      %swap3A_723 = vector.shape_cast %add3A_717 : vector<16xi32> to vector<1x16xi32>
      tpu.vector_store %arg7[%swap3A_719, %swap3A_720], %swap3A_723 {strides = array<i32>} : memref<2x784xi32, #tpu.memory_space<vmem>>, vector<1x16xi32>,
      %get3A_724 = arith.constant 0 : i32
      %get3A_725 = arith.index_cast %get3A_724 : i32 to index
      %get3A_726 = arith.constant 688 : index
      %get3A_727 = tpu.vector_load %arg6[%get3A_725, %get3A_726] {strides = array<i32>} : memref<2x784xi32, #tpu.memory_space<vmem>>, vector<1x16xi32>,
      %get3A_728 = vector.shape_cast %get3A_727 : vector<1x16xi32> to vector<16xi32>
      %mul3A_729 = arith.constant 125 : i32
      %mul3A_730 = vector.broadcast %mul3A_729 : i32 to vector<16xi32>
      %mul3A_731 = arith.muli %get3A_728, %mul3A_730 : vector<16xi32>
      %add3A_732 = vector.broadcast %add3A_32 : i32 to vector<16xi32>
      %add3A_733 = arith.addi %mul3A_731, %add3A_732 : vector<16xi32>
      %swap3A_734 = arith.constant 0 : i32
      %swap3A_735 = arith.index_cast %swap3A_734 : i32 to index
      %swap3A_736 = arith.constant 688 : index
      %swap3A_737 = tpu.vector_load %arg7[%swap3A_735, %swap3A_736] {strides = array<i32>} : memref<2x784xi32, #tpu.memory_space<vmem>>, vector<1x16xi32>,
      %swap3A_738 = vector.shape_cast %swap3A_737 : vector<1x16xi32> to vector<16xi32>
      %swap3A_739 = vector.shape_cast %add3A_733 : vector<16xi32> to vector<1x16xi32>
      tpu.vector_store %arg7[%swap3A_735, %swap3A_736], %swap3A_739 {strides = array<i32>} : memref<2x784xi32, #tpu.memory_space<vmem>>, vector<1x16xi32>,
      %get3A_740 = arith.constant 0 : i32
      %get3A_741 = arith.index_cast %get3A_740 : i32 to index
      %get3A_742 = arith.constant 704 : index
      %get3A_743 = tpu.vector_load %arg6[%get3A_741, %get3A_742] {strides = array<i32>} : memref<2x784xi32, #tpu.memory_space<vmem>>, vector<1x16xi32>,
      %get3A_744 = vector.shape_cast %get3A_743 : vector<1x16xi32> to vector<16xi32>
      %mul3A_745 = arith.constant 125 : i32
      %mul3A_746 = vector.broadcast %mul3A_745 : i32 to vector<16xi32>
      %mul3A_747 = arith.muli %get3A_744, %mul3A_746 : vector<16xi32>
      %add3A_748 = vector.broadcast %add3A_32 : i32 to vector<16xi32>
      %add3A_749 = arith.addi %mul3A_747, %add3A_748 : vector<16xi32>
      %swap3A_750 = arith.constant 0 : i32
      %swap3A_751 = arith.index_cast %swap3A_750 : i32 to index
      %swap3A_752 = arith.constant 704 : index
      %swap3A_753 = tpu.vector_load %arg7[%swap3A_751, %swap3A_752] {strides = array<i32>} : memref<2x784xi32, #tpu.memory_space<vmem>>, vector<1x16xi32>,
      %swap3A_754 = vector.shape_cast %swap3A_753 : vector<1x16xi32> to vector<16xi32>
      %swap3A_755 = vector.shape_cast %add3A_749 : vector<16xi32> to vector<1x16xi32>
      tpu.vector_store %arg7[%swap3A_751, %swap3A_752], %swap3A_755 {strides = array<i32>} : memref<2x784xi32, #tpu.memory_space<vmem>>, vector<1x16xi32>,
      %get3A_756 = arith.constant 0 : i32
      %get3A_757 = arith.index_cast %get3A_756 : i32 to index
      %get3A_758 = arith.constant 720 : index
      %get3A_759 = tpu.vector_load %arg6[%get3A_757, %get3A_758] {strides = array<i32>} : memref<2x784xi32, #tpu.memory_space<vmem>>, vector<1x16xi32>,
      %get3A_760 = vector.shape_cast %get3A_759 : vector<1x16xi32> to vector<16xi32>
      %mul3A_761 = arith.constant 125 : i32
      %mul3A_762 = vector.broadcast %mul3A_761 : i32 to vector<16xi32>
      %mul3A_763 = arith.muli %get3A_760, %mul3A_762 : vector<16xi32>
      %add3A_764 = vector.broadcast %add3A_32 : i32 to vector<16xi32>
      %add3A_765 = arith.addi %mul3A_763, %add3A_764 : vector<16xi32>
      %swap3A_766 = arith.constant 0 : i32
      %swap3A_767 = arith.index_cast %swap3A_766 : i32 to index
      %swap3A_768 = arith.constant 720 : index
      %swap3A_769 = tpu.vector_load %arg7[%swap3A_767, %swap3A_768] {strides = array<i32>} : memref<2x784xi32, #tpu.memory_space<vmem>>, vector<1x16xi32>,
      %swap3A_770 = vector.shape_cast %swap3A_769 : vector<1x16xi32> to vector<16xi32>
      %swap3A_771 = vector.shape_cast %add3A_765 : vector<16xi32> to vector<1x16xi32>
      tpu.vector_store %arg7[%swap3A_767, %swap3A_768], %swap3A_771 {strides = array<i32>} : memref<2x784xi32, #tpu.memory_space<vmem>>, vector<1x16xi32>,
      %get3A_772 = arith.constant 0 : i32
      %get3A_773 = arith.index_cast %get3A_772 : i32 to index
      %get3A_774 = arith.constant 736 : index
      %get3A_775 = tpu.vector_load %arg6[%get3A_773, %get3A_774] {strides = array<i32>} : memref<2x784xi32, #tpu.memory_space<vmem>>, vector<1x16xi32>,
      %get3A_776 = vector.shape_cast %get3A_775 : vector<1x16xi32> to vector<16xi32>
      %mul3A_777 = arith.constant 125 : i32
      %mul3A_778 = vector.broadcast %mul3A_777 : i32 to vector<16xi32>
      %mul3A_779 = arith.muli %get3A_776, %mul3A_778 : vector<16xi32>
      %add3A_780 = vector.broadcast %add3A_32 : i32 to vector<16xi32>
      %add3A_781 = arith.addi %mul3A_779, %add3A_780 : vector<16xi32>
      %swap3A_782 = arith.constant 0 : i32
      %swap3A_783 = arith.index_cast %swap3A_782 : i32 to index
      %swap3A_784 = arith.constant 736 : index
      %swap3A_785 = tpu.vector_load %arg7[%swap3A_783, %swap3A_784] {strides = array<i32>} : memref<2x784xi32, #tpu.memory_space<vmem>>, vector<1x16xi32>,
      %swap3A_786 = vector.shape_cast %swap3A_785 : vector<1x16xi32> to vector<16xi32>
      %swap3A_787 = vector.shape_cast %add3A_781 : vector<16xi32> to vector<1x16xi32>
      tpu.vector_store %arg7[%swap3A_783, %swap3A_784], %swap3A_787 {strides = array<i32>} : memref<2x784xi32, #tpu.memory_space<vmem>>, vector<1x16xi32>,
      %get3A_788 = arith.constant 0 : i32
      %get3A_789 = arith.index_cast %get3A_788 : i32 to index
      %get3A_790 = arith.constant 752 : index
      %get3A_791 = tpu.vector_load %arg6[%get3A_789, %get3A_790] {strides = array<i32>} : memref<2x784xi32, #tpu.memory_space<vmem>>, vector<1x16xi32>,
      %get3A_792 = vector.shape_cast %get3A_791 : vector<1x16xi32> to vector<16xi32>
      %mul3A_793 = arith.constant 125 : i32
      %mul3A_794 = vector.broadcast %mul3A_793 : i32 to vector<16xi32>
      %mul3A_795 = arith.muli %get3A_792, %mul3A_794 : vector<16xi32>
      %add3A_796 = vector.broadcast %add3A_32 : i32 to vector<16xi32>
      %add3A_797 = arith.addi %mul3A_795, %add3A_796 : vector<16xi32>
      %swap3A_798 = arith.constant 0 : i32
      %swap3A_799 = arith.index_cast %swap3A_798 : i32 to index
      %swap3A_800 = arith.constant 752 : index
      %swap3A_801 = tpu.vector_load %arg7[%swap3A_799, %swap3A_800] {strides = array<i32>} : memref<2x784xi32, #tpu.memory_space<vmem>>, vector<1x16xi32>,
      %swap3A_802 = vector.shape_cast %swap3A_801 : vector<1x16xi32> to vector<16xi32>
      %swap3A_803 = vector.shape_cast %add3A_797 : vector<16xi32> to vector<1x16xi32>
      tpu.vector_store %arg7[%swap3A_799, %swap3A_800], %swap3A_803 {strides = array<i32>} : memref<2x784xi32, #tpu.memory_space<vmem>>, vector<1x16xi32>,
      %get3A_804 = arith.constant 0 : i32
      %get3A_805 = arith.index_cast %get3A_804 : i32 to index
      %get3A_806 = arith.constant 768 : index
      %get3A_807 = tpu.vector_load %arg6[%get3A_805, %get3A_806] {strides = array<i32>} : memref<2x784xi32, #tpu.memory_space<vmem>>, vector<1x16xi32>,
      %get3A_808 = vector.shape_cast %get3A_807 : vector<1x16xi32> to vector<16xi32>
      %mul3A_809 = arith.constant 125 : i32
      %mul3A_810 = vector.broadcast %mul3A_809 : i32 to vector<16xi32>
      %mul3A_811 = arith.muli %get3A_808, %mul3A_810 : vector<16xi32>
      %add3A_812 = vector.broadcast %add3A_32 : i32 to vector<16xi32>
      %add3A_813 = arith.addi %mul3A_811, %add3A_812 : vector<16xi32>
      %swap3A_814 = arith.constant 0 : i32
      %swap3A_815 = arith.index_cast %swap3A_814 : i32 to index
      %swap3A_816 = arith.constant 768 : index
      %swap3A_817 = tpu.vector_load %arg7[%swap3A_815, %swap3A_816] {strides = array<i32>} : memref<2x784xi32, #tpu.memory_space<vmem>>, vector<1x16xi32>,
      %swap3A_818 = vector.shape_cast %swap3A_817 : vector<1x16xi32> to vector<16xi32>
      %swap3A_819 = vector.shape_cast %add3A_813 : vector<16xi32> to vector<1x16xi32>
      tpu.vector_store %arg7[%swap3A_815, %swap3A_816], %swap3A_819 {strides = array<i32>} : memref<2x784xi32, #tpu.memory_space<vmem>>, vector<1x16xi32>,
      %get3A_820 = arith.constant 1 : i32
      %get3A_821 = arith.index_cast %get3A_820 : i32 to index
      %get3A_822 = arith.constant 0 : index
      %get3A_823 = tpu.vector_load %arg6[%get3A_821, %get3A_822] {strides = array<i32>} : memref<2x784xi32, #tpu.memory_space<vmem>>, vector<1x16xi32>,
      %get3A_824 = vector.shape_cast %get3A_823 : vector<1x16xi32> to vector<16xi32>
      %mul3A_825 = arith.constant 125 : i32
      %mul3A_826 = vector.broadcast %mul3A_825 : i32 to vector<16xi32>
      %mul3A_827 = arith.muli %get3A_824, %mul3A_826 : vector<16xi32>
      %add3A_828 = vector.broadcast %add3A_32 : i32 to vector<16xi32>
      %add3A_829 = arith.addi %mul3A_827, %add3A_828 : vector<16xi32>
      %swap3A_830 = arith.constant 1 : i32
      %swap3A_831 = arith.index_cast %swap3A_830 : i32 to index
      %swap3A_832 = arith.constant 0 : index
      %swap3A_833 = tpu.vector_load %arg7[%swap3A_831, %swap3A_832] {strides = array<i32>} : memref<2x784xi32, #tpu.memory_space<vmem>>, vector<1x16xi32>,
      %swap3A_834 = vector.shape_cast %swap3A_833 : vector<1x16xi32> to vector<16xi32>
      %swap3A_835 = vector.shape_cast %add3A_829 : vector<16xi32> to vector<1x16xi32>
      tpu.vector_store %arg7[%swap3A_831, %swap3A_832], %swap3A_835 {strides = array<i32>} : memref<2x784xi32, #tpu.memory_space<vmem>>, vector<1x16xi32>,
      %get3A_836 = arith.constant 1 : i32
      %get3A_837 = arith.index_cast %get3A_836 : i32 to index
      %get3A_838 = arith.constant 16 : index
      %get3A_839 = tpu.vector_load %arg6[%get3A_837, %get3A_838] {strides = array<i32>} : memref<2x784xi32, #tpu.memory_space<vmem>>, vector<1x16xi32>,
      %get3A_840 = vector.shape_cast %get3A_839 : vector<1x16xi32> to vector<16xi32>
      %mul3A_841 = arith.constant 125 : i32
      %mul3A_842 = vector.broadcast %mul3A_841 : i32 to vector<16xi32>
      %mul3A_843 = arith.muli %get3A_840, %mul3A_842 : vector<16xi32>
      %add3A_844 = vector.broadcast %add3A_32 : i32 to vector<16xi32>
      %add3A_845 = arith.addi %mul3A_843, %add3A_844 : vector<16xi32>
      %swap3A_846 = arith.constant 1 : i32
      %swap3A_847 = arith.index_cast %swap3A_846 : i32 to index
      %swap3A_848 = arith.constant 16 : index
      %swap3A_849 = tpu.vector_load %arg7[%swap3A_847, %swap3A_848] {strides = array<i32>} : memref<2x784xi32, #tpu.memory_space<vmem>>, vector<1x16xi32>,
      %swap3A_850 = vector.shape_cast %swap3A_849 : vector<1x16xi32> to vector<16xi32>
      %swap3A_851 = vector.shape_cast %add3A_845 : vector<16xi32> to vector<1x16xi32>
      tpu.vector_store %arg7[%swap3A_847, %swap3A_848], %swap3A_851 {strides = array<i32>} : memref<2x784xi32, #tpu.memory_space<vmem>>, vector<1x16xi32>,
      %get3A_852 = arith.constant 1 : i32
      %get3A_853 = arith.index_cast %get3A_852 : i32 to index
      %get3A_854 = arith.constant 32 : index
      %get3A_855 = tpu.vector_load %arg6[%get3A_853, %get3A_854] {strides = array<i32>} : memref<2x784xi32, #tpu.memory_space<vmem>>, vector<1x16xi32>,
      %get3A_856 = vector.shape_cast %get3A_855 : vector<1x16xi32> to vector<16xi32>
      %mul3A_857 = arith.constant 125 : i32
      %mul3A_858 = vector.broadcast %mul3A_857 : i32 to vector<16xi32>
      %mul3A_859 = arith.muli %get3A_856, %mul3A_858 : vector<16xi32>
      %add3A_860 = vector.broadcast %add3A_32 : i32 to vector<16xi32>
      %add3A_861 = arith.addi %mul3A_859, %add3A_860 : vector<16xi32>
      %swap3A_862 = arith.constant 1 : i32
      %swap3A_863 = arith.index_cast %swap3A_862 : i32 to index
      %swap3A_864 = arith.constant 32 : index
      %swap3A_865 = tpu.vector_load %arg7[%swap3A_863, %swap3A_864] {strides = array<i32>} : memref<2x784xi32, #tpu.memory_space<vmem>>, vector<1x16xi32>,
      %swap3A_866 = vector.shape_cast %swap3A_865 : vector<1x16xi32> to vector<16xi32>
      %swap3A_867 = vector.shape_cast %add3A_861 : vector<16xi32> to vector<1x16xi32>
      tpu.vector_store %arg7[%swap3A_863, %swap3A_864], %swap3A_867 {strides = array<i32>} : memref<2x784xi32, #tpu.memory_space<vmem>>, vector<1x16xi32>,
      %get3A_868 = arith.constant 1 : i32
      %get3A_869 = arith.index_cast %get3A_868 : i32 to index
      %get3A_870 = arith.constant 48 : index
      %get3A_871 = tpu.vector_load %arg6[%get3A_869, %get3A_870] {strides = array<i32>} : memref<2x784xi32, #tpu.memory_space<vmem>>, vector<1x16xi32>,
      %get3A_872 = vector.shape_cast %get3A_871 : vector<1x16xi32> to vector<16xi32>
      %mul3A_873 = arith.constant 125 : i32
      %mul3A_874 = vector.broadcast %mul3A_873 : i32 to vector<16xi32>
      %mul3A_875 = arith.muli %get3A_872, %mul3A_874 : vector<16xi32>
      %add3A_876 = vector.broadcast %add3A_32 : i32 to vector<16xi32>
      %add3A_877 = arith.addi %mul3A_875, %add3A_876 : vector<16xi32>
      %swap3A_878 = arith.constant 1 : i32
      %swap3A_879 = arith.index_cast %swap3A_878 : i32 to index
      %swap3A_880 = arith.constant 48 : index
      %swap3A_881 = tpu.vector_load %arg7[%swap3A_879, %swap3A_880] {strides = array<i32>} : memref<2x784xi32, #tpu.memory_space<vmem>>, vector<1x16xi32>,
      %swap3A_882 = vector.shape_cast %swap3A_881 : vector<1x16xi32> to vector<16xi32>
      %swap3A_883 = vector.shape_cast %add3A_877 : vector<16xi32> to vector<1x16xi32>
      tpu.vector_store %arg7[%swap3A_879, %swap3A_880], %swap3A_883 {strides = array<i32>} : memref<2x784xi32, #tpu.memory_space<vmem>>, vector<1x16xi32>,
      %get3A_884 = arith.constant 1 : i32
      %get3A_885 = arith.index_cast %get3A_884 : i32 to index
      %get3A_886 = arith.constant 64 : index
      %get3A_887 = tpu.vector_load %arg6[%get3A_885, %get3A_886] {strides = array<i32>} : memref<2x784xi32, #tpu.memory_space<vmem>>, vector<1x16xi32>,
      %get3A_888 = vector.shape_cast %get3A_887 : vector<1x16xi32> to vector<16xi32>
      %mul3A_889 = arith.constant 125 : i32
      %mul3A_890 = vector.broadcast %mul3A_889 : i32 to vector<16xi32>
      %mul3A_891 = arith.muli %get3A_888, %mul3A_890 : vector<16xi32>
      %add3A_892 = vector.broadcast %add3A_32 : i32 to vector<16xi32>
      %add3A_893 = arith.addi %mul3A_891, %add3A_892 : vector<16xi32>
      %swap3A_894 = arith.constant 1 : i32
      %swap3A_895 = arith.index_cast %swap3A_894 : i32 to index
      %swap3A_896 = arith.constant 64 : index
      %swap3A_897 = tpu.vector_load %arg7[%swap3A_895, %swap3A_896] {strides = array<i32>} : memref<2x784xi32, #tpu.memory_space<vmem>>, vector<1x16xi32>,
      %swap3A_898 = vector.shape_cast %swap3A_897 : vector<1x16xi32> to vector<16xi32>
      %swap3A_899 = vector.shape_cast %add3A_893 : vector<16xi32> to vector<1x16xi32>
      tpu.vector_store %arg7[%swap3A_895, %swap3A_896], %swap3A_899 {strides = array<i32>} : memref<2x784xi32, #tpu.memory_space<vmem>>, vector<1x16xi32>,
      %get3A_900 = arith.constant 1 : i32
      %get3A_901 = arith.index_cast %get3A_900 : i32 to index
      %get3A_902 = arith.constant 80 : index
      %get3A_903 = tpu.vector_load %arg6[%get3A_901, %get3A_902] {strides = array<i32>} : memref<2x784xi32, #tpu.memory_space<vmem>>, vector<1x16xi32>,
      %get3A_904 = vector.shape_cast %get3A_903 : vector<1x16xi32> to vector<16xi32>
      %mul3A_905 = arith.constant 125 : i32
      %mul3A_906 = vector.broadcast %mul3A_905 : i32 to vector<16xi32>
      %mul3A_907 = arith.muli %get3A_904, %mul3A_906 : vector<16xi32>
      %add3A_908 = vector.broadcast %add3A_32 : i32 to vector<16xi32>
      %add3A_909 = arith.addi %mul3A_907, %add3A_908 : vector<16xi32>
      %swap3A_910 = arith.constant 1 : i32
      %swap3A_911 = arith.index_cast %swap3A_910 : i32 to index
      %swap3A_912 = arith.constant 80 : index
      %swap3A_913 = tpu.vector_load %arg7[%swap3A_911, %swap3A_912] {strides = array<i32>} : memref<2x784xi32, #tpu.memory_space<vmem>>, vector<1x16xi32>,
      %swap3A_914 = vector.shape_cast %swap3A_913 : vector<1x16xi32> to vector<16xi32>
      %swap3A_915 = vector.shape_cast %add3A_909 : vector<16xi32> to vector<1x16xi32>
      tpu.vector_store %arg7[%swap3A_911, %swap3A_912], %swap3A_915 {strides = array<i32>} : memref<2x784xi32, #tpu.memory_space<vmem>>, vector<1x16xi32>,
      %get3A_916 = arith.constant 1 : i32
      %get3A_917 = arith.index_cast %get3A_916 : i32 to index
      %get3A_918 = arith.constant 96 : index
      %get3A_919 = tpu.vector_load %arg6[%get3A_917, %get3A_918] {strides = array<i32>} : memref<2x784xi32, #tpu.memory_space<vmem>>, vector<1x16xi32>,
      %get3A_920 = vector.shape_cast %get3A_919 : vector<1x16xi32> to vector<16xi32>
      %mul3A_921 = arith.constant 125 : i32
      %mul3A_922 = vector.broadcast %mul3A_921 : i32 to vector<16xi32>
      %mul3A_923 = arith.muli %get3A_920, %mul3A_922 : vector<16xi32>
      %add3A_924 = vector.broadcast %add3A_32 : i32 to vector<16xi32>
      %add3A_925 = arith.addi %mul3A_923, %add3A_924 : vector<16xi32>
      %swap3A_926 = arith.constant 1 : i32
      %swap3A_927 = arith.index_cast %swap3A_926 : i32 to index
      %swap3A_928 = arith.constant 96 : index
      %swap3A_929 = tpu.vector_load %arg7[%swap3A_927, %swap3A_928] {strides = array<i32>} : memref<2x784xi32, #tpu.memory_space<vmem>>, vector<1x16xi32>,
      %swap3A_930 = vector.shape_cast %swap3A_929 : vector<1x16xi32> to vector<16xi32>
      %swap3A_931 = vector.shape_cast %add3A_925 : vector<16xi32> to vector<1x16xi32>
      tpu.vector_store %arg7[%swap3A_927, %swap3A_928], %swap3A_931 {strides = array<i32>} : memref<2x784xi32, #tpu.memory_space<vmem>>, vector<1x16xi32>,
      %get3A_932 = arith.constant 1 : i32
      %get3A_933 = arith.index_cast %get3A_932 : i32 to index
      %get3A_934 = arith.constant 112 : index
      %get3A_935 = tpu.vector_load %arg6[%get3A_933, %get3A_934] {strides = array<i32>} : memref<2x784xi32, #tpu.memory_space<vmem>>, vector<1x16xi32>,
      %get3A_936 = vector.shape_cast %get3A_935 : vector<1x16xi32> to vector<16xi32>
      %mul3A_937 = arith.constant 125 : i32
      %mul3A_938 = vector.broadcast %mul3A_937 : i32 to vector<16xi32>
      %mul3A_939 = arith.muli %get3A_936, %mul3A_938 : vector<16xi32>
      %add3A_940 = vector.broadcast %add3A_32 : i32 to vector<16xi32>
      %add3A_941 = arith.addi %mul3A_939, %add3A_940 : vector<16xi32>
      %swap3A_942 = arith.constant 1 : i32
      %swap3A_943 = arith.index_cast %swap3A_942 : i32 to index
      %swap3A_944 = arith.constant 112 : index
      %swap3A_945 = tpu.vector_load %arg7[%swap3A_943, %swap3A_944] {strides = array<i32>} : memref<2x784xi32, #tpu.memory_space<vmem>>, vector<1x16xi32>,
      %swap3A_946 = vector.shape_cast %swap3A_945 : vector<1x16xi32> to vector<16xi32>
      %swap3A_947 = vector.shape_cast %add3A_941 : vector<16xi32> to vector<1x16xi32>
      tpu.vector_store %arg7[%swap3A_943, %swap3A_944], %swap3A_947 {strides = array<i32>} : memref<2x784xi32, #tpu.memory_space<vmem>>, vector<1x16xi32>,
      %get3A_948 = arith.constant 1 : i32
      %get3A_949 = arith.index_cast %get3A_948 : i32 to index
      %get3A_950 = arith.constant 128 : index
      %get3A_951 = tpu.vector_load %arg6[%get3A_949, %get3A_950] {strides = array<i32>} : memref<2x784xi32, #tpu.memory_space<vmem>>, vector<1x16xi32>,
      %get3A_952 = vector.shape_cast %get3A_951 : vector<1x16xi32> to vector<16xi32>
      %mul3A_953 = arith.constant 125 : i32
      %mul3A_954 = vector.broadcast %mul3A_953 : i32 to vector<16xi32>
      %mul3A_955 = arith.muli %get3A_952, %mul3A_954 : vector<16xi32>
      %add3A_956 = vector.broadcast %add3A_32 : i32 to vector<16xi32>
      %add3A_957 = arith.addi %mul3A_955, %add3A_956 : vector<16xi32>
      %swap3A_958 = arith.constant 1 : i32
      %swap3A_959 = arith.index_cast %swap3A_958 : i32 to index
      %swap3A_960 = arith.constant 128 : index
      %swap3A_961 = tpu.vector_load %arg7[%swap3A_959, %swap3A_960] {strides = array<i32>} : memref<2x784xi32, #tpu.memory_space<vmem>>, vector<1x16xi32>,
      %swap3A_962 = vector.shape_cast %swap3A_961 : vector<1x16xi32> to vector<16xi32>
      %swap3A_963 = vector.shape_cast %add3A_957 : vector<16xi32> to vector<1x16xi32>
      tpu.vector_store %arg7[%swap3A_959, %swap3A_960], %swap3A_963 {strides = array<i32>} : memref<2x784xi32, #tpu.memory_space<vmem>>, vector<1x16xi32>,
      %get3A_964 = arith.constant 1 : i32
      %get3A_965 = arith.index_cast %get3A_964 : i32 to index
      %get3A_966 = arith.constant 144 : index
      %get3A_967 = tpu.vector_load %arg6[%get3A_965, %get3A_966] {strides = array<i32>} : memref<2x784xi32, #tpu.memory_space<vmem>>, vector<1x16xi32>,
      %get3A_968 = vector.shape_cast %get3A_967 : vector<1x16xi32> to vector<16xi32>
      %mul3A_969 = arith.constant 125 : i32
      %mul3A_970 = vector.broadcast %mul3A_969 : i32 to vector<16xi32>
      %mul3A_971 = arith.muli %get3A_968, %mul3A_970 : vector<16xi32>
      %add3A_972 = vector.broadcast %add3A_32 : i32 to vector<16xi32>
      %add3A_973 = arith.addi %mul3A_971, %add3A_972 : vector<16xi32>
      %swap3A_974 = arith.constant 1 : i32
      %swap3A_975 = arith.index_cast %swap3A_974 : i32 to index
      %swap3A_976 = arith.constant 144 : index
      %swap3A_977 = tpu.vector_load %arg7[%swap3A_975, %swap3A_976] {strides = array<i32>} : memref<2x784xi32, #tpu.memory_space<vmem>>, vector<1x16xi32>,
      %swap3A_978 = vector.shape_cast %swap3A_977 : vector<1x16xi32> to vector<16xi32>
      %swap3A_979 = vector.shape_cast %add3A_973 : vector<16xi32> to vector<1x16xi32>
      tpu.vector_store %arg7[%swap3A_975, %swap3A_976], %swap3A_979 {strides = array<i32>} : memref<2x784xi32, #tpu.memory_space<vmem>>, vector<1x16xi32>,
      %get3A_980 = arith.constant 1 : i32
      %get3A_981 = arith.index_cast %get3A_980 : i32 to index
      %get3A_982 = arith.constant 160 : index
      %get3A_983 = tpu.vector_load %arg6[%get3A_981, %get3A_982] {strides = array<i32>} : memref<2x784xi32, #tpu.memory_space<vmem>>, vector<1x16xi32>,
      %get3A_984 = vector.shape_cast %get3A_983 : vector<1x16xi32> to vector<16xi32>
      %mul3A_985 = arith.constant 125 : i32
      %mul3A_986 = vector.broadcast %mul3A_985 : i32 to vector<16xi32>
      %mul3A_987 = arith.muli %get3A_984, %mul3A_986 : vector<16xi32>
      %add3A_988 = vector.broadcast %add3A_32 : i32 to vector<16xi32>
      %add3A_989 = arith.addi %mul3A_987, %add3A_988 : vector<16xi32>
      %swap3A_990 = arith.constant 1 : i32
      %swap3A_991 = arith.index_cast %swap3A_990 : i32 to index
      %swap3A_992 = arith.constant 160 : index
      %swap3A_993 = tpu.vector_load %arg7[%swap3A_991, %swap3A_992] {strides = array<i32>} : memref<2x784xi32, #tpu.memory_space<vmem>>, vector<1x16xi32>,
      %swap3A_994 = vector.shape_cast %swap3A_993 : vector<1x16xi32> to vector<16xi32>
      %swap3A_995 = vector.shape_cast %add3A_989 : vector<16xi32> to vector<1x16xi32>
      tpu.vector_store %arg7[%swap3A_991, %swap3A_992], %swap3A_995 {strides = array<i32>} : memref<2x784xi32, #tpu.memory_space<vmem>>, vector<1x16xi32>,
      %get3A_996 = arith.constant 1 : i32
      %get3A_997 = arith.index_cast %get3A_996 : i32 to index
      %get3A_998 = arith.constant 176 : index
      %get3A_999 = tpu.vector_load %arg6[%get3A_997, %get3A_998] {strides = array<i32>} : memref<2x784xi32, #tpu.memory_space<vmem>>, vector<1x16xi32>,
      %get3A_1000 = vector.shape_cast %get3A_999 : vector<1x16xi32> to vector<16xi32>
      %mul3A_1001 = arith.constant 125 : i32
      %mul3A_1002 = vector.broadcast %mul3A_1001 : i32 to vector<16xi32>
      %mul3A_1003 = arith.muli %get3A_1000, %mul3A_1002 : vector<16xi32>
      %add3A_1004 = vector.broadcast %add3A_32 : i32 to vector<16xi32>
      %add3A_1005 = arith.addi %mul3A_1003, %add3A_1004 : vector<16xi32>
      %swap3A_1006 = arith.constant 1 : i32
      %swap3A_1007 = arith.index_cast %swap3A_1006 : i32 to index
      %swap3A_1008 = arith.constant 176 : index
      %swap3A_1009 = tpu.vector_load %arg7[%swap3A_1007, %swap3A_1008] {strides = array<i32>} : memref<2x784xi32, #tpu.memory_space<vmem>>, vector<1x16xi32>,
      %swap3A_1010 = vector.shape_cast %swap3A_1009 : vector<1x16xi32> to vector<16xi32>
      %swap3A_1011 = vector.shape_cast %add3A_1005 : vector<16xi32> to vector<1x16xi32>
      tpu.vector_store %arg7[%swap3A_1007, %swap3A_1008], %swap3A_1011 {strides = array<i32>} : memref<2x784xi32, #tpu.memory_space<vmem>>, vector<1x16xi32>,
      %get3A_1012 = arith.constant 1 : i32
      %get3A_1013 = arith.index_cast %get3A_1012 : i32 to index
      %get3A_1014 = arith.constant 192 : index
      %get3A_1015 = tpu.vector_load %arg6[%get3A_1013, %get3A_1014] {strides = array<i32>} : memref<2x784xi32, #tpu.memory_space<vmem>>, vector<1x16xi32>,
      %get3A_1016 = vector.shape_cast %get3A_1015 : vector<1x16xi32> to vector<16xi32>
      %mul3A_1017 = arith.constant 125 : i32
      %mul3A_1018 = vector.broadcast %mul3A_1017 : i32 to vector<16xi32>
      %mul3A_1019 = arith.muli %get3A_1016, %mul3A_1018 : vector<16xi32>
      %add3A_1020 = vector.broadcast %add3A_32 : i32 to vector<16xi32>
      %add3A_1021 = arith.addi %mul3A_1019, %add3A_1020 : vector<16xi32>
      %swap3A_1022 = arith.constant 1 : i32
      %swap3A_1023 = arith.index_cast %swap3A_1022 : i32 to index
      %swap3A_1024 = arith.constant 192 : index
      %swap3A_1025 = tpu.vector_load %arg7[%swap3A_1023, %swap3A_1024] {strides = array<i32>} : memref<2x784xi32, #tpu.memory_space<vmem>>, vector<1x16xi32>,
      %swap3A_1026 = vector.shape_cast %swap3A_1025 : vector<1x16xi32> to vector<16xi32>
      %swap3A_1027 = vector.shape_cast %add3A_1021 : vector<16xi32> to vector<1x16xi32>
      tpu.vector_store %arg7[%swap3A_1023, %swap3A_1024], %swap3A_1027 {strides = array<i32>} : memref<2x784xi32, #tpu.memory_space<vmem>>, vector<1x16xi32>,
      %get3A_1028 = arith.constant 1 : i32
      %get3A_1029 = arith.index_cast %get3A_1028 : i32 to index
      %get3A_1030 = arith.constant 208 : index
      %get3A_1031 = tpu.vector_load %arg6[%get3A_1029, %get3A_1030] {strides = array<i32>} : memref<2x784xi32, #tpu.memory_space<vmem>>, vector<1x16xi32>,
      %get3A_1032 = vector.shape_cast %get3A_1031 : vector<1x16xi32> to vector<16xi32>
      %mul3A_1033 = arith.constant 125 : i32
      %mul3A_1034 = vector.broadcast %mul3A_1033 : i32 to vector<16xi32>
      %mul3A_1035 = arith.muli %get3A_1032, %mul3A_1034 : vector<16xi32>
      %add3A_1036 = vector.broadcast %add3A_32 : i32 to vector<16xi32>
      %add3A_1037 = arith.addi %mul3A_1035, %add3A_1036 : vector<16xi32>
      %swap3A_1038 = arith.constant 1 : i32
      %swap3A_1039 = arith.index_cast %swap3A_1038 : i32 to index
      %swap3A_1040 = arith.constant 208 : index
      %swap3A_1041 = tpu.vector_load %arg7[%swap3A_1039, %swap3A_1040] {strides = array<i32>} : memref<2x784xi32, #tpu.memory_space<vmem>>, vector<1x16xi32>,
      %swap3A_1042 = vector.shape_cast %swap3A_1041 : vector<1x16xi32> to vector<16xi32>
      %swap3A_1043 = vector.shape_cast %add3A_1037 : vector<16xi32> to vector<1x16xi32>
      tpu.vector_store %arg7[%swap3A_1039, %swap3A_1040], %swap3A_1043 {strides = array<i32>} : memref<2x784xi32, #tpu.memory_space<vmem>>, vector<1x16xi32>,
      %get3A_1044 = arith.constant 1 : i32
      %get3A_1045 = arith.index_cast %get3A_1044 : i32 to index
      %get3A_1046 = arith.constant 224 : index
      %get3A_1047 = tpu.vector_load %arg6[%get3A_1045, %get3A_1046] {strides = array<i32>} : memref<2x784xi32, #tpu.memory_space<vmem>>, vector<1x16xi32>,
      %get3A_1048 = vector.shape_cast %get3A_1047 : vector<1x16xi32> to vector<16xi32>
      %mul3A_1049 = arith.constant 125 : i32
      %mul3A_1050 = vector.broadcast %mul3A_1049 : i32 to vector<16xi32>
      %mul3A_1051 = arith.muli %get3A_1048, %mul3A_1050 : vector<16xi32>
      %add3A_1052 = vector.broadcast %add3A_32 : i32 to vector<16xi32>
      %add3A_1053 = arith.addi %mul3A_1051, %add3A_1052 : vector<16xi32>
      %swap3A_1054 = arith.constant 1 : i32
      %swap3A_1055 = arith.index_cast %swap3A_1054 : i32 to index
      %swap3A_1056 = arith.constant 224 : index
      %swap3A_1057 = tpu.vector_load %arg7[%swap3A_1055, %swap3A_1056] {strides = array<i32>} : memref<2x784xi32, #tpu.memory_space<vmem>>, vector<1x16xi32>,
      %swap3A_1058 = vector.shape_cast %swap3A_1057 : vector<1x16xi32> to vector<16xi32>
      %swap3A_1059 = vector.shape_cast %add3A_1053 : vector<16xi32> to vector<1x16xi32>
      tpu.vector_store %arg7[%swap3A_1055, %swap3A_1056], %swap3A_1059 {strides = array<i32>} : memref<2x784xi32, #tpu.memory_space<vmem>>, vector<1x16xi32>,
      %get3A_1060 = arith.constant 1 : i32
      %get3A_1061 = arith.index_cast %get3A_1060 : i32 to index
      %get3A_1062 = arith.constant 240 : index
      %get3A_1063 = tpu.vector_load %arg6[%get3A_1061, %get3A_1062] {strides = array<i32>} : memref<2x784xi32, #tpu.memory_space<vmem>>, vector<1x16xi32>,
      %get3A_1064 = vector.shape_cast %get3A_1063 : vector<1x16xi32> to vector<16xi32>
      %mul3A_1065 = arith.constant 125 : i32
      %mul3A_1066 = vector.broadcast %mul3A_1065 : i32 to vector<16xi32>
      %mul3A_1067 = arith.muli %get3A_1064, %mul3A_1066 : vector<16xi32>
      %add3A_1068 = vector.broadcast %add3A_32 : i32 to vector<16xi32>
      %add3A_1069 = arith.addi %mul3A_1067, %add3A_1068 : vector<16xi32>
      %swap3A_1070 = arith.constant 1 : i32
      %swap3A_1071 = arith.index_cast %swap3A_1070 : i32 to index
      %swap3A_1072 = arith.constant 240 : index
      %swap3A_1073 = tpu.vector_load %arg7[%swap3A_1071, %swap3A_1072] {strides = array<i32>} : memref<2x784xi32, #tpu.memory_space<vmem>>, vector<1x16xi32>,
      %swap3A_1074 = vector.shape_cast %swap3A_1073 : vector<1x16xi32> to vector<16xi32>
      %swap3A_1075 = vector.shape_cast %add3A_1069 : vector<16xi32> to vector<1x16xi32>
      tpu.vector_store %arg7[%swap3A_1071, %swap3A_1072], %swap3A_1075 {strides = array<i32>} : memref<2x784xi32, #tpu.memory_space<vmem>>, vector<1x16xi32>,
      %get3A_1076 = arith.constant 1 : i32
      %get3A_1077 = arith.index_cast %get3A_1076 : i32 to index
      %get3A_1078 = arith.constant 256 : index
      %get3A_1079 = tpu.vector_load %arg6[%get3A_1077, %get3A_1078] {strides = array<i32>} : memref<2x784xi32, #tpu.memory_space<vmem>>, vector<1x16xi32>,
      %get3A_1080 = vector.shape_cast %get3A_1079 : vector<1x16xi32> to vector<16xi32>
      %mul3A_1081 = arith.constant 125 : i32
      %mul3A_1082 = vector.broadcast %mul3A_1081 : i32 to vector<16xi32>
      %mul3A_1083 = arith.muli %get3A_1080, %mul3A_1082 : vector<16xi32>
      %add3A_1084 = vector.broadcast %add3A_32 : i32 to vector<16xi32>
      %add3A_1085 = arith.addi %mul3A_1083, %add3A_1084 : vector<16xi32>
      %swap3A_1086 = arith.constant 1 : i32
      %swap3A_1087 = arith.index_cast %swap3A_1086 : i32 to index
      %swap3A_1088 = arith.constant 256 : index
      %swap3A_1089 = tpu.vector_load %arg7[%swap3A_1087, %swap3A_1088] {strides = array<i32>} : memref<2x784xi32, #tpu.memory_space<vmem>>, vector<1x16xi32>,
      %swap3A_1090 = vector.shape_cast %swap3A_1089 : vector<1x16xi32> to vector<16xi32>
      %swap3A_1091 = vector.shape_cast %add3A_1085 : vector<16xi32> to vector<1x16xi32>
      tpu.vector_store %arg7[%swap3A_1087, %swap3A_1088], %swap3A_1091 {strides = array<i32>} : memref<2x784xi32, #tpu.memory_space<vmem>>, vector<1x16xi32>,
      %get3A_1092 = arith.constant 1 : i32
      %get3A_1093 = arith.index_cast %get3A_1092 : i32 to index
      %get3A_1094 = arith.constant 272 : index
      %get3A_1095 = tpu.vector_load %arg6[%get3A_1093, %get3A_1094] {strides = array<i32>} : memref<2x784xi32, #tpu.memory_space<vmem>>, vector<1x16xi32>,
      %get3A_1096 = vector.shape_cast %get3A_1095 : vector<1x16xi32> to vector<16xi32>
      %mul3A_1097 = arith.constant 125 : i32
      %mul3A_1098 = vector.broadcast %mul3A_1097 : i32 to vector<16xi32>
      %mul3A_1099 = arith.muli %get3A_1096, %mul3A_1098 : vector<16xi32>
      %add3A_1100 = vector.broadcast %add3A_32 : i32 to vector<16xi32>
      %add3A_1101 = arith.addi %mul3A_1099, %add3A_1100 : vector<16xi32>
      %swap3A_1102 = arith.constant 1 : i32
      %swap3A_1103 = arith.index_cast %swap3A_1102 : i32 to index
      %swap3A_1104 = arith.constant 272 : index
      %swap3A_1105 = tpu.vector_load %arg7[%swap3A_1103, %swap3A_1104] {strides = array<i32>} : memref<2x784xi32, #tpu.memory_space<vmem>>, vector<1x16xi32>,
      %swap3A_1106 = vector.shape_cast %swap3A_1105 : vector<1x16xi32> to vector<16xi32>
      %swap3A_1107 = vector.shape_cast %add3A_1101 : vector<16xi32> to vector<1x16xi32>
      tpu.vector_store %arg7[%swap3A_1103, %swap3A_1104], %swap3A_1107 {strides = array<i32>} : memref<2x784xi32, #tpu.memory_space<vmem>>, vector<1x16xi32>,
      %get3A_1108 = arith.constant 1 : i32
      %get3A_1109 = arith.index_cast %get3A_1108 : i32 to index
      %get3A_1110 = arith.constant 288 : index
      %get3A_1111 = tpu.vector_load %arg6[%get3A_1109, %get3A_1110] {strides = array<i32>} : memref<2x784xi32, #tpu.memory_space<vmem>>, vector<1x16xi32>,
      %get3A_1112 = vector.shape_cast %get3A_1111 : vector<1x16xi32> to vector<16xi32>
      %mul3A_1113 = arith.constant 125 : i32
      %mul3A_1114 = vector.broadcast %mul3A_1113 : i32 to vector<16xi32>
      %mul3A_1115 = arith.muli %get3A_1112, %mul3A_1114 : vector<16xi32>
      %add3A_1116 = vector.broadcast %add3A_32 : i32 to vector<16xi32>
      %add3A_1117 = arith.addi %mul3A_1115, %add3A_1116 : vector<16xi32>
      %swap3A_1118 = arith.constant 1 : i32
      %swap3A_1119 = arith.index_cast %swap3A_1118 : i32 to index
      %swap3A_1120 = arith.constant 288 : index
      %swap3A_1121 = tpu.vector_load %arg7[%swap3A_1119, %swap3A_1120] {strides = array<i32>} : memref<2x784xi32, #tpu.memory_space<vmem>>, vector<1x16xi32>,
      %swap3A_1122 = vector.shape_cast %swap3A_1121 : vector<1x16xi32> to vector<16xi32>
      %swap3A_1123 = vector.shape_cast %add3A_1117 : vector<16xi32> to vector<1x16xi32>
      tpu.vector_store %arg7[%swap3A_1119, %swap3A_1120], %swap3A_1123 {strides = array<i32>} : memref<2x784xi32, #tpu.memory_space<vmem>>, vector<1x16xi32>,
      %get3A_1124 = arith.constant 1 : i32
      %get3A_1125 = arith.index_cast %get3A_1124 : i32 to index
      %get3A_1126 = arith.constant 304 : index
      %get3A_1127 = tpu.vector_load %arg6[%get3A_1125, %get3A_1126] {strides = array<i32>} : memref<2x784xi32, #tpu.memory_space<vmem>>, vector<1x16xi32>,
      %get3A_1128 = vector.shape_cast %get3A_1127 : vector<1x16xi32> to vector<16xi32>
      %mul3A_1129 = arith.constant 125 : i32
      %mul3A_1130 = vector.broadcast %mul3A_1129 : i32 to vector<16xi32>
      %mul3A_1131 = arith.muli %get3A_1128, %mul3A_1130 : vector<16xi32>
      %add3A_1132 = vector.broadcast %add3A_32 : i32 to vector<16xi32>
      %add3A_1133 = arith.addi %mul3A_1131, %add3A_1132 : vector<16xi32>
      %swap3A_1134 = arith.constant 1 : i32
      %swap3A_1135 = arith.index_cast %swap3A_1134 : i32 to index
      %swap3A_1136 = arith.constant 304 : index
      %swap3A_1137 = tpu.vector_load %arg7[%swap3A_1135, %swap3A_1136] {strides = array<i32>} : memref<2x784xi32, #tpu.memory_space<vmem>>, vector<1x16xi32>,
      %swap3A_1138 = vector.shape_cast %swap3A_1137 : vector<1x16xi32> to vector<16xi32>
      %swap3A_1139 = vector.shape_cast %add3A_1133 : vector<16xi32> to vector<1x16xi32>
      tpu.vector_store %arg7[%swap3A_1135, %swap3A_1136], %swap3A_1139 {strides = array<i32>} : memref<2x784xi32, #tpu.memory_space<vmem>>, vector<1x16xi32>,
      %get3A_1140 = arith.constant 1 : i32
      %get3A_1141 = arith.index_cast %get3A_1140 : i32 to index
      %get3A_1142 = arith.constant 320 : index
      %get3A_1143 = tpu.vector_load %arg6[%get3A_1141, %get3A_1142] {strides = array<i32>} : memref<2x784xi32, #tpu.memory_space<vmem>>, vector<1x16xi32>,
      %get3A_1144 = vector.shape_cast %get3A_1143 : vector<1x16xi32> to vector<16xi32>
      %mul3A_1145 = arith.constant 125 : i32
      %mul3A_1146 = vector.broadcast %mul3A_1145 : i32 to vector<16xi32>
      %mul3A_1147 = arith.muli %get3A_1144, %mul3A_1146 : vector<16xi32>
      %add3A_1148 = vector.broadcast %add3A_32 : i32 to vector<16xi32>
      %add3A_1149 = arith.addi %mul3A_1147, %add3A_1148 : vector<16xi32>
      %swap3A_1150 = arith.constant 1 : i32
      %swap3A_1151 = arith.index_cast %swap3A_1150 : i32 to index
      %swap3A_1152 = arith.constant 320 : index
      %swap3A_1153 = tpu.vector_load %arg7[%swap3A_1151, %swap3A_1152] {strides = array<i32>} : memref<2x784xi32, #tpu.memory_space<vmem>>, vector<1x16xi32>,
      %swap3A_1154 = vector.shape_cast %swap3A_1153 : vector<1x16xi32> to vector<16xi32>
      %swap3A_1155 = vector.shape_cast %add3A_1149 : vector<16xi32> to vector<1x16xi32>
      tpu.vector_store %arg7[%swap3A_1151, %swap3A_1152], %swap3A_1155 {strides = array<i32>} : memref<2x784xi32, #tpu.memory_space<vmem>>, vector<1x16xi32>,
      %get3A_1156 = arith.constant 1 : i32
      %get3A_1157 = arith.index_cast %get3A_1156 : i32 to index
      %get3A_1158 = arith.constant 336 : index
      %get3A_1159 = tpu.vector_load %arg6[%get3A_1157, %get3A_1158] {strides = array<i32>} : memref<2x784xi32, #tpu.memory_space<vmem>>, vector<1x16xi32>,
      %get3A_1160 = vector.shape_cast %get3A_1159 : vector<1x16xi32> to vector<16xi32>
      %mul3A_1161 = arith.constant 125 : i32
      %mul3A_1162 = vector.broadcast %mul3A_1161 : i32 to vector<16xi32>
      %mul3A_1163 = arith.muli %get3A_1160, %mul3A_1162 : vector<16xi32>
      %add3A_1164 = vector.broadcast %add3A_32 : i32 to vector<16xi32>
      %add3A_1165 = arith.addi %mul3A_1163, %add3A_1164 : vector<16xi32>
      %swap3A_1166 = arith.constant 1 : i32
      %swap3A_1167 = arith.index_cast %swap3A_1166 : i32 to index
      %swap3A_1168 = arith.constant 336 : index
      %swap3A_1169 = tpu.vector_load %arg7[%swap3A_1167, %swap3A_1168] {strides = array<i32>} : memref<2x784xi32, #tpu.memory_space<vmem>>, vector<1x16xi32>,
      %swap3A_1170 = vector.shape_cast %swap3A_1169 : vector<1x16xi32> to vector<16xi32>
      %swap3A_1171 = vector.shape_cast %add3A_1165 : vector<16xi32> to vector<1x16xi32>
      tpu.vector_store %arg7[%swap3A_1167, %swap3A_1168], %swap3A_1171 {strides = array<i32>} : memref<2x784xi32, #tpu.memory_space<vmem>>, vector<1x16xi32>,
      %get3A_1172 = arith.constant 1 : i32
      %get3A_1173 = arith.index_cast %get3A_1172 : i32 to index
      %get3A_1174 = arith.constant 352 : index
      %get3A_1175 = tpu.vector_load %arg6[%get3A_1173, %get3A_1174] {strides = array<i32>} : memref<2x784xi32, #tpu.memory_space<vmem>>, vector<1x16xi32>,
      %get3A_1176 = vector.shape_cast %get3A_1175 : vector<1x16xi32> to vector<16xi32>
      %mul3A_1177 = arith.constant 125 : i32
      %mul3A_1178 = vector.broadcast %mul3A_1177 : i32 to vector<16xi32>
      %mul3A_1179 = arith.muli %get3A_1176, %mul3A_1178 : vector<16xi32>
      %add3A_1180 = vector.broadcast %add3A_32 : i32 to vector<16xi32>
      %add3A_1181 = arith.addi %mul3A_1179, %add3A_1180 : vector<16xi32>
      %swap3A_1182 = arith.constant 1 : i32
      %swap3A_1183 = arith.index_cast %swap3A_1182 : i32 to index
      %swap3A_1184 = arith.constant 352 : index
      %swap3A_1185 = tpu.vector_load %arg7[%swap3A_1183, %swap3A_1184] {strides = array<i32>} : memref<2x784xi32, #tpu.memory_space<vmem>>, vector<1x16xi32>,
      %swap3A_1186 = vector.shape_cast %swap3A_1185 : vector<1x16xi32> to vector<16xi32>
      %swap3A_1187 = vector.shape_cast %add3A_1181 : vector<16xi32> to vector<1x16xi32>
      tpu.vector_store %arg7[%swap3A_1183, %swap3A_1184], %swap3A_1187 {strides = array<i32>} : memref<2x784xi32, #tpu.memory_space<vmem>>, vector<1x16xi32>,
      %get3A_1188 = arith.constant 1 : i32
      %get3A_1189 = arith.index_cast %get3A_1188 : i32 to index
      %get3A_1190 = arith.constant 368 : index
      %get3A_1191 = tpu.vector_load %arg6[%get3A_1189, %get3A_1190] {strides = array<i32>} : memref<2x784xi32, #tpu.memory_space<vmem>>, vector<1x16xi32>,
      %get3A_1192 = vector.shape_cast %get3A_1191 : vector<1x16xi32> to vector<16xi32>
      %mul3A_1193 = arith.constant 125 : i32
      %mul3A_1194 = vector.broadcast %mul3A_1193 : i32 to vector<16xi32>
      %mul3A_1195 = arith.muli %get3A_1192, %mul3A_1194 : vector<16xi32>
      %add3A_1196 = vector.broadcast %add3A_32 : i32 to vector<16xi32>
      %add3A_1197 = arith.addi %mul3A_1195, %add3A_1196 : vector<16xi32>
      %swap3A_1198 = arith.constant 1 : i32
      %swap3A_1199 = arith.index_cast %swap3A_1198 : i32 to index
      %swap3A_1200 = arith.constant 368 : index
      %swap3A_1201 = tpu.vector_load %arg7[%swap3A_1199, %swap3A_1200] {strides = array<i32>} : memref<2x784xi32, #tpu.memory_space<vmem>>, vector<1x16xi32>,
      %swap3A_1202 = vector.shape_cast %swap3A_1201 : vector<1x16xi32> to vector<16xi32>
      %swap3A_1203 = vector.shape_cast %add3A_1197 : vector<16xi32> to vector<1x16xi32>
      tpu.vector_store %arg7[%swap3A_1199, %swap3A_1200], %swap3A_1203 {strides = array<i32>} : memref<2x784xi32, #tpu.memory_space<vmem>>, vector<1x16xi32>,
      %get3A_1204 = arith.constant 1 : i32
      %get3A_1205 = arith.index_cast %get3A_1204 : i32 to index
      %get3A_1206 = arith.constant 384 : index
      %get3A_1207 = tpu.vector_load %arg6[%get3A_1205, %get3A_1206] {strides = array<i32>} : memref<2x784xi32, #tpu.memory_space<vmem>>, vector<1x16xi32>,
      %get3A_1208 = vector.shape_cast %get3A_1207 : vector<1x16xi32> to vector<16xi32>
      %mul3A_1209 = arith.constant 125 : i32
      %mul3A_1210 = vector.broadcast %mul3A_1209 : i32 to vector<16xi32>
      %mul3A_1211 = arith.muli %get3A_1208, %mul3A_1210 : vector<16xi32>
      %add3A_1212 = vector.broadcast %add3A_32 : i32 to vector<16xi32>
      %add3A_1213 = arith.addi %mul3A_1211, %add3A_1212 : vector<16xi32>
      %swap3A_1214 = arith.constant 1 : i32
      %swap3A_1215 = arith.index_cast %swap3A_1214 : i32 to index
      %swap3A_1216 = arith.constant 384 : index
      %swap3A_1217 = tpu.vector_load %arg7[%swap3A_1215, %swap3A_1216] {strides = array<i32>} : memref<2x784xi32, #tpu.memory_space<vmem>>, vector<1x16xi32>,
      %swap3A_1218 = vector.shape_cast %swap3A_1217 : vector<1x16xi32> to vector<16xi32>
      %swap3A_1219 = vector.shape_cast %add3A_1213 : vector<16xi32> to vector<1x16xi32>
      tpu.vector_store %arg7[%swap3A_1215, %swap3A_1216], %swap3A_1219 {strides = array<i32>} : memref<2x784xi32, #tpu.memory_space<vmem>>, vector<1x16xi32>,
      %get3A_1220 = arith.constant 1 : i32
      %get3A_1221 = arith.index_cast %get3A_1220 : i32 to index
      %get3A_1222 = arith.constant 400 : index
      %get3A_1223 = tpu.vector_load %arg6[%get3A_1221, %get3A_1222] {strides = array<i32>} : memref<2x784xi32, #tpu.memory_space<vmem>>, vector<1x16xi32>,
      %get3A_1224 = vector.shape_cast %get3A_1223 : vector<1x16xi32> to vector<16xi32>
      %mul3A_1225 = arith.constant 125 : i32
      %mul3A_1226 = vector.broadcast %mul3A_1225 : i32 to vector<16xi32>
      %mul3A_1227 = arith.muli %get3A_1224, %mul3A_1226 : vector<16xi32>
      %add3A_1228 = vector.broadcast %add3A_32 : i32 to vector<16xi32>
      %add3A_1229 = arith.addi %mul3A_1227, %add3A_1228 : vector<16xi32>
      %swap3A_1230 = arith.constant 1 : i32
      %swap3A_1231 = arith.index_cast %swap3A_1230 : i32 to index
      %swap3A_1232 = arith.constant 400 : index
      %swap3A_1233 = tpu.vector_load %arg7[%swap3A_1231, %swap3A_1232] {strides = array<i32>} : memref<2x784xi32, #tpu.memory_space<vmem>>, vector<1x16xi32>,
      %swap3A_1234 = vector.shape_cast %swap3A_1233 : vector<1x16xi32> to vector<16xi32>
      %swap3A_1235 = vector.shape_cast %add3A_1229 : vector<16xi32> to vector<1x16xi32>
      tpu.vector_store %arg7[%swap3A_1231, %swap3A_1232], %swap3A_1235 {strides = array<i32>} : memref<2x784xi32, #tpu.memory_space<vmem>>, vector<1x16xi32>,
      %get3A_1236 = arith.constant 1 : i32
      %get3A_1237 = arith.index_cast %get3A_1236 : i32 to index
      %get3A_1238 = arith.constant 416 : index
      %get3A_1239 = tpu.vector_load %arg6[%get3A_1237, %get3A_1238] {strides = array<i32>} : memref<2x784xi32, #tpu.memory_space<vmem>>, vector<1x16xi32>,
      %get3A_1240 = vector.shape_cast %get3A_1239 : vector<1x16xi32> to vector<16xi32>
      %mul3A_1241 = arith.constant 125 : i32
      %mul3A_1242 = vector.broadcast %mul3A_1241 : i32 to vector<16xi32>
      %mul3A_1243 = arith.muli %get3A_1240, %mul3A_1242 : vector<16xi32>
      %add3A_1244 = vector.broadcast %add3A_32 : i32 to vector<16xi32>
      %add3A_1245 = arith.addi %mul3A_1243, %add3A_1244 : vector<16xi32>
      %swap3A_1246 = arith.constant 1 : i32
      %swap3A_1247 = arith.index_cast %swap3A_1246 : i32 to index
      %swap3A_1248 = arith.constant 416 : index
      %swap3A_1249 = tpu.vector_load %arg7[%swap3A_1247, %swap3A_1248] {strides = array<i32>} : memref<2x784xi32, #tpu.memory_space<vmem>>, vector<1x16xi32>,
      %swap3A_1250 = vector.shape_cast %swap3A_1249 : vector<1x16xi32> to vector<16xi32>
      %swap3A_1251 = vector.shape_cast %add3A_1245 : vector<16xi32> to vector<1x16xi32>
      tpu.vector_store %arg7[%swap3A_1247, %swap3A_1248], %swap3A_1251 {strides = array<i32>} : memref<2x784xi32, #tpu.memory_space<vmem>>, vector<1x16xi32>,
      %get3A_1252 = arith.constant 1 : i32
      %get3A_1253 = arith.index_cast %get3A_1252 : i32 to index
      %get3A_1254 = arith.constant 432 : index
      %get3A_1255 = tpu.vector_load %arg6[%get3A_1253, %get3A_1254] {strides = array<i32>} : memref<2x784xi32, #tpu.memory_space<vmem>>, vector<1x16xi32>,
      %get3A_1256 = vector.shape_cast %get3A_1255 : vector<1x16xi32> to vector<16xi32>
      %mul3A_1257 = arith.constant 125 : i32
      %mul3A_1258 = vector.broadcast %mul3A_1257 : i32 to vector<16xi32>
      %mul3A_1259 = arith.muli %get3A_1256, %mul3A_1258 : vector<16xi32>
      %add3A_1260 = vector.broadcast %add3A_32 : i32 to vector<16xi32>
      %add3A_1261 = arith.addi %mul3A_1259, %add3A_1260 : vector<16xi32>
      %swap3A_1262 = arith.constant 1 : i32
      %swap3A_1263 = arith.index_cast %swap3A_1262 : i32 to index
      %swap3A_1264 = arith.constant 432 : index
      %swap3A_1265 = tpu.vector_load %arg7[%swap3A_1263, %swap3A_1264] {strides = array<i32>} : memref<2x784xi32, #tpu.memory_space<vmem>>, vector<1x16xi32>,
      %swap3A_1266 = vector.shape_cast %swap3A_1265 : vector<1x16xi32> to vector<16xi32>
      %swap3A_1267 = vector.shape_cast %add3A_1261 : vector<16xi32> to vector<1x16xi32>
      tpu.vector_store %arg7[%swap3A_1263, %swap3A_1264], %swap3A_1267 {strides = array<i32>} : memref<2x784xi32, #tpu.memory_space<vmem>>, vector<1x16xi32>,
      %get3A_1268 = arith.constant 1 : i32
      %get3A_1269 = arith.index_cast %get3A_1268 : i32 to index
      %get3A_1270 = arith.constant 448 : index
      %get3A_1271 = tpu.vector_load %arg6[%get3A_1269, %get3A_1270] {strides = array<i32>} : memref<2x784xi32, #tpu.memory_space<vmem>>, vector<1x16xi32>,
      %get3A_1272 = vector.shape_cast %get3A_1271 : vector<1x16xi32> to vector<16xi32>
      %mul3A_1273 = arith.constant 125 : i32
      %mul3A_1274 = vector.broadcast %mul3A_1273 : i32 to vector<16xi32>
      %mul3A_1275 = arith.muli %get3A_1272, %mul3A_1274 : vector<16xi32>
      %add3A_1276 = vector.broadcast %add3A_32 : i32 to vector<16xi32>
      %add3A_1277 = arith.addi %mul3A_1275, %add3A_1276 : vector<16xi32>
      %swap3A_1278 = arith.constant 1 : i32
      %swap3A_1279 = arith.index_cast %swap3A_1278 : i32 to index
      %swap3A_1280 = arith.constant 448 : index
      %swap3A_1281 = tpu.vector_load %arg7[%swap3A_1279, %swap3A_1280] {strides = array<i32>} : memref<2x784xi32, #tpu.memory_space<vmem>>, vector<1x16xi32>,
      %swap3A_1282 = vector.shape_cast %swap3A_1281 : vector<1x16xi32> to vector<16xi32>
      %swap3A_1283 = vector.shape_cast %add3A_1277 : vector<16xi32> to vector<1x16xi32>
      tpu.vector_store %arg7[%swap3A_1279, %swap3A_1280], %swap3A_1283 {strides = array<i32>} : memref<2x784xi32, #tpu.memory_space<vmem>>, vector<1x16xi32>,
      %get3A_1284 = arith.constant 1 : i32
      %get3A_1285 = arith.index_cast %get3A_1284 : i32 to index
      %get3A_1286 = arith.constant 464 : index
      %get3A_1287 = tpu.vector_load %arg6[%get3A_1285, %get3A_1286] {strides = array<i32>} : memref<2x784xi32, #tpu.memory_space<vmem>>, vector<1x16xi32>,
      %get3A_1288 = vector.shape_cast %get3A_1287 : vector<1x16xi32> to vector<16xi32>
      %mul3A_1289 = arith.constant 125 : i32
      %mul3A_1290 = vector.broadcast %mul3A_1289 : i32 to vector<16xi32>
      %mul3A_1291 = arith.muli %get3A_1288, %mul3A_1290 : vector<16xi32>
      %add3A_1292 = vector.broadcast %add3A_32 : i32 to vector<16xi32>
      %add3A_1293 = arith.addi %mul3A_1291, %add3A_1292 : vector<16xi32>
      %swap3A_1294 = arith.constant 1 : i32
      %swap3A_1295 = arith.index_cast %swap3A_1294 : i32 to index
      %swap3A_1296 = arith.constant 464 : index
      %swap3A_1297 = tpu.vector_load %arg7[%swap3A_1295, %swap3A_1296] {strides = array<i32>} : memref<2x784xi32, #tpu.memory_space<vmem>>, vector<1x16xi32>,
      %swap3A_1298 = vector.shape_cast %swap3A_1297 : vector<1x16xi32> to vector<16xi32>
      %swap3A_1299 = vector.shape_cast %add3A_1293 : vector<16xi32> to vector<1x16xi32>
      tpu.vector_store %arg7[%swap3A_1295, %swap3A_1296], %swap3A_1299 {strides = array<i32>} : memref<2x784xi32, #tpu.memory_space<vmem>>, vector<1x16xi32>,
      %get3A_1300 = arith.constant 1 : i32
      %get3A_1301 = arith.index_cast %get3A_1300 : i32 to index
      %get3A_1302 = arith.constant 480 : index
      %get3A_1303 = tpu.vector_load %arg6[%get3A_1301, %get3A_1302] {strides = array<i32>} : memref<2x784xi32, #tpu.memory_space<vmem>>, vector<1x16xi32>,
      %get3A_1304 = vector.shape_cast %get3A_1303 : vector<1x16xi32> to vector<16xi32>
      %mul3A_1305 = arith.constant 125 : i32
      %mul3A_1306 = vector.broadcast %mul3A_1305 : i32 to vector<16xi32>
      %mul3A_1307 = arith.muli %get3A_1304, %mul3A_1306 : vector<16xi32>
      %add3A_1308 = vector.broadcast %add3A_32 : i32 to vector<16xi32>
      %add3A_1309 = arith.addi %mul3A_1307, %add3A_1308 : vector<16xi32>
      %swap3A_1310 = arith.constant 1 : i32
      %swap3A_1311 = arith.index_cast %swap3A_1310 : i32 to index
      %swap3A_1312 = arith.constant 480 : index
      %swap3A_1313 = tpu.vector_load %arg7[%swap3A_1311, %swap3A_1312] {strides = array<i32>} : memref<2x784xi32, #tpu.memory_space<vmem>>, vector<1x16xi32>,
      %swap3A_1314 = vector.shape_cast %swap3A_1313 : vector<1x16xi32> to vector<16xi32>
      %swap3A_1315 = vector.shape_cast %add3A_1309 : vector<16xi32> to vector<1x16xi32>
      tpu.vector_store %arg7[%swap3A_1311, %swap3A_1312], %swap3A_1315 {strides = array<i32>} : memref<2x784xi32, #tpu.memory_space<vmem>>, vector<1x16xi32>,
      %get3A_1316 = arith.constant 1 : i32
      %get3A_1317 = arith.index_cast %get3A_1316 : i32 to index
      %get3A_1318 = arith.constant 496 : index
      %get3A_1319 = tpu.vector_load %arg6[%get3A_1317, %get3A_1318] {strides = array<i32>} : memref<2x784xi32, #tpu.memory_space<vmem>>, vector<1x16xi32>,
      %get3A_1320 = vector.shape_cast %get3A_1319 : vector<1x16xi32> to vector<16xi32>
      %mul3A_1321 = arith.constant 125 : i32
      %mul3A_1322 = vector.broadcast %mul3A_1321 : i32 to vector<16xi32>
      %mul3A_1323 = arith.muli %get3A_1320, %mul3A_1322 : vector<16xi32>
      %add3A_1324 = vector.broadcast %add3A_32 : i32 to vector<16xi32>
      %add3A_1325 = arith.addi %mul3A_1323, %add3A_1324 : vector<16xi32>
      %swap3A_1326 = arith.constant 1 : i32
      %swap3A_1327 = arith.index_cast %swap3A_1326 : i32 to index
      %swap3A_1328 = arith.constant 496 : index
      %swap3A_1329 = tpu.vector_load %arg7[%swap3A_1327, %swap3A_1328] {strides = array<i32>} : memref<2x784xi32, #tpu.memory_space<vmem>>, vector<1x16xi32>,
      %swap3A_1330 = vector.shape_cast %swap3A_1329 : vector<1x16xi32> to vector<16xi32>
      %swap3A_1331 = vector.shape_cast %add3A_1325 : vector<16xi32> to vector<1x16xi32>
      tpu.vector_store %arg7[%swap3A_1327, %swap3A_1328], %swap3A_1331 {strides = array<i32>} : memref<2x784xi32, #tpu.memory_space<vmem>>, vector<1x16xi32>,
      %get3A_1332 = arith.constant 1 : i32
      %get3A_1333 = arith.index_cast %get3A_1332 : i32 to index
      %get3A_1334 = arith.constant 512 : index
      %get3A_1335 = tpu.vector_load %arg6[%get3A_1333, %get3A_1334] {strides = array<i32>} : memref<2x784xi32, #tpu.memory_space<vmem>>, vector<1x16xi32>,
      %get3A_1336 = vector.shape_cast %get3A_1335 : vector<1x16xi32> to vector<16xi32>
      %mul3A_1337 = arith.constant 125 : i32
      %mul3A_1338 = vector.broadcast %mul3A_1337 : i32 to vector<16xi32>
      %mul3A_1339 = arith.muli %get3A_1336, %mul3A_1338 : vector<16xi32>
      %add3A_1340 = vector.broadcast %add3A_32 : i32 to vector<16xi32>
      %add3A_1341 = arith.addi %mul3A_1339, %add3A_1340 : vector<16xi32>
      %swap3A_1342 = arith.constant 1 : i32
      %swap3A_1343 = arith.index_cast %swap3A_1342 : i32 to index
      %swap3A_1344 = arith.constant 512 : index
      %swap3A_1345 = tpu.vector_load %arg7[%swap3A_1343, %swap3A_1344] {strides = array<i32>} : memref<2x784xi32, #tpu.memory_space<vmem>>, vector<1x16xi32>,
      %swap3A_1346 = vector.shape_cast %swap3A_1345 : vector<1x16xi32> to vector<16xi32>
      %swap3A_1347 = vector.shape_cast %add3A_1341 : vector<16xi32> to vector<1x16xi32>
      tpu.vector_store %arg7[%swap3A_1343, %swap3A_1344], %swap3A_1347 {strides = array<i32>} : memref<2x784xi32, #tpu.memory_space<vmem>>, vector<1x16xi32>,
      %get3A_1348 = arith.constant 1 : i32
      %get3A_1349 = arith.index_cast %get3A_1348 : i32 to index
      %get3A_1350 = arith.constant 528 : index
      %get3A_1351 = tpu.vector_load %arg6[%get3A_1349, %get3A_1350] {strides = array<i32>} : memref<2x784xi32, #tpu.memory_space<vmem>>, vector<1x16xi32>,
      %get3A_1352 = vector.shape_cast %get3A_1351 : vector<1x16xi32> to vector<16xi32>
      %mul3A_1353 = arith.constant 125 : i32
      %mul3A_1354 = vector.broadcast %mul3A_1353 : i32 to vector<16xi32>
      %mul3A_1355 = arith.muli %get3A_1352, %mul3A_1354 : vector<16xi32>
      %add3A_1356 = vector.broadcast %add3A_32 : i32 to vector<16xi32>
      %add3A_1357 = arith.addi %mul3A_1355, %add3A_1356 : vector<16xi32>
      %swap3A_1358 = arith.constant 1 : i32
      %swap3A_1359 = arith.index_cast %swap3A_1358 : i32 to index
      %swap3A_1360 = arith.constant 528 : index
      %swap3A_1361 = tpu.vector_load %arg7[%swap3A_1359, %swap3A_1360] {strides = array<i32>} : memref<2x784xi32, #tpu.memory_space<vmem>>, vector<1x16xi32>,
      %swap3A_1362 = vector.shape_cast %swap3A_1361 : vector<1x16xi32> to vector<16xi32>
      %swap3A_1363 = vector.shape_cast %add3A_1357 : vector<16xi32> to vector<1x16xi32>
      tpu.vector_store %arg7[%swap3A_1359, %swap3A_1360], %swap3A_1363 {strides = array<i32>} : memref<2x784xi32, #tpu.memory_space<vmem>>, vector<1x16xi32>,
      %get3A_1364 = arith.constant 1 : i32
      %get3A_1365 = arith.index_cast %get3A_1364 : i32 to index
      %get3A_1366 = arith.constant 544 : index
      %get3A_1367 = tpu.vector_load %arg6[%get3A_1365, %get3A_1366] {strides = array<i32>} : memref<2x784xi32, #tpu.memory_space<vmem>>, vector<1x16xi32>,
      %get3A_1368 = vector.shape_cast %get3A_1367 : vector<1x16xi32> to vector<16xi32>
      %mul3A_1369 = arith.constant 125 : i32
      %mul3A_1370 = vector.broadcast %mul3A_1369 : i32 to vector<16xi32>
      %mul3A_1371 = arith.muli %get3A_1368, %mul3A_1370 : vector<16xi32>
      %add3A_1372 = vector.broadcast %add3A_32 : i32 to vector<16xi32>
      %add3A_1373 = arith.addi %mul3A_1371, %add3A_1372 : vector<16xi32>
      %swap3A_1374 = arith.constant 1 : i32
      %swap3A_1375 = arith.index_cast %swap3A_1374 : i32 to index
      %swap3A_1376 = arith.constant 544 : index
      %swap3A_1377 = tpu.vector_load %arg7[%swap3A_1375, %swap3A_1376] {strides = array<i32>} : memref<2x784xi32, #tpu.memory_space<vmem>>, vector<1x16xi32>,
      %swap3A_1378 = vector.shape_cast %swap3A_1377 : vector<1x16xi32> to vector<16xi32>
      %swap3A_1379 = vector.shape_cast %add3A_1373 : vector<16xi32> to vector<1x16xi32>
      tpu.vector_store %arg7[%swap3A_1375, %swap3A_1376], %swap3A_1379 {strides = array<i32>} : memref<2x784xi32, #tpu.memory_space<vmem>>, vector<1x16xi32>,
      %get3A_1380 = arith.constant 1 : i32
      %get3A_1381 = arith.index_cast %get3A_1380 : i32 to index
      %get3A_1382 = arith.constant 560 : index
      %get3A_1383 = tpu.vector_load %arg6[%get3A_1381, %get3A_1382] {strides = array<i32>} : memref<2x784xi32, #tpu.memory_space<vmem>>, vector<1x16xi32>,
      %get3A_1384 = vector.shape_cast %get3A_1383 : vector<1x16xi32> to vector<16xi32>
      %mul3A_1385 = arith.constant 125 : i32
      %mul3A_1386 = vector.broadcast %mul3A_1385 : i32 to vector<16xi32>
      %mul3A_1387 = arith.muli %get3A_1384, %mul3A_1386 : vector<16xi32>
      %add3A_1388 = vector.broadcast %add3A_32 : i32 to vector<16xi32>
      %add3A_1389 = arith.addi %mul3A_1387, %add3A_1388 : vector<16xi32>
      %swap3A_1390 = arith.constant 1 : i32
      %swap3A_1391 = arith.index_cast %swap3A_1390 : i32 to index
      %swap3A_1392 = arith.constant 560 : index
      %swap3A_1393 = tpu.vector_load %arg7[%swap3A_1391, %swap3A_1392] {strides = array<i32>} : memref<2x784xi32, #tpu.memory_space<vmem>>, vector<1x16xi32>,
      %swap3A_1394 = vector.shape_cast %swap3A_1393 : vector<1x16xi32> to vector<16xi32>
      %swap3A_1395 = vector.shape_cast %add3A_1389 : vector<16xi32> to vector<1x16xi32>
      tpu.vector_store %arg7[%swap3A_1391, %swap3A_1392], %swap3A_1395 {strides = array<i32>} : memref<2x784xi32, #tpu.memory_space<vmem>>, vector<1x16xi32>,
      %get3A_1396 = arith.constant 1 : i32
      %get3A_1397 = arith.index_cast %get3A_1396 : i32 to index
      %get3A_1398 = arith.constant 576 : index
      %get3A_1399 = tpu.vector_load %arg6[%get3A_1397, %get3A_1398] {strides = array<i32>} : memref<2x784xi32, #tpu.memory_space<vmem>>, vector<1x16xi32>,
      %get3A_1400 = vector.shape_cast %get3A_1399 : vector<1x16xi32> to vector<16xi32>
      %mul3A_1401 = arith.constant 125 : i32
      %mul3A_1402 = vector.broadcast %mul3A_1401 : i32 to vector<16xi32>
      %mul3A_1403 = arith.muli %get3A_1400, %mul3A_1402 : vector<16xi32>
      %add3A_1404 = vector.broadcast %add3A_32 : i32 to vector<16xi32>
      %add3A_1405 = arith.addi %mul3A_1403, %add3A_1404 : vector<16xi32>
      %swap3A_1406 = arith.constant 1 : i32
      %swap3A_1407 = arith.index_cast %swap3A_1406 : i32 to index
      %swap3A_1408 = arith.constant 576 : index
      %swap3A_1409 = tpu.vector_load %arg7[%swap3A_1407, %swap3A_1408] {strides = array<i32>} : memref<2x784xi32, #tpu.memory_space<vmem>>, vector<1x16xi32>,
      %swap3A_1410 = vector.shape_cast %swap3A_1409 : vector<1x16xi32> to vector<16xi32>
      %swap3A_1411 = vector.shape_cast %add3A_1405 : vector<16xi32> to vector<1x16xi32>
      tpu.vector_store %arg7[%swap3A_1407, %swap3A_1408], %swap3A_1411 {strides = array<i32>} : memref<2x784xi32, #tpu.memory_space<vmem>>, vector<1x16xi32>,
      %get3A_1412 = arith.constant 1 : i32
      %get3A_1413 = arith.index_cast %get3A_1412 : i32 to index
      %get3A_1414 = arith.constant 592 : index
      %get3A_1415 = tpu.vector_load %arg6[%get3A_1413, %get3A_1414] {strides = array<i32>} : memref<2x784xi32, #tpu.memory_space<vmem>>, vector<1x16xi32>,
      %get3A_1416 = vector.shape_cast %get3A_1415 : vector<1x16xi32> to vector<16xi32>
      %mul3A_1417 = arith.constant 125 : i32
      %mul3A_1418 = vector.broadcast %mul3A_1417 : i32 to vector<16xi32>
      %mul3A_1419 = arith.muli %get3A_1416, %mul3A_1418 : vector<16xi32>
      %add3A_1420 = vector.broadcast %add3A_32 : i32 to vector<16xi32>
      %add3A_1421 = arith.addi %mul3A_1419, %add3A_1420 : vector<16xi32>
      %swap3A_1422 = arith.constant 1 : i32
      %swap3A_1423 = arith.index_cast %swap3A_1422 : i32 to index
      %swap3A_1424 = arith.constant 592 : index
      %swap3A_1425 = tpu.vector_load %arg7[%swap3A_1423, %swap3A_1424] {strides = array<i32>} : memref<2x784xi32, #tpu.memory_space<vmem>>, vector<1x16xi32>,
      %swap3A_1426 = vector.shape_cast %swap3A_1425 : vector<1x16xi32> to vector<16xi32>
      %swap3A_1427 = vector.shape_cast %add3A_1421 : vector<16xi32> to vector<1x16xi32>
      tpu.vector_store %arg7[%swap3A_1423, %swap3A_1424], %swap3A_1427 {strides = array<i32>} : memref<2x784xi32, #tpu.memory_space<vmem>>, vector<1x16xi32>,
      %get3A_1428 = arith.constant 1 : i32
      %get3A_1429 = arith.index_cast %get3A_1428 : i32 to index
      %get3A_1430 = arith.constant 608 : index
      %get3A_1431 = tpu.vector_load %arg6[%get3A_1429, %get3A_1430] {strides = array<i32>} : memref<2x784xi32, #tpu.memory_space<vmem>>, vector<1x16xi32>,
      %get3A_1432 = vector.shape_cast %get3A_1431 : vector<1x16xi32> to vector<16xi32>
      %mul3A_1433 = arith.constant 125 : i32
      %mul3A_1434 = vector.broadcast %mul3A_1433 : i32 to vector<16xi32>
      %mul3A_1435 = arith.muli %get3A_1432, %mul3A_1434 : vector<16xi32>
      %add3A_1436 = vector.broadcast %add3A_32 : i32 to vector<16xi32>
      %add3A_1437 = arith.addi %mul3A_1435, %add3A_1436 : vector<16xi32>
      %swap3A_1438 = arith.constant 1 : i32
      %swap3A_1439 = arith.index_cast %swap3A_1438 : i32 to index
      %swap3A_1440 = arith.constant 608 : index
      %swap3A_1441 = tpu.vector_load %arg7[%swap3A_1439, %swap3A_1440] {strides = array<i32>} : memref<2x784xi32, #tpu.memory_space<vmem>>, vector<1x16xi32>,
      %swap3A_1442 = vector.shape_cast %swap3A_1441 : vector<1x16xi32> to vector<16xi32>
      %swap3A_1443 = vector.shape_cast %add3A_1437 : vector<16xi32> to vector<1x16xi32>
      tpu.vector_store %arg7[%swap3A_1439, %swap3A_1440], %swap3A_1443 {strides = array<i32>} : memref<2x784xi32, #tpu.memory_space<vmem>>, vector<1x16xi32>,
      %get3A_1444 = arith.constant 1 : i32
      %get3A_1445 = arith.index_cast %get3A_1444 : i32 to index
      %get3A_1446 = arith.constant 624 : index
      %get3A_1447 = tpu.vector_load %arg6[%get3A_1445, %get3A_1446] {strides = array<i32>} : memref<2x784xi32, #tpu.memory_space<vmem>>, vector<1x16xi32>,
      %get3A_1448 = vector.shape_cast %get3A_1447 : vector<1x16xi32> to vector<16xi32>
      %mul3A_1449 = arith.constant 125 : i32
      %mul3A_1450 = vector.broadcast %mul3A_1449 : i32 to vector<16xi32>
      %mul3A_1451 = arith.muli %get3A_1448, %mul3A_1450 : vector<16xi32>
      %add3A_1452 = vector.broadcast %add3A_32 : i32 to vector<16xi32>
      %add3A_1453 = arith.addi %mul3A_1451, %add3A_1452 : vector<16xi32>
      %swap3A_1454 = arith.constant 1 : i32
      %swap3A_1455 = arith.index_cast %swap3A_1454 : i32 to index
      %swap3A_1456 = arith.constant 624 : index
      %swap3A_1457 = tpu.vector_load %arg7[%swap3A_1455, %swap3A_1456] {strides = array<i32>} : memref<2x784xi32, #tpu.memory_space<vmem>>, vector<1x16xi32>,
      %swap3A_1458 = vector.shape_cast %swap3A_1457 : vector<1x16xi32> to vector<16xi32>
      %swap3A_1459 = vector.shape_cast %add3A_1453 : vector<16xi32> to vector<1x16xi32>
      tpu.vector_store %arg7[%swap3A_1455, %swap3A_1456], %swap3A_1459 {strides = array<i32>} : memref<2x784xi32, #tpu.memory_space<vmem>>, vector<1x16xi32>,
      %get3A_1460 = arith.constant 1 : i32
      %get3A_1461 = arith.index_cast %get3A_1460 : i32 to index
      %get3A_1462 = arith.constant 640 : index
      %get3A_1463 = tpu.vector_load %arg6[%get3A_1461, %get3A_1462] {strides = array<i32>} : memref<2x784xi32, #tpu.memory_space<vmem>>, vector<1x16xi32>,
      %get3A_1464 = vector.shape_cast %get3A_1463 : vector<1x16xi32> to vector<16xi32>
      %mul3A_1465 = arith.constant 125 : i32
      %mul3A_1466 = vector.broadcast %mul3A_1465 : i32 to vector<16xi32>
      %mul3A_1467 = arith.muli %get3A_1464, %mul3A_1466 : vector<16xi32>
      %add3A_1468 = vector.broadcast %add3A_32 : i32 to vector<16xi32>
      %add3A_1469 = arith.addi %mul3A_1467, %add3A_1468 : vector<16xi32>
      %swap3A_1470 = arith.constant 1 : i32
      %swap3A_1471 = arith.index_cast %swap3A_1470 : i32 to index
      %swap3A_1472 = arith.constant 640 : index
      %swap3A_1473 = tpu.vector_load %arg7[%swap3A_1471, %swap3A_1472] {strides = array<i32>} : memref<2x784xi32, #tpu.memory_space<vmem>>, vector<1x16xi32>,
      %swap3A_1474 = vector.shape_cast %swap3A_1473 : vector<1x16xi32> to vector<16xi32>
      %swap3A_1475 = vector.shape_cast %add3A_1469 : vector<16xi32> to vector<1x16xi32>
      tpu.vector_store %arg7[%swap3A_1471, %swap3A_1472], %swap3A_1475 {strides = array<i32>} : memref<2x784xi32, #tpu.memory_space<vmem>>, vector<1x16xi32>,
      %get3A_1476 = arith.constant 1 : i32
      %get3A_1477 = arith.index_cast %get3A_1476 : i32 to index
      %get3A_1478 = arith.constant 656 : index
      %get3A_1479 = tpu.vector_load %arg6[%get3A_1477, %get3A_1478] {strides = array<i32>} : memref<2x784xi32, #tpu.memory_space<vmem>>, vector<1x16xi32>,
      %get3A_1480 = vector.shape_cast %get3A_1479 : vector<1x16xi32> to vector<16xi32>
      %mul3A_1481 = arith.constant 125 : i32
      %mul3A_1482 = vector.broadcast %mul3A_1481 : i32 to vector<16xi32>
      %mul3A_1483 = arith.muli %get3A_1480, %mul3A_1482 : vector<16xi32>
      %add3A_1484 = vector.broadcast %add3A_32 : i32 to vector<16xi32>
      %add3A_1485 = arith.addi %mul3A_1483, %add3A_1484 : vector<16xi32>
      %swap3A_1486 = arith.constant 1 : i32
      %swap3A_1487 = arith.index_cast %swap3A_1486 : i32 to index
      %swap3A_1488 = arith.constant 656 : index
      %swap3A_1489 = tpu.vector_load %arg7[%swap3A_1487, %swap3A_1488] {strides = array<i32>} : memref<2x784xi32, #tpu.memory_space<vmem>>, vector<1x16xi32>,
      %swap3A_1490 = vector.shape_cast %swap3A_1489 : vector<1x16xi32> to vector<16xi32>
      %swap3A_1491 = vector.shape_cast %add3A_1485 : vector<16xi32> to vector<1x16xi32>
      tpu.vector_store %arg7[%swap3A_1487, %swap3A_1488], %swap3A_1491 {strides = array<i32>} : memref<2x784xi32, #tpu.memory_space<vmem>>, vector<1x16xi32>,
      %get3A_1492 = arith.constant 1 : i32
      %get3A_1493 = arith.index_cast %get3A_1492 : i32 to index
      %get3A_1494 = arith.constant 672 : index
      %get3A_1495 = tpu.vector_load %arg6[%get3A_1493, %get3A_1494] {strides = array<i32>} : memref<2x784xi32, #tpu.memory_space<vmem>>, vector<1x16xi32>,
      %get3A_1496 = vector.shape_cast %get3A_1495 : vector<1x16xi32> to vector<16xi32>
      %mul3A_1497 = arith.constant 125 : i32
      %mul3A_1498 = vector.broadcast %mul3A_1497 : i32 to vector<16xi32>
      %mul3A_1499 = arith.muli %get3A_1496, %mul3A_1498 : vector<16xi32>
      %add3A_1500 = vector.broadcast %add3A_32 : i32 to vector<16xi32>
      %add3A_1501 = arith.addi %mul3A_1499, %add3A_1500 : vector<16xi32>
      %swap3A_1502 = arith.constant 1 : i32
      %swap3A_1503 = arith.index_cast %swap3A_1502 : i32 to index
      %swap3A_1504 = arith.constant 672 : index
      %swap3A_1505 = tpu.vector_load %arg7[%swap3A_1503, %swap3A_1504] {strides = array<i32>} : memref<2x784xi32, #tpu.memory_space<vmem>>, vector<1x16xi32>,
      %swap3A_1506 = vector.shape_cast %swap3A_1505 : vector<1x16xi32> to vector<16xi32>
      %swap3A_1507 = vector.shape_cast %add3A_1501 : vector<16xi32> to vector<1x16xi32>
      tpu.vector_store %arg7[%swap3A_1503, %swap3A_1504], %swap3A_1507 {strides = array<i32>} : memref<2x784xi32, #tpu.memory_space<vmem>>, vector<1x16xi32>,
      %get3A_1508 = arith.constant 1 : i32
      %get3A_1509 = arith.index_cast %get3A_1508 : i32 to index
      %get3A_1510 = arith.constant 688 : index
      %get3A_1511 = tpu.vector_load %arg6[%get3A_1509, %get3A_1510] {strides = array<i32>} : memref<2x784xi32, #tpu.memory_space<vmem>>, vector<1x16xi32>,
      %get3A_1512 = vector.shape_cast %get3A_1511 : vector<1x16xi32> to vector<16xi32>
      %mul3A_1513 = arith.constant 125 : i32
      %mul3A_1514 = vector.broadcast %mul3A_1513 : i32 to vector<16xi32>
      %mul3A_1515 = arith.muli %get3A_1512, %mul3A_1514 : vector<16xi32>
      %add3A_1516 = vector.broadcast %add3A_32 : i32 to vector<16xi32>
      %add3A_1517 = arith.addi %mul3A_1515, %add3A_1516 : vector<16xi32>
      %swap3A_1518 = arith.constant 1 : i32
      %swap3A_1519 = arith.index_cast %swap3A_1518 : i32 to index
      %swap3A_1520 = arith.constant 688 : index
      %swap3A_1521 = tpu.vector_load %arg7[%swap3A_1519, %swap3A_1520] {strides = array<i32>} : memref<2x784xi32, #tpu.memory_space<vmem>>, vector<1x16xi32>,
      %swap3A_1522 = vector.shape_cast %swap3A_1521 : vector<1x16xi32> to vector<16xi32>
      %swap3A_1523 = vector.shape_cast %add3A_1517 : vector<16xi32> to vector<1x16xi32>
      tpu.vector_store %arg7[%swap3A_1519, %swap3A_1520], %swap3A_1523 {strides = array<i32>} : memref<2x784xi32, #tpu.memory_space<vmem>>, vector<1x16xi32>,
      %get3A_1524 = arith.constant 1 : i32
      %get3A_1525 = arith.index_cast %get3A_1524 : i32 to index
      %get3A_1526 = arith.constant 704 : index
      %get3A_1527 = tpu.vector_load %arg6[%get3A_1525, %get3A_1526] {strides = array<i32>} : memref<2x784xi32, #tpu.memory_space<vmem>>, vector<1x16xi32>,
      %get3A_1528 = vector.shape_cast %get3A_1527 : vector<1x16xi32> to vector<16xi32>
      %mul3A_1529 = arith.constant 125 : i32
      %mul3A_1530 = vector.broadcast %mul3A_1529 : i32 to vector<16xi32>
      %mul3A_1531 = arith.muli %get3A_1528, %mul3A_1530 : vector<16xi32>
      %add3A_1532 = vector.broadcast %add3A_32 : i32 to vector<16xi32>
      %add3A_1533 = arith.addi %mul3A_1531, %add3A_1532 : vector<16xi32>
      %swap3A_1534 = arith.constant 1 : i32
      %swap3A_1535 = arith.index_cast %swap3A_1534 : i32 to index
      %swap3A_1536 = arith.constant 704 : index
      %swap3A_1537 = tpu.vector_load %arg7[%swap3A_1535, %swap3A_1536] {strides = array<i32>} : memref<2x784xi32, #tpu.memory_space<vmem>>, vector<1x16xi32>,
      %swap3A_1538 = vector.shape_cast %swap3A_1537 : vector<1x16xi32> to vector<16xi32>
      %swap3A_1539 = vector.shape_cast %add3A_1533 : vector<16xi32> to vector<1x16xi32>
      tpu.vector_store %arg7[%swap3A_1535, %swap3A_1536], %swap3A_1539 {strides = array<i32>} : memref<2x784xi32, #tpu.memory_space<vmem>>, vector<1x16xi32>,
      %get3A_1540 = arith.constant 1 : i32
      %get3A_1541 = arith.index_cast %get3A_1540 : i32 to index
      %get3A_1542 = arith.constant 720 : index
      %get3A_1543 = tpu.vector_load %arg6[%get3A_1541, %get3A_1542] {strides = array<i32>} : memref<2x784xi32, #tpu.memory_space<vmem>>, vector<1x16xi32>,
      %get3A_1544 = vector.shape_cast %get3A_1543 : vector<1x16xi32> to vector<16xi32>
      %mul3A_1545 = arith.constant 125 : i32
      %mul3A_1546 = vector.broadcast %mul3A_1545 : i32 to vector<16xi32>
      %mul3A_1547 = arith.muli %get3A_1544, %mul3A_1546 : vector<16xi32>
      %add3A_1548 = vector.broadcast %add3A_32 : i32 to vector<16xi32>
      %add3A_1549 = arith.addi %mul3A_1547, %add3A_1548 : vector<16xi32>
      %swap3A_1550 = arith.constant 1 : i32
      %swap3A_1551 = arith.index_cast %swap3A_1550 : i32 to index
      %swap3A_1552 = arith.constant 720 : index
      %swap3A_1553 = tpu.vector_load %arg7[%swap3A_1551, %swap3A_1552] {strides = array<i32>} : memref<2x784xi32, #tpu.memory_space<vmem>>, vector<1x16xi32>,
      %swap3A_1554 = vector.shape_cast %swap3A_1553 : vector<1x16xi32> to vector<16xi32>
      %swap3A_1555 = vector.shape_cast %add3A_1549 : vector<16xi32> to vector<1x16xi32>
      tpu.vector_store %arg7[%swap3A_1551, %swap3A_1552], %swap3A_1555 {strides = array<i32>} : memref<2x784xi32, #tpu.memory_space<vmem>>, vector<1x16xi32>,
      %get3A_1556 = arith.constant 1 : i32
      %get3A_1557 = arith.index_cast %get3A_1556 : i32 to index
      %get3A_1558 = arith.constant 736 : index
      %get3A_1559 = tpu.vector_load %arg6[%get3A_1557, %get3A_1558] {strides = array<i32>} : memref<2x784xi32, #tpu.memory_space<vmem>>, vector<1x16xi32>,
      %get3A_1560 = vector.shape_cast %get3A_1559 : vector<1x16xi32> to vector<16xi32>
      %mul3A_1561 = arith.constant 125 : i32
      %mul3A_1562 = vector.broadcast %mul3A_1561 : i32 to vector<16xi32>
      %mul3A_1563 = arith.muli %get3A_1560, %mul3A_1562 : vector<16xi32>
      %add3A_1564 = vector.broadcast %add3A_32 : i32 to vector<16xi32>
      %add3A_1565 = arith.addi %mul3A_1563, %add3A_1564 : vector<16xi32>
      %swap3A_1566 = arith.constant 1 : i32
      %swap3A_1567 = arith.index_cast %swap3A_1566 : i32 to index
      %swap3A_1568 = arith.constant 736 : index
      %swap3A_1569 = tpu.vector_load %arg7[%swap3A_1567, %swap3A_1568] {strides = array<i32>} : memref<2x784xi32, #tpu.memory_space<vmem>>, vector<1x16xi32>,
      %swap3A_1570 = vector.shape_cast %swap3A_1569 : vector<1x16xi32> to vector<16xi32>
      %swap3A_1571 = vector.shape_cast %add3A_1565 : vector<16xi32> to vector<1x16xi32>
      tpu.vector_store %arg7[%swap3A_1567, %swap3A_1568], %swap3A_1571 {strides = array<i32>} : memref<2x784xi32, #tpu.memory_space<vmem>>, vector<1x16xi32>,
      %get3A_1572 = arith.constant 1 : i32
      %get3A_1573 = arith.index_cast %get3A_1572 : i32 to index
      %get3A_1574 = arith.constant 752 : index
      %get3A_1575 = tpu.vector_load %arg6[%get3A_1573, %get3A_1574] {strides = array<i32>} : memref<2x784xi32, #tpu.memory_space<vmem>>, vector<1x16xi32>,
      %get3A_1576 = vector.shape_cast %get3A_1575 : vector<1x16xi32> to vector<16xi32>
      %mul3A_1577 = arith.constant 125 : i32
      %mul3A_1578 = vector.broadcast %mul3A_1577 : i32 to vector<16xi32>
      %mul3A_1579 = arith.muli %get3A_1576, %mul3A_1578 : vector<16xi32>
      %add3A_1580 = vector.broadcast %add3A_32 : i32 to vector<16xi32>
      %add3A_1581 = arith.addi %mul3A_1579, %add3A_1580 : vector<16xi32>
      %swap3A_1582 = arith.constant 1 : i32
      %swap3A_1583 = arith.index_cast %swap3A_1582 : i32 to index
      %swap3A_1584 = arith.constant 752 : index
      %swap3A_1585 = tpu.vector_load %arg7[%swap3A_1583, %swap3A_1584] {strides = array<i32>} : memref<2x784xi32, #tpu.memory_space<vmem>>, vector<1x16xi32>,
      %swap3A_1586 = vector.shape_cast %swap3A_1585 : vector<1x16xi32> to vector<16xi32>
      %swap3A_1587 = vector.shape_cast %add3A_1581 : vector<16xi32> to vector<1x16xi32>
      tpu.vector_store %arg7[%swap3A_1583, %swap3A_1584], %swap3A_1587 {strides = array<i32>} : memref<2x784xi32, #tpu.memory_space<vmem>>, vector<1x16xi32>,
      %get3A_1588 = arith.constant 1 : i32
      %get3A_1589 = arith.index_cast %get3A_1588 : i32 to index
      %get3A_1590 = arith.constant 768 : index
      %get3A_1591 = tpu.vector_load %arg6[%get3A_1589, %get3A_1590] {strides = array<i32>} : memref<2x784xi32, #tpu.memory_space<vmem>>, vector<1x16xi32>,
      %get3A_1592 = vector.shape_cast %get3A_1591 : vector<1x16xi32> to vector<16xi32>
      %mul3A_1593 = arith.constant 125 : i32
      %mul3A_1594 = vector.broadcast %mul3A_1593 : i32 to vector<16xi32>
      %mul3A_1595 = arith.muli %get3A_1592, %mul3A_1594 : vector<16xi32>
      %add3A_1596 = vector.broadcast %add3A_32 : i32 to vector<16xi32>
      %add3A_1597 = arith.addi %mul3A_1595, %add3A_1596 : vector<16xi32>
      %swap3A_1598 = arith.constant 1 : i32
      %swap3A_1599 = arith.index_cast %swap3A_1598 : i32 to index
      %swap3A_1600 = arith.constant 768 : index
      %swap3A_1601 = tpu.vector_load %arg7[%swap3A_1599, %swap3A_1600] {strides = array<i32>} : memref<2x784xi32, #tpu.memory_space<vmem>>, vector<1x16xi32>,
      %swap3A_1602 = vector.shape_cast %swap3A_1601 : vector<1x16xi32> to vector<16xi32>
      %swap3A_1603 = vector.shape_cast %add3A_1597 : vector<16xi32> to vector<1x16xi32>
      tpu.vector_store %arg7[%swap3A_1599, %swap3A_1600], %swap3A_1603 {strides = array<i32>} : memref<2x784xi32, #tpu.memory_space<vmem>>, vector<1x16xi32>,
      %broadcast_in_dim3A = arith.constant 0.000000e+00 : f32
      %broadcast_in_dim3A_1604 = vector.broadcast %broadcast_in_dim3A : f32 to vector<16xf32>
      %swap3A_1605 = arith.constant 0 : i32
      %swap3A_1606 = arith.index_cast %swap3A_1605 : i32 to index
      %swap3A_1607 = arith.constant 0 : index
      %swap3A_1608 = tpu.vector_load %arg12[%swap3A_1606, %swap3A_1607] {strides = array<i32>} : memref<2x80xf32, #tpu.memory_space<vmem>>, vector<1x16xf32>,
      %swap3A_1609 = vector.shape_cast %swap3A_1608 : vector<1x16xf32> to vector<16xf32>
      %swap3A_1610 = vector.shape_cast %broadcast_in_dim3A_1604 : vector<16xf32> to vector<1x16xf32>
      tpu.vector_store %arg12[%swap3A_1606, %swap3A_1607], %swap3A_1610 {strides = array<i32>} : memref<2x80xf32, #tpu.memory_space<vmem>>, vector<1x16xf32>,
      %swap3A_1611 = arith.constant 0 : i32
      %swap3A_1612 = arith.index_cast %swap3A_1611 : i32 to index
      %swap3A_1613 = arith.constant 16 : index
      %swap3A_1614 = tpu.vector_load %arg12[%swap3A_1612, %swap3A_1613] {strides = array<i32>} : memref<2x80xf32, #tpu.memory_space<vmem>>, vector<1x16xf32>,
      %swap3A_1615 = vector.shape_cast %swap3A_1614 : vector<1x16xf32> to vector<16xf32>
      %swap3A_1616 = vector.shape_cast %broadcast_in_dim3A_1604 : vector<16xf32> to vector<1x16xf32>
      tpu.vector_store %arg12[%swap3A_1612, %swap3A_1613], %swap3A_1616 {strides = array<i32>} : memref<2x80xf32, #tpu.memory_space<vmem>>, vector<1x16xf32>,
      %swap3A_1617 = arith.constant 0 : i32
      %swap3A_1618 = arith.index_cast %swap3A_1617 : i32 to index
      %swap3A_1619 = arith.constant 32 : index
      %swap3A_1620 = tpu.vector_load %arg12[%swap3A_1618, %swap3A_1619] {strides = array<i32>} : memref<2x80xf32, #tpu.memory_space<vmem>>, vector<1x16xf32>,
      %swap3A_1621 = vector.shape_cast %swap3A_1620 : vector<1x16xf32> to vector<16xf32>
      %swap3A_1622 = vector.shape_cast %broadcast_in_dim3A_1604 : vector<16xf32> to vector<1x16xf32>
      tpu.vector_store %arg12[%swap3A_1618, %swap3A_1619], %swap3A_1622 {strides = array<i32>} : memref<2x80xf32, #tpu.memory_space<vmem>>, vector<1x16xf32>,
      %swap3A_1623 = arith.constant 0 : i32
      %swap3A_1624 = arith.index_cast %swap3A_1623 : i32 to index
      %swap3A_1625 = arith.constant 48 : index
      %swap3A_1626 = tpu.vector_load %arg12[%swap3A_1624, %swap3A_1625] {strides = array<i32>} : memref<2x80xf32, #tpu.memory_space<vmem>>, vector<1x16xf32>,
      %swap3A_1627 = vector.shape_cast %swap3A_1626 : vector<1x16xf32> to vector<16xf32>
      %swap3A_1628 = vector.shape_cast %broadcast_in_dim3A_1604 : vector<16xf32> to vector<1x16xf32>
      tpu.vector_store %arg12[%swap3A_1624, %swap3A_1625], %swap3A_1628 {strides = array<i32>} : memref<2x80xf32, #tpu.memory_space<vmem>>, vector<1x16xf32>,
      %swap3A_1629 = arith.constant 0 : i32
      %swap3A_1630 = arith.index_cast %swap3A_1629 : i32 to index
      %swap3A_1631 = arith.constant 64 : index
      %swap3A_1632 = tpu.vector_load %arg12[%swap3A_1630, %swap3A_1631] {strides = array<i32>} : memref<2x80xf32, #tpu.memory_space<vmem>>, vector<1x16xf32>,
      %swap3A_1633 = vector.shape_cast %swap3A_1632 : vector<1x16xf32> to vector<16xf32>
      %swap3A_1634 = vector.shape_cast %broadcast_in_dim3A_1604 : vector<16xf32> to vector<1x16xf32>
      tpu.vector_store %arg12[%swap3A_1630, %swap3A_1631], %swap3A_1634 {strides = array<i32>} : memref<2x80xf32, #tpu.memory_space<vmem>>, vector<1x16xf32>,
      %swap3A_1635 = arith.constant 1 : i32
      %swap3A_1636 = arith.index_cast %swap3A_1635 : i32 to index
      %swap3A_1637 = arith.constant 0 : index
      %swap3A_1638 = tpu.vector_load %arg12[%swap3A_1636, %swap3A_1637] {strides = array<i32>} : memref<2x80xf32, #tpu.memory_space<vmem>>, vector<1x16xf32>,
      %swap3A_1639 = vector.shape_cast %swap3A_1638 : vector<1x16xf32> to vector<16xf32>
      %swap3A_1640 = vector.shape_cast %broadcast_in_dim3A_1604 : vector<16xf32> to vector<1x16xf32>
      tpu.vector_store %arg12[%swap3A_1636, %swap3A_1637], %swap3A_1640 {strides = array<i32>} : memref<2x80xf32, #tpu.memory_space<vmem>>, vector<1x16xf32>,
      %swap3A_1641 = arith.constant 1 : i32
      %swap3A_1642 = arith.index_cast %swap3A_1641 : i32 to index
      %swap3A_1643 = arith.constant 16 : index
      %swap3A_1644 = tpu.vector_load %arg12[%swap3A_1642, %swap3A_1643] {strides = array<i32>} : memref<2x80xf32, #tpu.memory_space<vmem>>, vector<1x16xf32>,
      %swap3A_1645 = vector.shape_cast %swap3A_1644 : vector<1x16xf32> to vector<16xf32>
      %swap3A_1646 = vector.shape_cast %broadcast_in_dim3A_1604 : vector<16xf32> to vector<1x16xf32>
      tpu.vector_store %arg12[%swap3A_1642, %swap3A_1643], %swap3A_1646 {strides = array<i32>} : memref<2x80xf32, #tpu.memory_space<vmem>>, vector<1x16xf32>,
      %swap3A_1647 = arith.constant 1 : i32
      %swap3A_1648 = arith.index_cast %swap3A_1647 : i32 to index
      %swap3A_1649 = arith.constant 32 : index
      %swap3A_1650 = tpu.vector_load %arg12[%swap3A_1648, %swap3A_1649] {strides = array<i32>} : memref<2x80xf32, #tpu.memory_space<vmem>>, vector<1x16xf32>,
      %swap3A_1651 = vector.shape_cast %swap3A_1650 : vector<1x16xf32> to vector<16xf32>
      %swap3A_1652 = vector.shape_cast %broadcast_in_dim3A_1604 : vector<16xf32> to vector<1x16xf32>
      tpu.vector_store %arg12[%swap3A_1648, %swap3A_1649], %swap3A_1652 {strides = array<i32>} : memref<2x80xf32, #tpu.memory_space<vmem>>, vector<1x16xf32>,
      %swap3A_1653 = arith.constant 1 : i32
      %swap3A_1654 = arith.index_cast %swap3A_1653 : i32 to index
      %swap3A_1655 = arith.constant 48 : index
      %swap3A_1656 = tpu.vector_load %arg12[%swap3A_1654, %swap3A_1655] {strides = array<i32>} : memref<2x80xf32, #tpu.memory_space<vmem>>, vector<1x16xf32>,
      %swap3A_1657 = vector.shape_cast %swap3A_1656 : vector<1x16xf32> to vector<16xf32>
      %swap3A_1658 = vector.shape_cast %broadcast_in_dim3A_1604 : vector<16xf32> to vector<1x16xf32>
      tpu.vector_store %arg12[%swap3A_1654, %swap3A_1655], %swap3A_1658 {strides = array<i32>} : memref<2x80xf32, #tpu.memory_space<vmem>>, vector<1x16xf32>,
      %swap3A_1659 = arith.constant 1 : i32
      %swap3A_1660 = arith.index_cast %swap3A_1659 : i32 to index
      %swap3A_1661 = arith.constant 64 : index
      %swap3A_1662 = tpu.vector_load %arg12[%swap3A_1660, %swap3A_1661] {strides = array<i32>} : memref<2x80xf32, #tpu.memory_space<vmem>>, vector<1x16xf32>,
      %swap3A_1663 = vector.shape_cast %swap3A_1662 : vector<1x16xf32> to vector<16xf32>
      %swap3A_1664 = vector.shape_cast %broadcast_in_dim3A_1604 : vector<16xf32> to vector<1x16xf32>
      tpu.vector_store %arg12[%swap3A_1660, %swap3A_1661], %swap3A_1664 {strides = array<i32>} : memref<2x80xf32, #tpu.memory_space<vmem>>, vector<1x16xf32>,
      %mul3A_1665 = arith.constant 80 : i32
      %mul3A_1666 = arith.muli %add3A_32, %mul3A_1665 : i32
      %dma_start3A = arith.constant 0 : i32
      %dma_start3A_1667 = arith.constant 0 : i32
      %dma_start3A_1668 = arith.constant 0 : i32
      %dma_start3A_1669 = arith.constant 0 : i32
      %dma_start3A_1670 = tpu.memref_slice %arg8[%dma_start3A_1667, %dma_start3A_1668, %dma_start3A_1669] : memref<2x56x80xf32, #tpu.memory_space<vmem>> -> memref<1x56x80xf32, #tpu.memory_space<vmem>>
      %dma_start3A_1671 = tpu.memref_squeeze %dma_start3A_1670 : memref<1x56x80xf32, #tpu.memory_space<vmem>> -> memref<56x80xf32, #tpu.memory_space<vmem>>
      %dma_start3A_1672 = arith.constant 0 : i32
      %dma_start3A_1673 = tpu.memref_slice %arg7[%dma_start3A, %dma_start3A_1672] : memref<2x784xi32, #tpu.memory_space<vmem>> -> memref<1x56xi32, #tpu.memory_space<vmem>>
      %dma_start3A_1674 = tpu.memref_squeeze %dma_start3A_1673 : memref<1x56xi32, #tpu.memory_space<vmem>> -> memref<56xi32, #tpu.memory_space<vmem>>
      %dma_start3A_1675 = arith.constant 0 : i32
      %dma_start3A_1676 = arith.constant 0 : i32
      %dma_start3A_1677 = tpu.memref_slice %arg2[%dma_start3A_1675, %dma_start3A_1676] : memref<125000x80xf32, #tpu.memory_space<hbm>> -> memref<125000x80xf32, #tpu.memory_space<hbm>>
      tpu.enqueue_indirect_dma source(%dma_start3A_1677 : memref<125000x80xf32, #tpu.memory_space<hbm>>) target(%dma_start3A_1671 : memref<56x80xf32, #tpu.memory_space<vmem>>) offsets(%dma_start3A_1674 : memref<56xi32, #tpu.memory_space<vmem>>) semaphore(%arg13 : memref<!tpu.dma_semaphore, #tpu.memory_space<semaphore_mem>>)
      %dma_start3A_1678 = arith.constant 1 : i32
      %dma_start3A_1679 = arith.constant 1 : i32
      %dma_start3A_1680 = arith.constant 0 : i32
      %dma_start3A_1681 = arith.constant 0 : i32
      %dma_start3A_1682 = tpu.memref_slice %arg8[%dma_start3A_1679, %dma_start3A_1680, %dma_start3A_1681] : memref<2x56x80xf32, #tpu.memory_space<vmem>> -> memref<1x56x80xf32, #tpu.memory_space<vmem>>
      %dma_start3A_1683 = tpu.memref_squeeze %dma_start3A_1682 : memref<1x56x80xf32, #tpu.memory_space<vmem>> -> memref<56x80xf32, #tpu.memory_space<vmem>>
      %dma_start3A_1684 = arith.constant 0 : i32
      %dma_start3A_1685 = tpu.memref_slice %arg7[%dma_start3A_1678, %dma_start3A_1684] : memref<2x784xi32, #tpu.memory_space<vmem>> -> memref<1x56xi32, #tpu.memory_space<vmem>>
      %dma_start3A_1686 = tpu.memref_squeeze %dma_start3A_1685 : memref<1x56xi32, #tpu.memory_space<vmem>> -> memref<56xi32, #tpu.memory_space<vmem>>
      %dma_start3A_1687 = arith.constant 0 : i32
      %dma_start3A_1688 = arith.constant 0 : i32
      %dma_start3A_1689 = tpu.memref_slice %arg2[%dma_start3A_1687, %dma_start3A_1688] : memref<125000x80xf32, #tpu.memory_space<hbm>> -> memref<125000x80xf32, #tpu.memory_space<hbm>>
      tpu.enqueue_indirect_dma source(%dma_start3A_1689 : memref<125000x80xf32, #tpu.memory_space<hbm>>) target(%dma_start3A_1683 : memref<56x80xf32, #tpu.memory_space<vmem>>) offsets(%dma_start3A_1686 : memref<56xi32, #tpu.memory_space<vmem>>) semaphore(%arg13 : memref<!tpu.dma_semaphore, #tpu.memory_space<semaphore_mem>>)
      %dma_start3A_1690 = arith.constant 0 : i32
      %dma_start3A_1691 = tpu.memref_slice %arg3[%dma_start3A_1690, %mul3A_1666] : memref<784x10000xf32, #tpu.memory_space<hbm>> -> memref<56x80xf32, #tpu.memory_space<hbm>>
      %dma_start3A_1692 = arith.constant 0 : i32
      %dma_start3A_1693 = tpu.memref_slice %arg3[%dma_start3A_1692, %mul3A_1666] : memref<784x10000xf32, #tpu.memory_space<hbm>> -> memref<56x80xf32, #tpu.memory_space<hbm>>
      tpu.enqueue_dma source(%dma_start3A_1693 : memref<56x80xf32, #tpu.memory_space<hbm>>) target(%arg10 : memref<56x80xf32, #tpu.memory_space<vmem>>) target_semaphore(%arg13 : memref<!tpu.dma_semaphore, #tpu.memory_space<semaphore_mem>>)
      %scan3A = arith.constant 0 : i32
      %scan3A_1694 = arith.constant 0 : i32
      %scan3A_1695 = arith.constant 7 : i32
      %scan3A_1696 = arith.addi %scan3A_1694, %scan3A_1695 : i32
      %scan3A_1697 = arith.constant 1 : i32
      scf.for %scan3A_1703 = %scan3A_1694 to %scan3A_1696 step %scan3A_1697  : i32 {
        %mul3A_1704 = arith.constant 2 : i32
        %mul3A_1705 = arith.muli %mul3A_1704, %scan3A_1703 : i32
        %add3A_1706 = arith.constant 1 : i32
        %add3A_1707 = arith.addi %mul3A_1705, %add3A_1706 : i32
        %mul3A_1708 = arith.constant 56 : i32
        %mul3A_1709 = arith.muli %add3A_1707, %mul3A_1708 : i32
        %mul3A_1710 = arith.constant 56 : i32
        %mul3A_1711 = arith.muli %add3A_1707, %mul3A_1710 : i32
        %mul3A_1712 = arith.constant 56 : i32
        %mul3A_1713 = arith.muli %add3A_1707, %mul3A_1712 : i32
        %mul3A_1714 = arith.constant 80 : i32
        %mul3A_1715 = arith.muli %add3A_32, %mul3A_1714 : i32
        %dma_start3A_1716 = arith.constant 0 : i32
        %dma_start3A_1717 = arith.constant 0 : i32
        %dma_start3A_1718 = arith.constant 0 : i32
        %dma_start3A_1719 = arith.constant 0 : i32
        %dma_start3A_1720 = tpu.memref_slice %arg9[%dma_start3A_1717, %dma_start3A_1718, %dma_start3A_1719] : memref<2x56x80xf32, #tpu.memory_space<vmem>> -> memref<1x56x80xf32, #tpu.memory_space<vmem>>
        %dma_start3A_1721 = tpu.memref_squeeze %dma_start3A_1720 : memref<1x56x80xf32, #tpu.memory_space<vmem>> -> memref<56x80xf32, #tpu.memory_space<vmem>>
        %dma_start3A_1722 = tpu.memref_slice %arg7[%dma_start3A_1716, %mul3A_1709] : memref<2x784xi32, #tpu.memory_space<vmem>> -> memref<1x56xi32, #tpu.memory_space<vmem>>
        %dma_start3A_1723 = tpu.memref_squeeze %dma_start3A_1722 : memref<1x56xi32, #tpu.memory_space<vmem>> -> memref<56xi32, #tpu.memory_space<vmem>>
        %dma_start3A_1724 = arith.constant 0 : i32
        %dma_start3A_1725 = arith.constant 0 : i32
        %dma_start3A_1726 = tpu.memref_slice %arg2[%dma_start3A_1724, %dma_start3A_1725] : memref<125000x80xf32, #tpu.memory_space<hbm>> -> memref<125000x80xf32, #tpu.memory_space<hbm>>
        tpu.enqueue_indirect_dma source(%dma_start3A_1726 : memref<125000x80xf32, #tpu.memory_space<hbm>>) target(%dma_start3A_1721 : memref<56x80xf32, #tpu.memory_space<vmem>>) offsets(%dma_start3A_1723 : memref<56xi32, #tpu.memory_space<vmem>>) semaphore(%arg14 : memref<!tpu.dma_semaphore, #tpu.memory_space<semaphore_mem>>)
        %dma_start3A_1727 = arith.constant 1 : i32
        %dma_start3A_1728 = arith.constant 1 : i32
        %dma_start3A_1729 = arith.constant 0 : i32
        %dma_start3A_1730 = arith.constant 0 : i32
        %dma_start3A_1731 = tpu.memref_slice %arg9[%dma_start3A_1728, %dma_start3A_1729, %dma_start3A_1730] : memref<2x56x80xf32, #tpu.memory_space<vmem>> -> memref<1x56x80xf32, #tpu.memory_space<vmem>>
        %dma_start3A_1732 = tpu.memref_squeeze %dma_start3A_1731 : memref<1x56x80xf32, #tpu.memory_space<vmem>> -> memref<56x80xf32, #tpu.memory_space<vmem>>
        %dma_start3A_1733 = tpu.memref_slice %arg7[%dma_start3A_1727, %mul3A_1711] : memref<2x784xi32, #tpu.memory_space<vmem>> -> memref<1x56xi32, #tpu.memory_space<vmem>>
        %dma_start3A_1734 = tpu.memref_squeeze %dma_start3A_1733 : memref<1x56xi32, #tpu.memory_space<vmem>> -> memref<56xi32, #tpu.memory_space<vmem>>
        %dma_start3A_1735 = arith.constant 0 : i32
        %dma_start3A_1736 = arith.constant 0 : i32
        %dma_start3A_1737 = tpu.memref_slice %arg2[%dma_start3A_1735, %dma_start3A_1736] : memref<125000x80xf32, #tpu.memory_space<hbm>> -> memref<125000x80xf32, #tpu.memory_space<hbm>>
        tpu.enqueue_indirect_dma source(%dma_start3A_1737 : memref<125000x80xf32, #tpu.memory_space<hbm>>) target(%dma_start3A_1732 : memref<56x80xf32, #tpu.memory_space<vmem>>) offsets(%dma_start3A_1734 : memref<56xi32, #tpu.memory_space<vmem>>) semaphore(%arg14 : memref<!tpu.dma_semaphore, #tpu.memory_space<semaphore_mem>>)
        %dma_start3A_1738 = tpu.memref_slice %arg3[%mul3A_1713, %mul3A_1715] : memref<784x10000xf32, #tpu.memory_space<hbm>> -> memref<56x80xf32, #tpu.memory_space<hbm>>
        %dma_start3A_1739 = tpu.memref_slice %arg3[%mul3A_1713, %mul3A_1715] : memref<784x10000xf32, #tpu.memory_space<hbm>> -> memref<56x80xf32, #tpu.memory_space<hbm>>
        tpu.enqueue_dma source(%dma_start3A_1739 : memref<56x80xf32, #tpu.memory_space<hbm>>) target(%arg11 : memref<56x80xf32, #tpu.memory_space<vmem>>) target_semaphore(%arg14 : memref<!tpu.dma_semaphore, #tpu.memory_space<semaphore_mem>>)
        %mul3A_1740 = arith.constant 56 : i32
        %mul3A_1741 = arith.muli %mul3A_1705, %mul3A_1740 : i32
        %mul3A_1742 = arith.constant 56 : i32
        %mul3A_1743 = arith.muli %mul3A_1705, %mul3A_1742 : i32
        %mul3A_1744 = arith.constant 56 : i32
        %mul3A_1745 = arith.muli %mul3A_1705, %mul3A_1744 : i32
        %mul3A_1746 = arith.constant 80 : i32
        %mul3A_1747 = arith.muli %add3A_32, %mul3A_1746 : i32
        %dma_wait3A = arith.constant 0 : i32
        %dma_wait3A_1748 = arith.constant 0 : i32
        %dma_wait3A_1749 = arith.constant 0 : i32
        %dma_wait3A_1750 = arith.constant 0 : i32
        %dma_wait3A_1751 = tpu.memref_slice %arg8[%dma_wait3A_1748, %dma_wait3A_1749, %dma_wait3A_1750] : memref<2x56x80xf32, #tpu.memory_space<vmem>> -> memref<1x56x80xf32, #tpu.memory_space<vmem>>
        %dma_wait3A_1752 = tpu.memref_squeeze %dma_wait3A_1751 : memref<1x56x80xf32, #tpu.memory_space<vmem>> -> memref<56x80xf32, #tpu.memory_space<vmem>>
        %dma_wait3A_1753 = tpu.memref_slice %arg7[%dma_wait3A, %mul3A_1741] : memref<2x784xi32, #tpu.memory_space<vmem>> -> memref<1x56xi32, #tpu.memory_space<vmem>>
        %dma_wait3A_1754 = tpu.memref_squeeze %dma_wait3A_1753 : memref<1x56xi32, #tpu.memory_space<vmem>> -> memref<56xi32, #tpu.memory_space<vmem>>
        %dma_wait3A_1755 = arith.constant 0 : i32
        %dma_wait3A_1756 = arith.constant 0 : i32
        %dma_wait3A_1757 = tpu.memref_slice %arg2[%dma_wait3A_1755, %dma_wait3A_1756] : memref<125000x80xf32, #tpu.memory_space<hbm>> -> memref<125000x80xf32, #tpu.memory_space<hbm>>
        tpu.wait_indirect_dma semaphore(%arg13 : memref<!tpu.dma_semaphore, #tpu.memory_space<semaphore_mem>>) src(%dma_wait3A_1757 : memref<125000x80xf32, #tpu.memory_space<hbm>>) dst(%dma_wait3A_1752 : memref<56x80xf32, #tpu.memory_space<vmem>>)
        %dma_wait3A_1758 = arith.constant 1 : i32
        %dma_wait3A_1759 = arith.constant 1 : i32
        %dma_wait3A_1760 = arith.constant 0 : i32
        %dma_wait3A_1761 = arith.constant 0 : i32
        %dma_wait3A_1762 = tpu.memref_slice %arg8[%dma_wait3A_1759, %dma_wait3A_1760, %dma_wait3A_1761] : memref<2x56x80xf32, #tpu.memory_space<vmem>> -> memref<1x56x80xf32, #tpu.memory_space<vmem>>
        %dma_wait3A_1763 = tpu.memref_squeeze %dma_wait3A_1762 : memref<1x56x80xf32, #tpu.memory_space<vmem>> -> memref<56x80xf32, #tpu.memory_space<vmem>>
        %dma_wait3A_1764 = tpu.memref_slice %arg7[%dma_wait3A_1758, %mul3A_1743] : memref<2x784xi32, #tpu.memory_space<vmem>> -> memref<1x56xi32, #tpu.memory_space<vmem>>
        %dma_wait3A_1765 = tpu.memref_squeeze %dma_wait3A_1764 : memref<1x56xi32, #tpu.memory_space<vmem>> -> memref<56xi32, #tpu.memory_space<vmem>>
        %dma_wait3A_1766 = arith.constant 0 : i32
        %dma_wait3A_1767 = arith.constant 0 : i32
        %dma_wait3A_1768 = tpu.memref_slice %arg2[%dma_wait3A_1766, %dma_wait3A_1767] : memref<125000x80xf32, #tpu.memory_space<hbm>> -> memref<125000x80xf32, #tpu.memory_space<hbm>>
        tpu.wait_indirect_dma semaphore(%arg13 : memref<!tpu.dma_semaphore, #tpu.memory_space<semaphore_mem>>) src(%dma_wait3A_1768 : memref<125000x80xf32, #tpu.memory_space<hbm>>) dst(%dma_wait3A_1763 : memref<56x80xf32, #tpu.memory_space<vmem>>)
        %dma_wait3A_1769 = tpu.memref_slice %arg3[%mul3A_1745, %mul3A_1747] : memref<784x10000xf32, #tpu.memory_space<hbm>> -> memref<56x80xf32, #tpu.memory_space<hbm>>
        %dma_wait3A_1770 = tpu.memref_slice %arg3[%mul3A_1745, %mul3A_1747] : memref<784x10000xf32, #tpu.memory_space<hbm>> -> memref<56x80xf32, #tpu.memory_space<hbm>>
        tpu.wait_dma2 semaphore(%arg13 : memref<!tpu.dma_semaphore, #tpu.memory_space<semaphore_mem>>) src(%dma_wait3A_1770 : memref<56x80xf32, #tpu.memory_space<hbm>>) dst(%arg10 : memref<56x80xf32, #tpu.memory_space<vmem>>)
        %scan3A_1771 = arith.constant 0 : i32
        %scan3A_1772 = arith.constant 0 : i32
        %scan3A_1773 = arith.constant 56 : i32
        %scan3A_1774 = arith.addi %scan3A_1772, %scan3A_1773 : i32
        %scan3A_1775 = arith.constant 1 : i32
        scf.for %scan3A_1824 = %scan3A_1772 to %scan3A_1774 step %scan3A_1775  : i32 {
          %get3A_1825 = arith.index_cast %scan3A_1824 : i32 to index
          %get3A_1826 = arith.constant 0 : index
          %get3A_1827 = tpu.vector_load %arg10[%get3A_1825, %get3A_1826] {strides = array<i32>} : memref<56x80xf32, #tpu.memory_space<vmem>>, vector<1x16xf32>,
          %get3A_1828 = vector.shape_cast %get3A_1827 : vector<1x16xf32> to vector<16xf32>
          %get3A_1829 = arith.index_cast %scan3A_1824 : i32 to index
          %get3A_1830 = arith.constant 16 : index
          %get3A_1831 = tpu.vector_load %arg10[%get3A_1829, %get3A_1830] {strides = array<i32>} : memref<56x80xf32, #tpu.memory_space<vmem>>, vector<1x16xf32>,
          %get3A_1832 = vector.shape_cast %get3A_1831 : vector<1x16xf32> to vector<16xf32>
          %get3A_1833 = arith.index_cast %scan3A_1824 : i32 to index
          %get3A_1834 = arith.constant 32 : index
          %get3A_1835 = tpu.vector_load %arg10[%get3A_1833, %get3A_1834] {strides = array<i32>} : memref<56x80xf32, #tpu.memory_space<vmem>>, vector<1x16xf32>,
          %get3A_1836 = vector.shape_cast %get3A_1835 : vector<1x16xf32> to vector<16xf32>
          %get3A_1837 = arith.index_cast %scan3A_1824 : i32 to index
          %get3A_1838 = arith.constant 48 : index
          %get3A_1839 = tpu.vector_load %arg10[%get3A_1837, %get3A_1838] {strides = array<i32>} : memref<56x80xf32, #tpu.memory_space<vmem>>, vector<1x16xf32>,
          %get3A_1840 = vector.shape_cast %get3A_1839 : vector<1x16xf32> to vector<16xf32>
          %get3A_1841 = arith.index_cast %scan3A_1824 : i32 to index
          %get3A_1842 = arith.constant 64 : index
          %get3A_1843 = tpu.vector_load %arg10[%get3A_1841, %get3A_1842] {strides = array<i32>} : memref<56x80xf32, #tpu.memory_space<vmem>>, vector<1x16xf32>,
          %get3A_1844 = vector.shape_cast %get3A_1843 : vector<1x16xf32> to vector<16xf32>
          %get3A_1845 = arith.constant 0 : i32
          %get3A_1846 = arith.index_cast %get3A_1845 : i32 to index
          %get3A_1847 = arith.index_cast %scan3A_1824 : i32 to index
          %get3A_1848 = arith.constant 0 : index
          %get3A_1849 = tpu.vector_load %arg8[%get3A_1846, %get3A_1847, %get3A_1848] {strides = array<i32>} : memref<2x56x80xf32, #tpu.memory_space<vmem>>, vector<1x1x16xf32>,
          %get3A_1850 = vector.shape_cast %get3A_1849 : vector<1x1x16xf32> to vector<16xf32>
          %mul3A_1851 = arith.mulf %get3A_1850, %get3A_1828 : vector<16xf32>
          %swap3A_1852 = arith.constant 0 : i32
          %swap3A_1853 = arith.index_cast %swap3A_1852 : i32 to index
          %swap3A_1854 = arith.constant 0 : index
          %swap3A_1855 = tpu.vector_load %arg12[%swap3A_1853, %swap3A_1854] {strides = array<i32>} : memref<2x80xf32, #tpu.memory_space<vmem>>, vector<1x16xf32>,
          %swap3A_1856 = vector.shape_cast %swap3A_1855 : vector<1x16xf32> to vector<16xf32>
          %swap3A_1857 = vector.shape_cast %mul3A_1851 : vector<16xf32> to vector<1x16xf32>
          tpu.vector_store %arg12[%swap3A_1853, %swap3A_1854], %swap3A_1857 {add = true, strides = array<i32>} : memref<2x80xf32, #tpu.memory_space<vmem>>, vector<1x16xf32>,
          %get3A_1858 = arith.constant 0 : i32
          %get3A_1859 = arith.index_cast %get3A_1858 : i32 to index
          %get3A_1860 = arith.index_cast %scan3A_1824 : i32 to index
          %get3A_1861 = arith.constant 16 : index
          %get3A_1862 = tpu.vector_load %arg8[%get3A_1859, %get3A_1860, %get3A_1861] {strides = array<i32>} : memref<2x56x80xf32, #tpu.memory_space<vmem>>, vector<1x1x16xf32>,
          %get3A_1863 = vector.shape_cast %get3A_1862 : vector<1x1x16xf32> to vector<16xf32>
          %mul3A_1864 = arith.mulf %get3A_1863, %get3A_1832 : vector<16xf32>
          %swap3A_1865 = arith.constant 0 : i32
          %swap3A_1866 = arith.index_cast %swap3A_1865 : i32 to index
          %swap3A_1867 = arith.constant 16 : index
          %swap3A_1868 = tpu.vector_load %arg12[%swap3A_1866, %swap3A_1867] {strides = array<i32>} : memref<2x80xf32, #tpu.memory_space<vmem>>, vector<1x16xf32>,
          %swap3A_1869 = vector.shape_cast %swap3A_1868 : vector<1x16xf32> to vector<16xf32>
          %swap3A_1870 = vector.shape_cast %mul3A_1864 : vector<16xf32> to vector<1x16xf32>
          tpu.vector_store %arg12[%swap3A_1866, %swap3A_1867], %swap3A_1870 {add = true, strides = array<i32>} : memref<2x80xf32, #tpu.memory_space<vmem>>, vector<1x16xf32>,
          %get3A_1871 = arith.constant 0 : i32
          %get3A_1872 = arith.index_cast %get3A_1871 : i32 to index
          %get3A_1873 = arith.index_cast %scan3A_1824 : i32 to index
          %get3A_1874 = arith.constant 32 : index
          %get3A_1875 = tpu.vector_load %arg8[%get3A_1872, %get3A_1873, %get3A_1874] {strides = array<i32>} : memref<2x56x80xf32, #tpu.memory_space<vmem>>, vector<1x1x16xf32>,
          %get3A_1876 = vector.shape_cast %get3A_1875 : vector<1x1x16xf32> to vector<16xf32>
          %mul3A_1877 = arith.mulf %get3A_1876, %get3A_1836 : vector<16xf32>
          %swap3A_1878 = arith.constant 0 : i32
          %swap3A_1879 = arith.index_cast %swap3A_1878 : i32 to index
          %swap3A_1880 = arith.constant 32 : index
          %swap3A_1881 = tpu.vector_load %arg12[%swap3A_1879, %swap3A_1880] {strides = array<i32>} : memref<2x80xf32, #tpu.memory_space<vmem>>, vector<1x16xf32>,
          %swap3A_1882 = vector.shape_cast %swap3A_1881 : vector<1x16xf32> to vector<16xf32>
          %swap3A_1883 = vector.shape_cast %mul3A_1877 : vector<16xf32> to vector<1x16xf32>
          tpu.vector_store %arg12[%swap3A_1879, %swap3A_1880], %swap3A_1883 {add = true, strides = array<i32>} : memref<2x80xf32, #tpu.memory_space<vmem>>, vector<1x16xf32>,
          %get3A_1884 = arith.constant 0 : i32
          %get3A_1885 = arith.index_cast %get3A_1884 : i32 to index
          %get3A_1886 = arith.index_cast %scan3A_1824 : i32 to index
          %get3A_1887 = arith.constant 48 : index
          %get3A_1888 = tpu.vector_load %arg8[%get3A_1885, %get3A_1886, %get3A_1887] {strides = array<i32>} : memref<2x56x80xf32, #tpu.memory_space<vmem>>, vector<1x1x16xf32>,
          %get3A_1889 = vector.shape_cast %get3A_1888 : vector<1x1x16xf32> to vector<16xf32>
          %mul3A_1890 = arith.mulf %get3A_1889, %get3A_1840 : vector<16xf32>
          %swap3A_1891 = arith.constant 0 : i32
          %swap3A_1892 = arith.index_cast %swap3A_1891 : i32 to index
          %swap3A_1893 = arith.constant 48 : index
          %swap3A_1894 = tpu.vector_load %arg12[%swap3A_1892, %swap3A_1893] {strides = array<i32>} : memref<2x80xf32, #tpu.memory_space<vmem>>, vector<1x16xf32>,
          %swap3A_1895 = vector.shape_cast %swap3A_1894 : vector<1x16xf32> to vector<16xf32>
          %swap3A_1896 = vector.shape_cast %mul3A_1890 : vector<16xf32> to vector<1x16xf32>
          tpu.vector_store %arg12[%swap3A_1892, %swap3A_1893], %swap3A_1896 {add = true, strides = array<i32>} : memref<2x80xf32, #tpu.memory_space<vmem>>, vector<1x16xf32>,
          %get3A_1897 = arith.constant 0 : i32
          %get3A_1898 = arith.index_cast %get3A_1897 : i32 to index
          %get3A_1899 = arith.index_cast %scan3A_1824 : i32 to index
          %get3A_1900 = arith.constant 64 : index
          %get3A_1901 = tpu.vector_load %arg8[%get3A_1898, %get3A_1899, %get3A_1900] {strides = array<i32>} : memref<2x56x80xf32, #tpu.memory_space<vmem>>, vector<1x1x16xf32>,
          %get3A_1902 = vector.shape_cast %get3A_1901 : vector<1x1x16xf32> to vector<16xf32>
          %mul3A_1903 = arith.mulf %get3A_1902, %get3A_1844 : vector<16xf32>
          %swap3A_1904 = arith.constant 0 : i32
          %swap3A_1905 = arith.index_cast %swap3A_1904 : i32 to index
          %swap3A_1906 = arith.constant 64 : index
          %swap3A_1907 = tpu.vector_load %arg12[%swap3A_1905, %swap3A_1906] {strides = array<i32>} : memref<2x80xf32, #tpu.memory_space<vmem>>, vector<1x16xf32>,
          %swap3A_1908 = vector.shape_cast %swap3A_1907 : vector<1x16xf32> to vector<16xf32>
          %swap3A_1909 = vector.shape_cast %mul3A_1903 : vector<16xf32> to vector<1x16xf32>
          tpu.vector_store %arg12[%swap3A_1905, %swap3A_1906], %swap3A_1909 {add = true, strides = array<i32>} : memref<2x80xf32, #tpu.memory_space<vmem>>, vector<1x16xf32>,
          %get3A_1910 = arith.constant 1 : i32
          %get3A_1911 = arith.index_cast %get3A_1910 : i32 to index
          %get3A_1912 = arith.index_cast %scan3A_1824 : i32 to index
          %get3A_1913 = arith.constant 0 : index
          %get3A_1914 = tpu.vector_load %arg8[%get3A_1911, %get3A_1912, %get3A_1913] {strides = array<i32>} : memref<2x56x80xf32, #tpu.memory_space<vmem>>, vector<1x1x16xf32>,
          %get3A_1915 = vector.shape_cast %get3A_1914 : vector<1x1x16xf32> to vector<16xf32>
          %mul3A_1916 = arith.mulf %get3A_1915, %get3A_1828 : vector<16xf32>
          %swap3A_1917 = arith.constant 1 : i32
          %swap3A_1918 = arith.index_cast %swap3A_1917 : i32 to index
          %swap3A_1919 = arith.constant 0 : index
          %swap3A_1920 = tpu.vector_load %arg12[%swap3A_1918, %swap3A_1919] {strides = array<i32>} : memref<2x80xf32, #tpu.memory_space<vmem>>, vector<1x16xf32>,
          %swap3A_1921 = vector.shape_cast %swap3A_1920 : vector<1x16xf32> to vector<16xf32>
          %swap3A_1922 = vector.shape_cast %mul3A_1916 : vector<16xf32> to vector<1x16xf32>
          tpu.vector_store %arg12[%swap3A_1918, %swap3A_1919], %swap3A_1922 {add = true, strides = array<i32>} : memref<2x80xf32, #tpu.memory_space<vmem>>, vector<1x16xf32>,
          %get3A_1923 = arith.constant 1 : i32
          %get3A_1924 = arith.index_cast %get3A_1923 : i32 to index
          %get3A_1925 = arith.index_cast %scan3A_1824 : i32 to index
          %get3A_1926 = arith.constant 16 : index
          %get3A_1927 = tpu.vector_load %arg8[%get3A_1924, %get3A_1925, %get3A_1926] {strides = array<i32>} : memref<2x56x80xf32, #tpu.memory_space<vmem>>, vector<1x1x16xf32>,
          %get3A_1928 = vector.shape_cast %get3A_1927 : vector<1x1x16xf32> to vector<16xf32>
          %mul3A_1929 = arith.mulf %get3A_1928, %get3A_1832 : vector<16xf32>
          %swap3A_1930 = arith.constant 1 : i32
          %swap3A_1931 = arith.index_cast %swap3A_1930 : i32 to index
          %swap3A_1932 = arith.constant 16 : index
          %swap3A_1933 = tpu.vector_load %arg12[%swap3A_1931, %swap3A_1932] {strides = array<i32>} : memref<2x80xf32, #tpu.memory_space<vmem>>, vector<1x16xf32>,
          %swap3A_1934 = vector.shape_cast %swap3A_1933 : vector<1x16xf32> to vector<16xf32>
          %swap3A_1935 = vector.shape_cast %mul3A_1929 : vector<16xf32> to vector<1x16xf32>
          tpu.vector_store %arg12[%swap3A_1931, %swap3A_1932], %swap3A_1935 {add = true, strides = array<i32>} : memref<2x80xf32, #tpu.memory_space<vmem>>, vector<1x16xf32>,
          %get3A_1936 = arith.constant 1 : i32
          %get3A_1937 = arith.index_cast %get3A_1936 : i32 to index
          %get3A_1938 = arith.index_cast %scan3A_1824 : i32 to index
          %get3A_1939 = arith.constant 32 : index
          %get3A_1940 = tpu.vector_load %arg8[%get3A_1937, %get3A_1938, %get3A_1939] {strides = array<i32>} : memref<2x56x80xf32, #tpu.memory_space<vmem>>, vector<1x1x16xf32>,
          %get3A_1941 = vector.shape_cast %get3A_1940 : vector<1x1x16xf32> to vector<16xf32>
          %mul3A_1942 = arith.mulf %get3A_1941, %get3A_1836 : vector<16xf32>
          %swap3A_1943 = arith.constant 1 : i32
          %swap3A_1944 = arith.index_cast %swap3A_1943 : i32 to index
          %swap3A_1945 = arith.constant 32 : index
          %swap3A_1946 = tpu.vector_load %arg12[%swap3A_1944, %swap3A_1945] {strides = array<i32>} : memref<2x80xf32, #tpu.memory_space<vmem>>, vector<1x16xf32>,
          %swap3A_1947 = vector.shape_cast %swap3A_1946 : vector<1x16xf32> to vector<16xf32>
          %swap3A_1948 = vector.shape_cast %mul3A_1942 : vector<16xf32> to vector<1x16xf32>
          tpu.vector_store %arg12[%swap3A_1944, %swap3A_1945], %swap3A_1948 {add = true, strides = array<i32>} : memref<2x80xf32, #tpu.memory_space<vmem>>, vector<1x16xf32>,
          %get3A_1949 = arith.constant 1 : i32
          %get3A_1950 = arith.index_cast %get3A_1949 : i32 to index
          %get3A_1951 = arith.index_cast %scan3A_1824 : i32 to index
          %get3A_1952 = arith.constant 48 : index
          %get3A_1953 = tpu.vector_load %arg8[%get3A_1950, %get3A_1951, %get3A_1952] {strides = array<i32>} : memref<2x56x80xf32, #tpu.memory_space<vmem>>, vector<1x1x16xf32>,
          %get3A_1954 = vector.shape_cast %get3A_1953 : vector<1x1x16xf32> to vector<16xf32>
          %mul3A_1955 = arith.mulf %get3A_1954, %get3A_1840 : vector<16xf32>
          %swap3A_1956 = arith.constant 1 : i32
          %swap3A_1957 = arith.index_cast %swap3A_1956 : i32 to index
          %swap3A_1958 = arith.constant 48 : index
          %swap3A_1959 = tpu.vector_load %arg12[%swap3A_1957, %swap3A_1958] {strides = array<i32>} : memref<2x80xf32, #tpu.memory_space<vmem>>, vector<1x16xf32>,
          %swap3A_1960 = vector.shape_cast %swap3A_1959 : vector<1x16xf32> to vector<16xf32>
          %swap3A_1961 = vector.shape_cast %mul3A_1955 : vector<16xf32> to vector<1x16xf32>
          tpu.vector_store %arg12[%swap3A_1957, %swap3A_1958], %swap3A_1961 {add = true, strides = array<i32>} : memref<2x80xf32, #tpu.memory_space<vmem>>, vector<1x16xf32>,
          %get3A_1962 = arith.constant 1 : i32
          %get3A_1963 = arith.index_cast %get3A_1962 : i32 to index
          %get3A_1964 = arith.index_cast %scan3A_1824 : i32 to index
          %get3A_1965 = arith.constant 64 : index
          %get3A_1966 = tpu.vector_load %arg8[%get3A_1963, %get3A_1964, %get3A_1965] {strides = array<i32>} : memref<2x56x80xf32, #tpu.memory_space<vmem>>, vector<1x1x16xf32>,
          %get3A_1967 = vector.shape_cast %get3A_1966 : vector<1x1x16xf32> to vector<16xf32>
          %mul3A_1968 = arith.mulf %get3A_1967, %get3A_1844 : vector<16xf32>
          %swap3A_1969 = arith.constant 1 : i32
          %swap3A_1970 = arith.index_cast %swap3A_1969 : i32 to index
          %swap3A_1971 = arith.constant 64 : index
          %swap3A_1972 = tpu.vector_load %arg12[%swap3A_1970, %swap3A_1971] {strides = array<i32>} : memref<2x80xf32, #tpu.memory_space<vmem>>, vector<1x16xf32>,
          %swap3A_1973 = vector.shape_cast %swap3A_1972 : vector<1x16xf32> to vector<16xf32>
          %swap3A_1974 = vector.shape_cast %mul3A_1968 : vector<16xf32> to vector<1x16xf32>
          tpu.vector_store %arg12[%swap3A_1970, %swap3A_1971], %swap3A_1974 {add = true, strides = array<i32>} : memref<2x80xf32, #tpu.memory_space<vmem>>, vector<1x16xf32>,
        }
        %scan3A_1776 = arith.constant 56 : i32
        %add3A_1777 = arith.constant 2 : i32
        %add3A_1778 = arith.addi %mul3A_1705, %add3A_1777 : i32
        %lt3A_1779 = arith.constant 14 : i32
        %lt3A_1780 = arith.cmpi slt, %add3A_1778, %lt3A_1779 : i32
        %convert_element_type3A_1781 = arith.extui %lt3A_1780 : i1 to i32
        %cond3A_1782 = arith.constant 0 : i32
        %cond3A_1783 = arith.cmpi ne, %convert_element_type3A_1781, %cond3A_1782 : i32
        scf.if %cond3A_1783 {
          %add3A_1824 = arith.constant 2 : i32
          %add3A_1825 = arith.addi %mul3A_1705, %add3A_1824 : i32
          %mul3A_1826 = arith.constant 56 : i32
          %mul3A_1827 = arith.muli %add3A_1825, %mul3A_1826 : i32
          %mul3A_1828 = arith.constant 56 : i32
          %mul3A_1829 = arith.muli %add3A_1825, %mul3A_1828 : i32
          %mul3A_1830 = arith.constant 56 : i32
          %mul3A_1831 = arith.muli %add3A_1825, %mul3A_1830 : i32
          %mul3A_1832 = arith.constant 80 : i32
          %mul3A_1833 = arith.muli %add3A_32, %mul3A_1832 : i32
          %dma_start3A_1834 = arith.constant 0 : i32
          %dma_start3A_1835 = arith.constant 0 : i32
          %dma_start3A_1836 = arith.constant 0 : i32
          %dma_start3A_1837 = arith.constant 0 : i32
          %dma_start3A_1838 = tpu.memref_slice %arg8[%dma_start3A_1835, %dma_start3A_1836, %dma_start3A_1837] : memref<2x56x80xf32, #tpu.memory_space<vmem>> -> memref<1x56x80xf32, #tpu.memory_space<vmem>>
          %dma_start3A_1839 = tpu.memref_squeeze %dma_start3A_1838 : memref<1x56x80xf32, #tpu.memory_space<vmem>> -> memref<56x80xf32, #tpu.memory_space<vmem>>
          %dma_start3A_1840 = tpu.memref_slice %arg7[%dma_start3A_1834, %mul3A_1827] : memref<2x784xi32, #tpu.memory_space<vmem>> -> memref<1x56xi32, #tpu.memory_space<vmem>>
          %dma_start3A_1841 = tpu.memref_squeeze %dma_start3A_1840 : memref<1x56xi32, #tpu.memory_space<vmem>> -> memref<56xi32, #tpu.memory_space<vmem>>
          %dma_start3A_1842 = arith.constant 0 : i32
          %dma_start3A_1843 = arith.constant 0 : i32
          %dma_start3A_1844 = tpu.memref_slice %arg2[%dma_start3A_1842, %dma_start3A_1843] : memref<125000x80xf32, #tpu.memory_space<hbm>> -> memref<125000x80xf32, #tpu.memory_space<hbm>>
          tpu.enqueue_indirect_dma source(%dma_start3A_1844 : memref<125000x80xf32, #tpu.memory_space<hbm>>) target(%dma_start3A_1839 : memref<56x80xf32, #tpu.memory_space<vmem>>) offsets(%dma_start3A_1841 : memref<56xi32, #tpu.memory_space<vmem>>) semaphore(%arg13 : memref<!tpu.dma_semaphore, #tpu.memory_space<semaphore_mem>>)
          %dma_start3A_1845 = arith.constant 1 : i32
          %dma_start3A_1846 = arith.constant 1 : i32
          %dma_start3A_1847 = arith.constant 0 : i32
          %dma_start3A_1848 = arith.constant 0 : i32
          %dma_start3A_1849 = tpu.memref_slice %arg8[%dma_start3A_1846, %dma_start3A_1847, %dma_start3A_1848] : memref<2x56x80xf32, #tpu.memory_space<vmem>> -> memref<1x56x80xf32, #tpu.memory_space<vmem>>
          %dma_start3A_1850 = tpu.memref_squeeze %dma_start3A_1849 : memref<1x56x80xf32, #tpu.memory_space<vmem>> -> memref<56x80xf32, #tpu.memory_space<vmem>>
          %dma_start3A_1851 = tpu.memref_slice %arg7[%dma_start3A_1845, %mul3A_1829] : memref<2x784xi32, #tpu.memory_space<vmem>> -> memref<1x56xi32, #tpu.memory_space<vmem>>
          %dma_start3A_1852 = tpu.memref_squeeze %dma_start3A_1851 : memref<1x56xi32, #tpu.memory_space<vmem>> -> memref<56xi32, #tpu.memory_space<vmem>>
          %dma_start3A_1853 = arith.constant 0 : i32
          %dma_start3A_1854 = arith.constant 0 : i32
          %dma_start3A_1855 = tpu.memref_slice %arg2[%dma_start3A_1853, %dma_start3A_1854] : memref<125000x80xf32, #tpu.memory_space<hbm>> -> memref<125000x80xf32, #tpu.memory_space<hbm>>
          tpu.enqueue_indirect_dma source(%dma_start3A_1855 : memref<125000x80xf32, #tpu.memory_space<hbm>>) target(%dma_start3A_1850 : memref<56x80xf32, #tpu.memory_space<vmem>>) offsets(%dma_start3A_1852 : memref<56xi32, #tpu.memory_space<vmem>>) semaphore(%arg13 : memref<!tpu.dma_semaphore, #tpu.memory_space<semaphore_mem>>)
          %dma_start3A_1856 = tpu.memref_slice %arg3[%mul3A_1831, %mul3A_1833] : memref<784x10000xf32, #tpu.memory_space<hbm>> -> memref<56x80xf32, #tpu.memory_space<hbm>>
          %dma_start3A_1857 = tpu.memref_slice %arg3[%mul3A_1831, %mul3A_1833] : memref<784x10000xf32, #tpu.memory_space<hbm>> -> memref<56x80xf32, #tpu.memory_space<hbm>>
          tpu.enqueue_dma source(%dma_start3A_1857 : memref<56x80xf32, #tpu.memory_space<hbm>>) target(%arg10 : memref<56x80xf32, #tpu.memory_space<vmem>>) target_semaphore(%arg13 : memref<!tpu.dma_semaphore, #tpu.memory_space<semaphore_mem>>)
        } else {
        }
        %add3A_1784 = arith.constant 1 : i32
        %add3A_1785 = arith.addi %mul3A_1705, %add3A_1784 : i32
        %mul3A_1786 = arith.constant 56 : i32
        %mul3A_1787 = arith.muli %add3A_1785, %mul3A_1786 : i32
        %mul3A_1788 = arith.constant 56 : i32
        %mul3A_1789 = arith.muli %add3A_1785, %mul3A_1788 : i32
        %mul3A_1790 = arith.constant 56 : i32
        %mul3A_1791 = arith.muli %add3A_1785, %mul3A_1790 : i32
        %mul3A_1792 = arith.constant 80 : i32
        %mul3A_1793 = arith.muli %add3A_32, %mul3A_1792 : i32
        %dma_wait3A_1794 = arith.constant 0 : i32
        %dma_wait3A_1795 = arith.constant 0 : i32
        %dma_wait3A_1796 = arith.constant 0 : i32
        %dma_wait3A_1797 = arith.constant 0 : i32
        %dma_wait3A_1798 = tpu.memref_slice %arg9[%dma_wait3A_1795, %dma_wait3A_1796, %dma_wait3A_1797] : memref<2x56x80xf32, #tpu.memory_space<vmem>> -> memref<1x56x80xf32, #tpu.memory_space<vmem>>
        %dma_wait3A_1799 = tpu.memref_squeeze %dma_wait3A_1798 : memref<1x56x80xf32, #tpu.memory_space<vmem>> -> memref<56x80xf32, #tpu.memory_space<vmem>>
        %dma_wait3A_1800 = tpu.memref_slice %arg7[%dma_wait3A_1794, %mul3A_1787] : memref<2x784xi32, #tpu.memory_space<vmem>> -> memref<1x56xi32, #tpu.memory_space<vmem>>
        %dma_wait3A_1801 = tpu.memref_squeeze %dma_wait3A_1800 : memref<1x56xi32, #tpu.memory_space<vmem>> -> memref<56xi32, #tpu.memory_space<vmem>>
        %dma_wait3A_1802 = arith.constant 0 : i32
        %dma_wait3A_1803 = arith.constant 0 : i32
        %dma_wait3A_1804 = tpu.memref_slice %arg2[%dma_wait3A_1802, %dma_wait3A_1803] : memref<125000x80xf32, #tpu.memory_space<hbm>> -> memref<125000x80xf32, #tpu.memory_space<hbm>>
        tpu.wait_indirect_dma semaphore(%arg14 : memref<!tpu.dma_semaphore, #tpu.memory_space<semaphore_mem>>) src(%dma_wait3A_1804 : memref<125000x80xf32, #tpu.memory_space<hbm>>) dst(%dma_wait3A_1799 : memref<56x80xf32, #tpu.memory_space<vmem>>)
        %dma_wait3A_1805 = arith.constant 1 : i32
        %dma_wait3A_1806 = arith.constant 1 : i32
        %dma_wait3A_1807 = arith.constant 0 : i32
        %dma_wait3A_1808 = arith.constant 0 : i32
        %dma_wait3A_1809 = tpu.memref_slice %arg9[%dma_wait3A_1806, %dma_wait3A_1807, %dma_wait3A_1808] : memref<2x56x80xf32, #tpu.memory_space<vmem>> -> memref<1x56x80xf32, #tpu.memory_space<vmem>>
        %dma_wait3A_1810 = tpu.memref_squeeze %dma_wait3A_1809 : memref<1x56x80xf32, #tpu.memory_space<vmem>> -> memref<56x80xf32, #tpu.memory_space<vmem>>
        %dma_wait3A_1811 = tpu.memref_slice %arg7[%dma_wait3A_1805, %mul3A_1789] : memref<2x784xi32, #tpu.memory_space<vmem>> -> memref<1x56xi32, #tpu.memory_space<vmem>>
        %dma_wait3A_1812 = tpu.memref_squeeze %dma_wait3A_1811 : memref<1x56xi32, #tpu.memory_space<vmem>> -> memref<56xi32, #tpu.memory_space<vmem>>
        %dma_wait3A_1813 = arith.constant 0 : i32
        %dma_wait3A_1814 = arith.constant 0 : i32
        %dma_wait3A_1815 = tpu.memref_slice %arg2[%dma_wait3A_1813, %dma_wait3A_1814] : memref<125000x80xf32, #tpu.memory_space<hbm>> -> memref<125000x80xf32, #tpu.memory_space<hbm>>
        tpu.wait_indirect_dma semaphore(%arg14 : memref<!tpu.dma_semaphore, #tpu.memory_space<semaphore_mem>>) src(%dma_wait3A_1815 : memref<125000x80xf32, #tpu.memory_space<hbm>>) dst(%dma_wait3A_1810 : memref<56x80xf32, #tpu.memory_space<vmem>>)
        %dma_wait3A_1816 = tpu.memref_slice %arg3[%mul3A_1791, %mul3A_1793] : memref<784x10000xf32, #tpu.memory_space<hbm>> -> memref<56x80xf32, #tpu.memory_space<hbm>>
        %dma_wait3A_1817 = tpu.memref_slice %arg3[%mul3A_1791, %mul3A_1793] : memref<784x10000xf32, #tpu.memory_space<hbm>> -> memref<56x80xf32, #tpu.memory_space<hbm>>
        tpu.wait_dma2 semaphore(%arg14 : memref<!tpu.dma_semaphore, #tpu.memory_space<semaphore_mem>>) src(%dma_wait3A_1817 : memref<56x80xf32, #tpu.memory_space<hbm>>) dst(%arg11 : memref<56x80xf32, #tpu.memory_space<vmem>>)
        %scan3A_1818 = arith.constant 0 : i32
        %scan3A_1819 = arith.constant 0 : i32
        %scan3A_1820 = arith.constant 56 : i32
        %scan3A_1821 = arith.addi %scan3A_1819, %scan3A_1820 : i32
        %scan3A_1822 = arith.constant 1 : i32
        scf.for %scan3A_1824 = %scan3A_1819 to %scan3A_1821 step %scan3A_1822  : i32 {
          %get3A_1825 = arith.index_cast %scan3A_1824 : i32 to index
          %get3A_1826 = arith.constant 0 : index
          %get3A_1827 = tpu.vector_load %arg11[%get3A_1825, %get3A_1826] {strides = array<i32>} : memref<56x80xf32, #tpu.memory_space<vmem>>, vector<1x16xf32>,
          %get3A_1828 = vector.shape_cast %get3A_1827 : vector<1x16xf32> to vector<16xf32>
          %get3A_1829 = arith.index_cast %scan3A_1824 : i32 to index
          %get3A_1830 = arith.constant 16 : index
          %get3A_1831 = tpu.vector_load %arg11[%get3A_1829, %get3A_1830] {strides = array<i32>} : memref<56x80xf32, #tpu.memory_space<vmem>>, vector<1x16xf32>,
          %get3A_1832 = vector.shape_cast %get3A_1831 : vector<1x16xf32> to vector<16xf32>
          %get3A_1833 = arith.index_cast %scan3A_1824 : i32 to index
          %get3A_1834 = arith.constant 32 : index
          %get3A_1835 = tpu.vector_load %arg11[%get3A_1833, %get3A_1834] {strides = array<i32>} : memref<56x80xf32, #tpu.memory_space<vmem>>, vector<1x16xf32>,
          %get3A_1836 = vector.shape_cast %get3A_1835 : vector<1x16xf32> to vector<16xf32>
          %get3A_1837 = arith.index_cast %scan3A_1824 : i32 to index
          %get3A_1838 = arith.constant 48 : index
          %get3A_1839 = tpu.vector_load %arg11[%get3A_1837, %get3A_1838] {strides = array<i32>} : memref<56x80xf32, #tpu.memory_space<vmem>>, vector<1x16xf32>,
          %get3A_1840 = vector.shape_cast %get3A_1839 : vector<1x16xf32> to vector<16xf32>
          %get3A_1841 = arith.index_cast %scan3A_1824 : i32 to index
          %get3A_1842 = arith.constant 64 : index
          %get3A_1843 = tpu.vector_load %arg11[%get3A_1841, %get3A_1842] {strides = array<i32>} : memref<56x80xf32, #tpu.memory_space<vmem>>, vector<1x16xf32>,
          %get3A_1844 = vector.shape_cast %get3A_1843 : vector<1x16xf32> to vector<16xf32>
          %get3A_1845 = arith.constant 0 : i32
          %get3A_1846 = arith.index_cast %get3A_1845 : i32 to index
          %get3A_1847 = arith.index_cast %scan3A_1824 : i32 to index
          %get3A_1848 = arith.constant 0 : index
          %get3A_1849 = tpu.vector_load %arg9[%get3A_1846, %get3A_1847, %get3A_1848] {strides = array<i32>} : memref<2x56x80xf32, #tpu.memory_space<vmem>>, vector<1x1x16xf32>,
          %get3A_1850 = vector.shape_cast %get3A_1849 : vector<1x1x16xf32> to vector<16xf32>
          %mul3A_1851 = arith.mulf %get3A_1850, %get3A_1828 : vector<16xf32>
          %swap3A_1852 = arith.constant 0 : i32
          %swap3A_1853 = arith.index_cast %swap3A_1852 : i32 to index
          %swap3A_1854 = arith.constant 0 : index
          %swap3A_1855 = tpu.vector_load %arg12[%swap3A_1853, %swap3A_1854] {strides = array<i32>} : memref<2x80xf32, #tpu.memory_space<vmem>>, vector<1x16xf32>,
          %swap3A_1856 = vector.shape_cast %swap3A_1855 : vector<1x16xf32> to vector<16xf32>
          %swap3A_1857 = vector.shape_cast %mul3A_1851 : vector<16xf32> to vector<1x16xf32>
          tpu.vector_store %arg12[%swap3A_1853, %swap3A_1854], %swap3A_1857 {add = true, strides = array<i32>} : memref<2x80xf32, #tpu.memory_space<vmem>>, vector<1x16xf32>,
          %get3A_1858 = arith.constant 0 : i32
          %get3A_1859 = arith.index_cast %get3A_1858 : i32 to index
          %get3A_1860 = arith.index_cast %scan3A_1824 : i32 to index
          %get3A_1861 = arith.constant 16 : index
          %get3A_1862 = tpu.vector_load %arg9[%get3A_1859, %get3A_1860, %get3A_1861] {strides = array<i32>} : memref<2x56x80xf32, #tpu.memory_space<vmem>>, vector<1x1x16xf32>,
          %get3A_1863 = vector.shape_cast %get3A_1862 : vector<1x1x16xf32> to vector<16xf32>
          %mul3A_1864 = arith.mulf %get3A_1863, %get3A_1832 : vector<16xf32>
          %swap3A_1865 = arith.constant 0 : i32
          %swap3A_1866 = arith.index_cast %swap3A_1865 : i32 to index
          %swap3A_1867 = arith.constant 16 : index
          %swap3A_1868 = tpu.vector_load %arg12[%swap3A_1866, %swap3A_1867] {strides = array<i32>} : memref<2x80xf32, #tpu.memory_space<vmem>>, vector<1x16xf32>,
          %swap3A_1869 = vector.shape_cast %swap3A_1868 : vector<1x16xf32> to vector<16xf32>
          %swap3A_1870 = vector.shape_cast %mul3A_1864 : vector<16xf32> to vector<1x16xf32>
          tpu.vector_store %arg12[%swap3A_1866, %swap3A_1867], %swap3A_1870 {add = true, strides = array<i32>} : memref<2x80xf32, #tpu.memory_space<vmem>>, vector<1x16xf32>,
          %get3A_1871 = arith.constant 0 : i32
          %get3A_1872 = arith.index_cast %get3A_1871 : i32 to index
          %get3A_1873 = arith.index_cast %scan3A_1824 : i32 to index
          %get3A_1874 = arith.constant 32 : index
          %get3A_1875 = tpu.vector_load %arg9[%get3A_1872, %get3A_1873, %get3A_1874] {strides = array<i32>} : memref<2x56x80xf32, #tpu.memory_space<vmem>>, vector<1x1x16xf32>,
          %get3A_1876 = vector.shape_cast %get3A_1875 : vector<1x1x16xf32> to vector<16xf32>
          %mul3A_1877 = arith.mulf %get3A_1876, %get3A_1836 : vector<16xf32>
          %swap3A_1878 = arith.constant 0 : i32
          %swap3A_1879 = arith.index_cast %swap3A_1878 : i32 to index
          %swap3A_1880 = arith.constant 32 : index
          %swap3A_1881 = tpu.vector_load %arg12[%swap3A_1879, %swap3A_1880] {strides = array<i32>} : memref<2x80xf32, #tpu.memory_space<vmem>>, vector<1x16xf32>,
          %swap3A_1882 = vector.shape_cast %swap3A_1881 : vector<1x16xf32> to vector<16xf32>
          %swap3A_1883 = vector.shape_cast %mul3A_1877 : vector<16xf32> to vector<1x16xf32>
          tpu.vector_store %arg12[%swap3A_1879, %swap3A_1880], %swap3A_1883 {add = true, strides = array<i32>} : memref<2x80xf32, #tpu.memory_space<vmem>>, vector<1x16xf32>,
          %get3A_1884 = arith.constant 0 : i32
          %get3A_1885 = arith.index_cast %get3A_1884 : i32 to index
          %get3A_1886 = arith.index_cast %scan3A_1824 : i32 to index
          %get3A_1887 = arith.constant 48 : index
          %get3A_1888 = tpu.vector_load %arg9[%get3A_1885, %get3A_1886, %get3A_1887] {strides = array<i32>} : memref<2x56x80xf32, #tpu.memory_space<vmem>>, vector<1x1x16xf32>,
          %get3A_1889 = vector.shape_cast %get3A_1888 : vector<1x1x16xf32> to vector<16xf32>
          %mul3A_1890 = arith.mulf %get3A_1889, %get3A_1840 : vector<16xf32>
          %swap3A_1891 = arith.constant 0 : i32
          %swap3A_1892 = arith.index_cast %swap3A_1891 : i32 to index
          %swap3A_1893 = arith.constant 48 : index
          %swap3A_1894 = tpu.vector_load %arg12[%swap3A_1892, %swap3A_1893] {strides = array<i32>} : memref<2x80xf32, #tpu.memory_space<vmem>>, vector<1x16xf32>,
          %swap3A_1895 = vector.shape_cast %swap3A_1894 : vector<1x16xf32> to vector<16xf32>
          %swap3A_1896 = vector.shape_cast %mul3A_1890 : vector<16xf32> to vector<1x16xf32>
          tpu.vector_store %arg12[%swap3A_1892, %swap3A_1893], %swap3A_1896 {add = true, strides = array<i32>} : memref<2x80xf32, #tpu.memory_space<vmem>>, vector<1x16xf32>,
          %get3A_1897 = arith.constant 0 : i32
          %get3A_1898 = arith.index_cast %get3A_1897 : i32 to index
          %get3A_1899 = arith.index_cast %scan3A_1824 : i32 to index
          %get3A_1900 = arith.constant 64 : index
          %get3A_1901 = tpu.vector_load %arg9[%get3A_1898, %get3A_1899, %get3A_1900] {strides = array<i32>} : memref<2x56x80xf32, #tpu.memory_space<vmem>>, vector<1x1x16xf32>,
          %get3A_1902 = vector.shape_cast %get3A_1901 : vector<1x1x16xf32> to vector<16xf32>
          %mul3A_1903 = arith.mulf %get3A_1902, %get3A_1844 : vector<16xf32>
          %swap3A_1904 = arith.constant 0 : i32
          %swap3A_1905 = arith.index_cast %swap3A_1904 : i32 to index
          %swap3A_1906 = arith.constant 64 : index
          %swap3A_1907 = tpu.vector_load %arg12[%swap3A_1905, %swap3A_1906] {strides = array<i32>} : memref<2x80xf32, #tpu.memory_space<vmem>>, vector<1x16xf32>,
          %swap3A_1908 = vector.shape_cast %swap3A_1907 : vector<1x16xf32> to vector<16xf32>
          %swap3A_1909 = vector.shape_cast %mul3A_1903 : vector<16xf32> to vector<1x16xf32>
          tpu.vector_store %arg12[%swap3A_1905, %swap3A_1906], %swap3A_1909 {add = true, strides = array<i32>} : memref<2x80xf32, #tpu.memory_space<vmem>>, vector<1x16xf32>,
          %get3A_1910 = arith.constant 1 : i32
          %get3A_1911 = arith.index_cast %get3A_1910 : i32 to index
          %get3A_1912 = arith.index_cast %scan3A_1824 : i32 to index
          %get3A_1913 = arith.constant 0 : index
          %get3A_1914 = tpu.vector_load %arg9[%get3A_1911, %get3A_1912, %get3A_1913] {strides = array<i32>} : memref<2x56x80xf32, #tpu.memory_space<vmem>>, vector<1x1x16xf32>,
          %get3A_1915 = vector.shape_cast %get3A_1914 : vector<1x1x16xf32> to vector<16xf32>
          %mul3A_1916 = arith.mulf %get3A_1915, %get3A_1828 : vector<16xf32>
          %swap3A_1917 = arith.constant 1 : i32
          %swap3A_1918 = arith.index_cast %swap3A_1917 : i32 to index
          %swap3A_1919 = arith.constant 0 : index
          %swap3A_1920 = tpu.vector_load %arg12[%swap3A_1918, %swap3A_1919] {strides = array<i32>} : memref<2x80xf32, #tpu.memory_space<vmem>>, vector<1x16xf32>,
          %swap3A_1921 = vector.shape_cast %swap3A_1920 : vector<1x16xf32> to vector<16xf32>
          %swap3A_1922 = vector.shape_cast %mul3A_1916 : vector<16xf32> to vector<1x16xf32>
          tpu.vector_store %arg12[%swap3A_1918, %swap3A_1919], %swap3A_1922 {add = true, strides = array<i32>} : memref<2x80xf32, #tpu.memory_space<vmem>>, vector<1x16xf32>,
          %get3A_1923 = arith.constant 1 : i32
          %get3A_1924 = arith.index_cast %get3A_1923 : i32 to index
          %get3A_1925 = arith.index_cast %scan3A_1824 : i32 to index
          %get3A_1926 = arith.constant 16 : index
          %get3A_1927 = tpu.vector_load %arg9[%get3A_1924, %get3A_1925, %get3A_1926] {strides = array<i32>} : memref<2x56x80xf32, #tpu.memory_space<vmem>>, vector<1x1x16xf32>,
          %get3A_1928 = vector.shape_cast %get3A_1927 : vector<1x1x16xf32> to vector<16xf32>
          %mul3A_1929 = arith.mulf %get3A_1928, %get3A_1832 : vector<16xf32>
          %swap3A_1930 = arith.constant 1 : i32
          %swap3A_1931 = arith.index_cast %swap3A_1930 : i32 to index
          %swap3A_1932 = arith.constant 16 : index
          %swap3A_1933 = tpu.vector_load %arg12[%swap3A_1931, %swap3A_1932] {strides = array<i32>} : memref<2x80xf32, #tpu.memory_space<vmem>>, vector<1x16xf32>,
          %swap3A_1934 = vector.shape_cast %swap3A_1933 : vector<1x16xf32> to vector<16xf32>
          %swap3A_1935 = vector.shape_cast %mul3A_1929 : vector<16xf32> to vector<1x16xf32>
          tpu.vector_store %arg12[%swap3A_1931, %swap3A_1932], %swap3A_1935 {add = true, strides = array<i32>} : memref<2x80xf32, #tpu.memory_space<vmem>>, vector<1x16xf32>,
          %get3A_1936 = arith.constant 1 : i32
          %get3A_1937 = arith.index_cast %get3A_1936 : i32 to index
          %get3A_1938 = arith.index_cast %scan3A_1824 : i32 to index
          %get3A_1939 = arith.constant 32 : index
          %get3A_1940 = tpu.vector_load %arg9[%get3A_1937, %get3A_1938, %get3A_1939] {strides = array<i32>} : memref<2x56x80xf32, #tpu.memory_space<vmem>>, vector<1x1x16xf32>,
          %get3A_1941 = vector.shape_cast %get3A_1940 : vector<1x1x16xf32> to vector<16xf32>
          %mul3A_1942 = arith.mulf %get3A_1941, %get3A_1836 : vector<16xf32>
          %swap3A_1943 = arith.constant 1 : i32
          %swap3A_1944 = arith.index_cast %swap3A_1943 : i32 to index
          %swap3A_1945 = arith.constant 32 : index
          %swap3A_1946 = tpu.vector_load %arg12[%swap3A_1944, %swap3A_1945] {strides = array<i32>} : memref<2x80xf32, #tpu.memory_space<vmem>>, vector<1x16xf32>,
          %swap3A_1947 = vector.shape_cast %swap3A_1946 : vector<1x16xf32> to vector<16xf32>
          %swap3A_1948 = vector.shape_cast %mul3A_1942 : vector<16xf32> to vector<1x16xf32>
          tpu.vector_store %arg12[%swap3A_1944, %swap3A_1945], %swap3A_1948 {add = true, strides = array<i32>} : memref<2x80xf32, #tpu.memory_space<vmem>>, vector<1x16xf32>,
          %get3A_1949 = arith.constant 1 : i32
          %get3A_1950 = arith.index_cast %get3A_1949 : i32 to index
          %get3A_1951 = arith.index_cast %scan3A_1824 : i32 to index
          %get3A_1952 = arith.constant 48 : index
          %get3A_1953 = tpu.vector_load %arg9[%get3A_1950, %get3A_1951, %get3A_1952] {strides = array<i32>} : memref<2x56x80xf32, #tpu.memory_space<vmem>>, vector<1x1x16xf32>,
          %get3A_1954 = vector.shape_cast %get3A_1953 : vector<1x1x16xf32> to vector<16xf32>
          %mul3A_1955 = arith.mulf %get3A_1954, %get3A_1840 : vector<16xf32>
          %swap3A_1956 = arith.constant 1 : i32
          %swap3A_1957 = arith.index_cast %swap3A_1956 : i32 to index
          %swap3A_1958 = arith.constant 48 : index
          %swap3A_1959 = tpu.vector_load %arg12[%swap3A_1957, %swap3A_1958] {strides = array<i32>} : memref<2x80xf32, #tpu.memory_space<vmem>>, vector<1x16xf32>,
          %swap3A_1960 = vector.shape_cast %swap3A_1959 : vector<1x16xf32> to vector<16xf32>
          %swap3A_1961 = vector.shape_cast %mul3A_1955 : vector<16xf32> to vector<1x16xf32>
          tpu.vector_store %arg12[%swap3A_1957, %swap3A_1958], %swap3A_1961 {add = true, strides = array<i32>} : memref<2x80xf32, #tpu.memory_space<vmem>>, vector<1x16xf32>,
          %get3A_1962 = arith.constant 1 : i32
          %get3A_1963 = arith.index_cast %get3A_1962 : i32 to index
          %get3A_1964 = arith.index_cast %scan3A_1824 : i32 to index
          %get3A_1965 = arith.constant 64 : index
          %get3A_1966 = tpu.vector_load %arg9[%get3A_1963, %get3A_1964, %get3A_1965] {strides = array<i32>} : memref<2x56x80xf32, #tpu.memory_space<vmem>>, vector<1x1x16xf32>,
          %get3A_1967 = vector.shape_cast %get3A_1966 : vector<1x1x16xf32> to vector<16xf32>
          %mul3A_1968 = arith.mulf %get3A_1967, %get3A_1844 : vector<16xf32>
          %swap3A_1969 = arith.constant 1 : i32
          %swap3A_1970 = arith.index_cast %swap3A_1969 : i32 to index
          %swap3A_1971 = arith.constant 64 : index
          %swap3A_1972 = tpu.vector_load %arg12[%swap3A_1970, %swap3A_1971] {strides = array<i32>} : memref<2x80xf32, #tpu.memory_space<vmem>>, vector<1x16xf32>,
          %swap3A_1973 = vector.shape_cast %swap3A_1972 : vector<1x16xf32> to vector<16xf32>
          %swap3A_1974 = vector.shape_cast %mul3A_1968 : vector<16xf32> to vector<1x16xf32>
          tpu.vector_store %arg12[%swap3A_1970, %swap3A_1971], %swap3A_1974 {add = true, strides = array<i32>} : memref<2x80xf32, #tpu.memory_space<vmem>>, vector<1x16xf32>,
        }
        %scan3A_1823 = arith.constant 56 : i32
      }
      %scan3A_1698 = arith.constant 7 : i32
      %sub3A_1699 = arith.constant 120 : i32
      %sub3A_1700 = arith.subi %add3A_32, %sub3A_1699 : i32
      %mul3A_1701 = arith.constant 80 : i32
      %mul3A_1702 = arith.muli %sub3A_1700, %mul3A_1701 : i32
      "tpu.region"() ({
        %run_scoped3A = tpu.sem_alloc : memref<!tpu.dma_semaphore, #tpu.memory_space<semaphore_mem>>
        %dma_start3A_1703 = tpu.memref_slice %arg5[%mul3A_34, %mul3A_1702] : memref<8x400xf32, #tpu.memory_space<hbm>> -> memref<2x80xf32, #tpu.memory_space<hbm>>
        %dma_start3A_1704 = tpu.memref_slice %arg5[%mul3A_34, %mul3A_1702] : memref<8x400xf32, #tpu.memory_space<hbm>> -> memref<2x80xf32, #tpu.memory_space<hbm>>
        tpu.enqueue_dma source(%arg12 : memref<2x80xf32, #tpu.memory_space<vmem>>) target(%dma_start3A_1704 : memref<2x80xf32, #tpu.memory_space<hbm>>) target_semaphore(%run_scoped3A : memref<!tpu.dma_semaphore, #tpu.memory_space<semaphore_mem>>)
        %dma_wait3A = tpu.memref_slice %arg5[%mul3A_34, %mul3A_1702] : memref<8x400xf32, #tpu.memory_space<hbm>> -> memref<2x80xf32, #tpu.memory_space<hbm>>
        %dma_wait3A_1705 = tpu.memref_slice %arg5[%mul3A_34, %mul3A_1702] : memref<8x400xf32, #tpu.memory_space<hbm>> -> memref<2x80xf32, #tpu.memory_space<hbm>>
        tpu.wait_dma2 semaphore(%run_scoped3A : memref<!tpu.dma_semaphore, #tpu.memory_space<semaphore_mem>>) src(%arg12 : memref<2x80xf32, #tpu.memory_space<vmem>>) dst(%dma_wait3A_1705 : memref<2x80xf32, #tpu.memory_space<hbm>>)
        tpu.yield
      }) : () -> ()
    } else {
    }
    return
  }
}

module attributes {stable_mosaic.version = 14 : i64} {
  func.func @_tc_encode_body(%arg0: i32, %arg1: memref<784x8xf32, #tpu.memory_space<vmem>>, %arg2: memref<1000x640xf32, #tpu.memory_space<vmem>>, %arg3: memref<784x640xf32, #tpu.memory_space<vmem>>, %arg4: memref<8x640xf32, #tpu.memory_space<vmem>>) attributes {dimension_semantics = [#tpu.dimension_semantics<arbitrary>], iteration_bounds = array<i64: 15>, scalar_prefetch = 0 : i64, scratch_operands = 0 : i64, tpu.core_type = #tpu.core_type<tc>, window_params = [{pipeline_mode = #tpu.pipeline_mode<synchronous>, transform_indices = @transform_0, window_bounds = array<i64: 784, 8>}, {transform_indices = @transform_1, window_bounds = array<i64: 1000, 640>}, {transform_indices = @transform_2, window_bounds = array<i64: 784, 640>}, {transform_indices = @transform_3, window_bounds = array<i64: 8, 640>}]} {
    %get3A = arith.constant 0 : index
    %get3A_0 = arith.constant 0 : index
    %get3A_1 = vector.load %arg2[%get3A, %get3A_0] : memref<1000x640xf32, #tpu.memory_space<vmem>>, vector<1000x640xf32>
    %convert_element_type3A = arith.truncf %get3A_1 : vector<1000x640xf32> to vector<1000x640xf8E4M3FN>
    %get3A_2 = arith.constant 0 : index
    %get3A_3 = arith.constant 0 : index
    %get3A_4 = vector.load %arg3[%get3A_2, %get3A_3] : memref<784x640xf32, #tpu.memory_space<vmem>>, vector<784x640xf32>
    %iota3A = tpu.iota {dimensions = array<i32: 1>} : vector<784x1000xi32>
    %get3A_5 = arith.constant 0 : index
    %get3A_6 = arith.constant 0 : index
    %get3A_7 = vector.load %arg1[%get3A_5, %get3A_6] : memref<784x8xf32, #tpu.memory_space<vmem>>, vector<784x1xf32>
    %mul3A = arith.constant 9.990000e+02 : f32
    %mul3A_8 = vector.broadcast %mul3A : f32 to vector<784x1xf32>
    %mul3A_9 = arith.mulf %get3A_7, %mul3A_8 : vector<784x1xf32>
    %round3A = math.roundeven %mul3A_9 : vector<784x1xf32>
    %jit3A = arith.constant 0 : i32
    %jit3A_10 = arith.constant 999 : i32
    %convert_element_type3A_11 = arith.sitofp %jit3A : i32 to f32
    %max3A = vector.broadcast %convert_element_type3A_11 : f32 to vector<784x1xf32>
    %max3A_12 = arith.maximumf %max3A, %round3A : vector<784x1xf32>
    %convert_element_type3A_13 = arith.sitofp %jit3A_10 : i32 to f32
    %min3A = vector.broadcast %convert_element_type3A_13 : f32 to vector<784x1xf32>
    %min3A_14 = arith.minimumf %min3A, %max3A_12 : vector<784x1xf32>
    %convert_element_type3A_15 = arith.fptosi %min3A_14 : vector<784x1xf32> to vector<784x1xi32>
    %eq3A = vector.broadcast %convert_element_type3A_15 : vector<784x1xi32> to vector<784x1000xi32>
    %eq3A_16 = arith.cmpi eq, %eq3A, %iota3A : vector<784x1000xi32>
    %convert_element_type3A_17 = arith.extui %eq3A_16 : vector<784x1000xi1> to vector<784x1000xi32>
    %convert_element_type3A_18 = arith.sitofp %convert_element_type3A_17 : vector<784x1000xi32> to vector<784x1000xf32>
    %convert_element_type3A_19 = arith.truncf %convert_element_type3A_18 : vector<784x1000xf32> to vector<784x1000xf8E4M3FN>
    %dot_general3A = arith.constant dense<0.000000e+00> : vector<784x640xf32>
    %dot_general3A_20 = tpu.matmul %convert_element_type3A_19, %convert_element_type3A, %dot_general3A {dimension_numbers = #tpu.dot_dimension_numbers<[1], [0], [0], [1], [0, 0, 1, 1], [], []>, transpose_lhs_hint = false} : vector<784x1000xf8E4M3FN>, vector<1000x640xf8E4M3FN>, vector<784x640xf32> -> vector<784x640xf32>
    %mul3A_21 = arith.mulf %dot_general3A_20, %get3A_4 : vector<784x640xf32>
    %reduce_sum3A = arith.constant dense<0.000000e+00> : vector<640xf32>
    %reduce_sum3A_22 = vector.multi_reduction <add>, %mul3A_21, %reduce_sum3A [0] : vector<784x640xf32> to vector<640xf32>
    %swap3A = arith.constant 0 : index
    %swap3A_23 = arith.constant 0 : index
    %swap3A_24 = vector.load %arg4[%swap3A, %swap3A_23] : memref<8x640xf32, #tpu.memory_space<vmem>>, vector<1x640xf32>
    %swap3A_25 = vector.shape_cast %swap3A_24 : vector<1x640xf32> to vector<640xf32>
    %swap3A_26 = vector.shape_cast %reduce_sum3A_22 : vector<640xf32> to vector<1x640xf32>
    tpu.vector_store %arg4[%swap3A, %swap3A_23], %swap3A_26 {strides = array<i32>} : memref<8x640xf32, #tpu.memory_space<vmem>>, vector<1x640xf32>,
    %get3A_27 = arith.constant 0 : index
    %get3A_28 = arith.constant 1 : index
    %get3A_29 = vector.load %arg1[%get3A_27, %get3A_28] : memref<784x8xf32, #tpu.memory_space<vmem>>, vector<784x1xf32>
    %mul3A_30 = arith.constant 9.990000e+02 : f32
    %mul3A_31 = vector.broadcast %mul3A_30 : f32 to vector<784x1xf32>
    %mul3A_32 = arith.mulf %get3A_29, %mul3A_31 : vector<784x1xf32>
    %round3A_33 = math.roundeven %mul3A_32 : vector<784x1xf32>
    %jit3A_34 = arith.constant 0 : i32
    %jit3A_35 = arith.constant 999 : i32
    %convert_element_type3A_36 = arith.sitofp %jit3A_34 : i32 to f32
    %max3A_37 = vector.broadcast %convert_element_type3A_36 : f32 to vector<784x1xf32>
    %max3A_38 = arith.maximumf %max3A_37, %round3A_33 : vector<784x1xf32>
    %convert_element_type3A_39 = arith.sitofp %jit3A_35 : i32 to f32
    %min3A_40 = vector.broadcast %convert_element_type3A_39 : f32 to vector<784x1xf32>
    %min3A_41 = arith.minimumf %min3A_40, %max3A_38 : vector<784x1xf32>
    %convert_element_type3A_42 = arith.fptosi %min3A_41 : vector<784x1xf32> to vector<784x1xi32>
    %eq3A_43 = vector.broadcast %convert_element_type3A_42 : vector<784x1xi32> to vector<784x1000xi32>
    %eq3A_44 = arith.cmpi eq, %eq3A_43, %iota3A : vector<784x1000xi32>
    %convert_element_type3A_45 = arith.extui %eq3A_44 : vector<784x1000xi1> to vector<784x1000xi32>
    %convert_element_type3A_46 = arith.sitofp %convert_element_type3A_45 : vector<784x1000xi32> to vector<784x1000xf32>
    %convert_element_type3A_47 = arith.truncf %convert_element_type3A_46 : vector<784x1000xf32> to vector<784x1000xf8E4M3FN>
    %dot_general3A_48 = arith.constant dense<0.000000e+00> : vector<784x640xf32>
    %dot_general3A_49 = tpu.matmul %convert_element_type3A_47, %convert_element_type3A, %dot_general3A_48 {dimension_numbers = #tpu.dot_dimension_numbers<[1], [0], [0], [1], [0, 0, 1, 1], [], []>, transpose_lhs_hint = false} : vector<784x1000xf8E4M3FN>, vector<1000x640xf8E4M3FN>, vector<784x640xf32> -> vector<784x640xf32>
    %mul3A_50 = arith.mulf %dot_general3A_49, %get3A_4 : vector<784x640xf32>
    %reduce_sum3A_51 = arith.constant dense<0.000000e+00> : vector<640xf32>
    %reduce_sum3A_52 = vector.multi_reduction <add>, %mul3A_50, %reduce_sum3A_51 [0] : vector<784x640xf32> to vector<640xf32>
    %swap3A_53 = arith.constant 1 : index
    %swap3A_54 = arith.constant 0 : index
    %swap3A_55 = vector.load %arg4[%swap3A_53, %swap3A_54] : memref<8x640xf32, #tpu.memory_space<vmem>>, vector<1x640xf32>
    %swap3A_56 = vector.shape_cast %swap3A_55 : vector<1x640xf32> to vector<640xf32>
    %swap3A_57 = vector.shape_cast %reduce_sum3A_52 : vector<640xf32> to vector<1x640xf32>
    tpu.vector_store %arg4[%swap3A_53, %swap3A_54], %swap3A_57 {strides = array<i32>} : memref<8x640xf32, #tpu.memory_space<vmem>>, vector<1x640xf32>,
    %get3A_58 = arith.constant 0 : index
    %get3A_59 = arith.constant 2 : index
    %get3A_60 = vector.load %arg1[%get3A_58, %get3A_59] : memref<784x8xf32, #tpu.memory_space<vmem>>, vector<784x1xf32>
    %mul3A_61 = arith.constant 9.990000e+02 : f32
    %mul3A_62 = vector.broadcast %mul3A_61 : f32 to vector<784x1xf32>
    %mul3A_63 = arith.mulf %get3A_60, %mul3A_62 : vector<784x1xf32>
    %round3A_64 = math.roundeven %mul3A_63 : vector<784x1xf32>
    %jit3A_65 = arith.constant 0 : i32
    %jit3A_66 = arith.constant 999 : i32
    %convert_element_type3A_67 = arith.sitofp %jit3A_65 : i32 to f32
    %max3A_68 = vector.broadcast %convert_element_type3A_67 : f32 to vector<784x1xf32>
    %max3A_69 = arith.maximumf %max3A_68, %round3A_64 : vector<784x1xf32>
    %convert_element_type3A_70 = arith.sitofp %jit3A_66 : i32 to f32
    %min3A_71 = vector.broadcast %convert_element_type3A_70 : f32 to vector<784x1xf32>
    %min3A_72 = arith.minimumf %min3A_71, %max3A_69 : vector<784x1xf32>
    %convert_element_type3A_73 = arith.fptosi %min3A_72 : vector<784x1xf32> to vector<784x1xi32>
    %eq3A_74 = vector.broadcast %convert_element_type3A_73 : vector<784x1xi32> to vector<784x1000xi32>
    %eq3A_75 = arith.cmpi eq, %eq3A_74, %iota3A : vector<784x1000xi32>
    %convert_element_type3A_76 = arith.extui %eq3A_75 : vector<784x1000xi1> to vector<784x1000xi32>
    %convert_element_type3A_77 = arith.sitofp %convert_element_type3A_76 : vector<784x1000xi32> to vector<784x1000xf32>
    %convert_element_type3A_78 = arith.truncf %convert_element_type3A_77 : vector<784x1000xf32> to vector<784x1000xf8E4M3FN>
    %dot_general3A_79 = arith.constant dense<0.000000e+00> : vector<784x640xf32>
    %dot_general3A_80 = tpu.matmul %convert_element_type3A_78, %convert_element_type3A, %dot_general3A_79 {dimension_numbers = #tpu.dot_dimension_numbers<[1], [0], [0], [1], [0, 0, 1, 1], [], []>, transpose_lhs_hint = false} : vector<784x1000xf8E4M3FN>, vector<1000x640xf8E4M3FN>, vector<784x640xf32> -> vector<784x640xf32>
    %mul3A_81 = arith.mulf %dot_general3A_80, %get3A_4 : vector<784x640xf32>
    %reduce_sum3A_82 = arith.constant dense<0.000000e+00> : vector<640xf32>
    %reduce_sum3A_83 = vector.multi_reduction <add>, %mul3A_81, %reduce_sum3A_82 [0] : vector<784x640xf32> to vector<640xf32>
    %swap3A_84 = arith.constant 2 : index
    %swap3A_85 = arith.constant 0 : index
    %swap3A_86 = vector.load %arg4[%swap3A_84, %swap3A_85] : memref<8x640xf32, #tpu.memory_space<vmem>>, vector<1x640xf32>
    %swap3A_87 = vector.shape_cast %swap3A_86 : vector<1x640xf32> to vector<640xf32>
    %swap3A_88 = vector.shape_cast %reduce_sum3A_83 : vector<640xf32> to vector<1x640xf32>
    tpu.vector_store %arg4[%swap3A_84, %swap3A_85], %swap3A_88 {strides = array<i32>} : memref<8x640xf32, #tpu.memory_space<vmem>>, vector<1x640xf32>,
    %get3A_89 = arith.constant 0 : index
    %get3A_90 = arith.constant 3 : index
    %get3A_91 = vector.load %arg1[%get3A_89, %get3A_90] : memref<784x8xf32, #tpu.memory_space<vmem>>, vector<784x1xf32>
    %mul3A_92 = arith.constant 9.990000e+02 : f32
    %mul3A_93 = vector.broadcast %mul3A_92 : f32 to vector<784x1xf32>
    %mul3A_94 = arith.mulf %get3A_91, %mul3A_93 : vector<784x1xf32>
    %round3A_95 = math.roundeven %mul3A_94 : vector<784x1xf32>
    %jit3A_96 = arith.constant 0 : i32
    %jit3A_97 = arith.constant 999 : i32
    %convert_element_type3A_98 = arith.sitofp %jit3A_96 : i32 to f32
    %max3A_99 = vector.broadcast %convert_element_type3A_98 : f32 to vector<784x1xf32>
    %max3A_100 = arith.maximumf %max3A_99, %round3A_95 : vector<784x1xf32>
    %convert_element_type3A_101 = arith.sitofp %jit3A_97 : i32 to f32
    %min3A_102 = vector.broadcast %convert_element_type3A_101 : f32 to vector<784x1xf32>
    %min3A_103 = arith.minimumf %min3A_102, %max3A_100 : vector<784x1xf32>
    %convert_element_type3A_104 = arith.fptosi %min3A_103 : vector<784x1xf32> to vector<784x1xi32>
    %eq3A_105 = vector.broadcast %convert_element_type3A_104 : vector<784x1xi32> to vector<784x1000xi32>
    %eq3A_106 = arith.cmpi eq, %eq3A_105, %iota3A : vector<784x1000xi32>
    %convert_element_type3A_107 = arith.extui %eq3A_106 : vector<784x1000xi1> to vector<784x1000xi32>
    %convert_element_type3A_108 = arith.sitofp %convert_element_type3A_107 : vector<784x1000xi32> to vector<784x1000xf32>
    %convert_element_type3A_109 = arith.truncf %convert_element_type3A_108 : vector<784x1000xf32> to vector<784x1000xf8E4M3FN>
    %dot_general3A_110 = arith.constant dense<0.000000e+00> : vector<784x640xf32>
    %dot_general3A_111 = tpu.matmul %convert_element_type3A_109, %convert_element_type3A, %dot_general3A_110 {dimension_numbers = #tpu.dot_dimension_numbers<[1], [0], [0], [1], [0, 0, 1, 1], [], []>, transpose_lhs_hint = false} : vector<784x1000xf8E4M3FN>, vector<1000x640xf8E4M3FN>, vector<784x640xf32> -> vector<784x640xf32>
    %mul3A_112 = arith.mulf %dot_general3A_111, %get3A_4 : vector<784x640xf32>
    %reduce_sum3A_113 = arith.constant dense<0.000000e+00> : vector<640xf32>
    %reduce_sum3A_114 = vector.multi_reduction <add>, %mul3A_112, %reduce_sum3A_113 [0] : vector<784x640xf32> to vector<640xf32>
    %swap3A_115 = arith.constant 3 : index
    %swap3A_116 = arith.constant 0 : index
    %swap3A_117 = vector.load %arg4[%swap3A_115, %swap3A_116] : memref<8x640xf32, #tpu.memory_space<vmem>>, vector<1x640xf32>
    %swap3A_118 = vector.shape_cast %swap3A_117 : vector<1x640xf32> to vector<640xf32>
    %swap3A_119 = vector.shape_cast %reduce_sum3A_114 : vector<640xf32> to vector<1x640xf32>
    tpu.vector_store %arg4[%swap3A_115, %swap3A_116], %swap3A_119 {strides = array<i32>} : memref<8x640xf32, #tpu.memory_space<vmem>>, vector<1x640xf32>,
    %get3A_120 = arith.constant 0 : index
    %get3A_121 = arith.constant 4 : index
    %get3A_122 = vector.load %arg1[%get3A_120, %get3A_121] : memref<784x8xf32, #tpu.memory_space<vmem>>, vector<784x1xf32>
    %mul3A_123 = arith.constant 9.990000e+02 : f32
    %mul3A_124 = vector.broadcast %mul3A_123 : f32 to vector<784x1xf32>
    %mul3A_125 = arith.mulf %get3A_122, %mul3A_124 : vector<784x1xf32>
    %round3A_126 = math.roundeven %mul3A_125 : vector<784x1xf32>
    %jit3A_127 = arith.constant 0 : i32
    %jit3A_128 = arith.constant 999 : i32
    %convert_element_type3A_129 = arith.sitofp %jit3A_127 : i32 to f32
    %max3A_130 = vector.broadcast %convert_element_type3A_129 : f32 to vector<784x1xf32>
    %max3A_131 = arith.maximumf %max3A_130, %round3A_126 : vector<784x1xf32>
    %convert_element_type3A_132 = arith.sitofp %jit3A_128 : i32 to f32
    %min3A_133 = vector.broadcast %convert_element_type3A_132 : f32 to vector<784x1xf32>
    %min3A_134 = arith.minimumf %min3A_133, %max3A_131 : vector<784x1xf32>
    %convert_element_type3A_135 = arith.fptosi %min3A_134 : vector<784x1xf32> to vector<784x1xi32>
    %eq3A_136 = vector.broadcast %convert_element_type3A_135 : vector<784x1xi32> to vector<784x1000xi32>
    %eq3A_137 = arith.cmpi eq, %eq3A_136, %iota3A : vector<784x1000xi32>
    %convert_element_type3A_138 = arith.extui %eq3A_137 : vector<784x1000xi1> to vector<784x1000xi32>
    %convert_element_type3A_139 = arith.sitofp %convert_element_type3A_138 : vector<784x1000xi32> to vector<784x1000xf32>
    %convert_element_type3A_140 = arith.truncf %convert_element_type3A_139 : vector<784x1000xf32> to vector<784x1000xf8E4M3FN>
    %dot_general3A_141 = arith.constant dense<0.000000e+00> : vector<784x640xf32>
    %dot_general3A_142 = tpu.matmul %convert_element_type3A_140, %convert_element_type3A, %dot_general3A_141 {dimension_numbers = #tpu.dot_dimension_numbers<[1], [0], [0], [1], [0, 0, 1, 1], [], []>, transpose_lhs_hint = false} : vector<784x1000xf8E4M3FN>, vector<1000x640xf8E4M3FN>, vector<784x640xf32> -> vector<784x640xf32>
    %mul3A_143 = arith.mulf %dot_general3A_142, %get3A_4 : vector<784x640xf32>
    %reduce_sum3A_144 = arith.constant dense<0.000000e+00> : vector<640xf32>
    %reduce_sum3A_145 = vector.multi_reduction <add>, %mul3A_143, %reduce_sum3A_144 [0] : vector<784x640xf32> to vector<640xf32>
    %swap3A_146 = arith.constant 4 : index
    %swap3A_147 = arith.constant 0 : index
    %swap3A_148 = vector.load %arg4[%swap3A_146, %swap3A_147] : memref<8x640xf32, #tpu.memory_space<vmem>>, vector<1x640xf32>
    %swap3A_149 = vector.shape_cast %swap3A_148 : vector<1x640xf32> to vector<640xf32>
    %swap3A_150 = vector.shape_cast %reduce_sum3A_145 : vector<640xf32> to vector<1x640xf32>
    tpu.vector_store %arg4[%swap3A_146, %swap3A_147], %swap3A_150 {strides = array<i32>} : memref<8x640xf32, #tpu.memory_space<vmem>>, vector<1x640xf32>,
    %get3A_151 = arith.constant 0 : index
    %get3A_152 = arith.constant 5 : index
    %get3A_153 = vector.load %arg1[%get3A_151, %get3A_152] : memref<784x8xf32, #tpu.memory_space<vmem>>, vector<784x1xf32>
    %mul3A_154 = arith.constant 9.990000e+02 : f32
    %mul3A_155 = vector.broadcast %mul3A_154 : f32 to vector<784x1xf32>
    %mul3A_156 = arith.mulf %get3A_153, %mul3A_155 : vector<784x1xf32>
    %round3A_157 = math.roundeven %mul3A_156 : vector<784x1xf32>
    %jit3A_158 = arith.constant 0 : i32
    %jit3A_159 = arith.constant 999 : i32
    %convert_element_type3A_160 = arith.sitofp %jit3A_158 : i32 to f32
    %max3A_161 = vector.broadcast %convert_element_type3A_160 : f32 to vector<784x1xf32>
    %max3A_162 = arith.maximumf %max3A_161, %round3A_157 : vector<784x1xf32>
    %convert_element_type3A_163 = arith.sitofp %jit3A_159 : i32 to f32
    %min3A_164 = vector.broadcast %convert_element_type3A_163 : f32 to vector<784x1xf32>
    %min3A_165 = arith.minimumf %min3A_164, %max3A_162 : vector<784x1xf32>
    %convert_element_type3A_166 = arith.fptosi %min3A_165 : vector<784x1xf32> to vector<784x1xi32>
    %eq3A_167 = vector.broadcast %convert_element_type3A_166 : vector<784x1xi32> to vector<784x1000xi32>
    %eq3A_168 = arith.cmpi eq, %eq3A_167, %iota3A : vector<784x1000xi32>
    %convert_element_type3A_169 = arith.extui %eq3A_168 : vector<784x1000xi1> to vector<784x1000xi32>
    %convert_element_type3A_170 = arith.sitofp %convert_element_type3A_169 : vector<784x1000xi32> to vector<784x1000xf32>
    %convert_element_type3A_171 = arith.truncf %convert_element_type3A_170 : vector<784x1000xf32> to vector<784x1000xf8E4M3FN>
    %dot_general3A_172 = arith.constant dense<0.000000e+00> : vector<784x640xf32>
    %dot_general3A_173 = tpu.matmul %convert_element_type3A_171, %convert_element_type3A, %dot_general3A_172 {dimension_numbers = #tpu.dot_dimension_numbers<[1], [0], [0], [1], [0, 0, 1, 1], [], []>, transpose_lhs_hint = false} : vector<784x1000xf8E4M3FN>, vector<1000x640xf8E4M3FN>, vector<784x640xf32> -> vector<784x640xf32>
    %mul3A_174 = arith.mulf %dot_general3A_173, %get3A_4 : vector<784x640xf32>
    %reduce_sum3A_175 = arith.constant dense<0.000000e+00> : vector<640xf32>
    %reduce_sum3A_176 = vector.multi_reduction <add>, %mul3A_174, %reduce_sum3A_175 [0] : vector<784x640xf32> to vector<640xf32>
    %swap3A_177 = arith.constant 5 : index
    %swap3A_178 = arith.constant 0 : index
    %swap3A_179 = vector.load %arg4[%swap3A_177, %swap3A_178] : memref<8x640xf32, #tpu.memory_space<vmem>>, vector<1x640xf32>
    %swap3A_180 = vector.shape_cast %swap3A_179 : vector<1x640xf32> to vector<640xf32>
    %swap3A_181 = vector.shape_cast %reduce_sum3A_176 : vector<640xf32> to vector<1x640xf32>
    tpu.vector_store %arg4[%swap3A_177, %swap3A_178], %swap3A_181 {strides = array<i32>} : memref<8x640xf32, #tpu.memory_space<vmem>>, vector<1x640xf32>,
    %get3A_182 = arith.constant 0 : index
    %get3A_183 = arith.constant 6 : index
    %get3A_184 = vector.load %arg1[%get3A_182, %get3A_183] : memref<784x8xf32, #tpu.memory_space<vmem>>, vector<784x1xf32>
    %mul3A_185 = arith.constant 9.990000e+02 : f32
    %mul3A_186 = vector.broadcast %mul3A_185 : f32 to vector<784x1xf32>
    %mul3A_187 = arith.mulf %get3A_184, %mul3A_186 : vector<784x1xf32>
    %round3A_188 = math.roundeven %mul3A_187 : vector<784x1xf32>
    %jit3A_189 = arith.constant 0 : i32
    %jit3A_190 = arith.constant 999 : i32
    %convert_element_type3A_191 = arith.sitofp %jit3A_189 : i32 to f32
    %max3A_192 = vector.broadcast %convert_element_type3A_191 : f32 to vector<784x1xf32>
    %max3A_193 = arith.maximumf %max3A_192, %round3A_188 : vector<784x1xf32>
    %convert_element_type3A_194 = arith.sitofp %jit3A_190 : i32 to f32
    %min3A_195 = vector.broadcast %convert_element_type3A_194 : f32 to vector<784x1xf32>
    %min3A_196 = arith.minimumf %min3A_195, %max3A_193 : vector<784x1xf32>
    %convert_element_type3A_197 = arith.fptosi %min3A_196 : vector<784x1xf32> to vector<784x1xi32>
    %eq3A_198 = vector.broadcast %convert_element_type3A_197 : vector<784x1xi32> to vector<784x1000xi32>
    %eq3A_199 = arith.cmpi eq, %eq3A_198, %iota3A : vector<784x1000xi32>
    %convert_element_type3A_200 = arith.extui %eq3A_199 : vector<784x1000xi1> to vector<784x1000xi32>
    %convert_element_type3A_201 = arith.sitofp %convert_element_type3A_200 : vector<784x1000xi32> to vector<784x1000xf32>
    %convert_element_type3A_202 = arith.truncf %convert_element_type3A_201 : vector<784x1000xf32> to vector<784x1000xf8E4M3FN>
    %dot_general3A_203 = arith.constant dense<0.000000e+00> : vector<784x640xf32>
    %dot_general3A_204 = tpu.matmul %convert_element_type3A_202, %convert_element_type3A, %dot_general3A_203 {dimension_numbers = #tpu.dot_dimension_numbers<[1], [0], [0], [1], [0, 0, 1, 1], [], []>, transpose_lhs_hint = false} : vector<784x1000xf8E4M3FN>, vector<1000x640xf8E4M3FN>, vector<784x640xf32> -> vector<784x640xf32>
    %mul3A_205 = arith.mulf %dot_general3A_204, %get3A_4 : vector<784x640xf32>
    %reduce_sum3A_206 = arith.constant dense<0.000000e+00> : vector<640xf32>
    %reduce_sum3A_207 = vector.multi_reduction <add>, %mul3A_205, %reduce_sum3A_206 [0] : vector<784x640xf32> to vector<640xf32>
    %swap3A_208 = arith.constant 6 : index
    %swap3A_209 = arith.constant 0 : index
    %swap3A_210 = vector.load %arg4[%swap3A_208, %swap3A_209] : memref<8x640xf32, #tpu.memory_space<vmem>>, vector<1x640xf32>
    %swap3A_211 = vector.shape_cast %swap3A_210 : vector<1x640xf32> to vector<640xf32>
    %swap3A_212 = vector.shape_cast %reduce_sum3A_207 : vector<640xf32> to vector<1x640xf32>
    tpu.vector_store %arg4[%swap3A_208, %swap3A_209], %swap3A_212 {strides = array<i32>} : memref<8x640xf32, #tpu.memory_space<vmem>>, vector<1x640xf32>,
    %get3A_213 = arith.constant 0 : index
    %get3A_214 = arith.constant 7 : index
    %get3A_215 = vector.load %arg1[%get3A_213, %get3A_214] : memref<784x8xf32, #tpu.memory_space<vmem>>, vector<784x1xf32>
    %mul3A_216 = arith.constant 9.990000e+02 : f32
    %mul3A_217 = vector.broadcast %mul3A_216 : f32 to vector<784x1xf32>
    %mul3A_218 = arith.mulf %get3A_215, %mul3A_217 : vector<784x1xf32>
    %round3A_219 = math.roundeven %mul3A_218 : vector<784x1xf32>
    %jit3A_220 = arith.constant 0 : i32
    %jit3A_221 = arith.constant 999 : i32
    %convert_element_type3A_222 = arith.sitofp %jit3A_220 : i32 to f32
    %max3A_223 = vector.broadcast %convert_element_type3A_222 : f32 to vector<784x1xf32>
    %max3A_224 = arith.maximumf %max3A_223, %round3A_219 : vector<784x1xf32>
    %convert_element_type3A_225 = arith.sitofp %jit3A_221 : i32 to f32
    %min3A_226 = vector.broadcast %convert_element_type3A_225 : f32 to vector<784x1xf32>
    %min3A_227 = arith.minimumf %min3A_226, %max3A_224 : vector<784x1xf32>
    %convert_element_type3A_228 = arith.fptosi %min3A_227 : vector<784x1xf32> to vector<784x1xi32>
    %eq3A_229 = vector.broadcast %convert_element_type3A_228 : vector<784x1xi32> to vector<784x1000xi32>
    %eq3A_230 = arith.cmpi eq, %eq3A_229, %iota3A : vector<784x1000xi32>
    %convert_element_type3A_231 = arith.extui %eq3A_230 : vector<784x1000xi1> to vector<784x1000xi32>
    %convert_element_type3A_232 = arith.sitofp %convert_element_type3A_231 : vector<784x1000xi32> to vector<784x1000xf32>
    %convert_element_type3A_233 = arith.truncf %convert_element_type3A_232 : vector<784x1000xf32> to vector<784x1000xf8E4M3FN>
    %dot_general3A_234 = arith.constant dense<0.000000e+00> : vector<784x640xf32>
    %dot_general3A_235 = tpu.matmul %convert_element_type3A_233, %convert_element_type3A, %dot_general3A_234 {dimension_numbers = #tpu.dot_dimension_numbers<[1], [0], [0], [1], [0, 0, 1, 1], [], []>, transpose_lhs_hint = false} : vector<784x1000xf8E4M3FN>, vector<1000x640xf8E4M3FN>, vector<784x640xf32> -> vector<784x640xf32>
    %mul3A_236 = arith.mulf %dot_general3A_235, %get3A_4 : vector<784x640xf32>
    %reduce_sum3A_237 = arith.constant dense<0.000000e+00> : vector<640xf32>
    %reduce_sum3A_238 = vector.multi_reduction <add>, %mul3A_236, %reduce_sum3A_237 [0] : vector<784x640xf32> to vector<640xf32>
    %swap3A_239 = arith.constant 7 : index
    %swap3A_240 = arith.constant 0 : index
    %swap3A_241 = vector.load %arg4[%swap3A_239, %swap3A_240] : memref<8x640xf32, #tpu.memory_space<vmem>>, vector<1x640xf32>
    %swap3A_242 = vector.shape_cast %swap3A_241 : vector<1x640xf32> to vector<640xf32>
    %swap3A_243 = vector.shape_cast %reduce_sum3A_238 : vector<640xf32> to vector<1x640xf32>
    tpu.vector_store %arg4[%swap3A_239, %swap3A_240], %swap3A_243 {strides = array<i32>} : memref<8x640xf32, #tpu.memory_space<vmem>>, vector<1x640xf32>,
    return
  }
  func.func @transform_0(%arg0: i32) -> (i32, i32) {
    %c0_i32 = arith.constant 0 : i32
    %c0_i32_0 = arith.constant 0 : i32
    %c0_i32_1 = arith.constant 0 : i32
    return %c0_i32, %c0_i32_0 : i32, i32
  }
  func.func @transform_1(%arg0: i32) -> (i32, i32) {
    %c0_i32 = arith.constant 0 : i32
    %c0_i32_0 = arith.constant 0 : i32
    return %c0_i32, %arg0 : i32, i32
  }
  func.func @transform_2(%arg0: i32) -> (i32, i32) {
    %c0_i32 = arith.constant 0 : i32
    %c0_i32_0 = arith.constant 0 : i32
    return %c0_i32, %arg0 : i32, i32
  }
  func.func @transform_3(%arg0: i32) -> (i32, i32) {
    %c0_i32 = arith.constant 0 : i32
    %c0_i32_0 = arith.constant 0 : i32
    return %c0_i32, %arg0 : i32, i32
  }
}

module attributes {stable_mosaic.version = 14 : i64} {
  func.func @_finish_body(%arg0: memref<8x9600xf32, #tpu.memory_space<vmem>>, %arg1: memref<8x400xf32, #tpu.memory_space<vmem>>, %arg2: memref<10x10000xf32, #tpu.memory_space<vmem>>, %arg3: memref<8x10xf32, #tpu.memory_space<vmem>>) attributes {dimension_semantics = [], scalar_prefetch = 0 : i64, scratch_operands = 0 : i64, tpu.core_type = #tpu.core_type<tc>} {
    %get3A = arith.constant 0 : index
    %get3A_0 = arith.constant 0 : index
    %get3A_1 = vector.load %arg2[%get3A, %get3A_0] : memref<10x10000xf32, #tpu.memory_space<vmem>>, vector<10x10000xf32>
    %get3A_2 = arith.constant 0 : index
    %get3A_3 = arith.constant 0 : index
    %get3A_4 = vector.load %arg0[%get3A_2, %get3A_3] : memref<8x9600xf32, #tpu.memory_space<vmem>>, vector<8x9600xf32>
    %gt3A = arith.constant 0.000000e+00 : f32
    %gt3A_5 = vector.broadcast %gt3A : f32 to vector<8x9600xf32>
    %gt3A_6 = arith.cmpf ogt, %get3A_4, %gt3A_5 : vector<8x9600xf32>
    %jit3A = arith.constant 1.000000e+00 : f32
    %jit3A_7 = arith.constant -1.000000e+00 : f32
    %broadcast_in_dim3A = vector.broadcast %jit3A : f32 to vector<8x9600xf32>
    %broadcast_in_dim3A_8 = vector.broadcast %jit3A_7 : f32 to vector<8x9600xf32>
    %select_n3A = arith.select %gt3A_6, %broadcast_in_dim3A, %broadcast_in_dim3A_8 : vector<8x9600xi1>, vector<8x9600xf32>
    %get3A_9 = arith.constant 0 : index
    %get3A_10 = arith.constant 0 : index
    %get3A_11 = vector.load %arg1[%get3A_9, %get3A_10] : memref<8x400xf32, #tpu.memory_space<vmem>>, vector<8x400xf32>
    %gt3A_12 = arith.constant 0.000000e+00 : f32
    %gt3A_13 = vector.broadcast %gt3A_12 : f32 to vector<8x400xf32>
    %gt3A_14 = arith.cmpf ogt, %get3A_11, %gt3A_13 : vector<8x400xf32>
    %jit3A_15 = arith.constant 1.000000e+00 : f32
    %jit3A_16 = arith.constant -1.000000e+00 : f32
    %broadcast_in_dim3A_17 = vector.broadcast %jit3A_15 : f32 to vector<8x400xf32>
    %broadcast_in_dim3A_18 = vector.broadcast %jit3A_16 : f32 to vector<8x400xf32>
    %select_n3A_19 = arith.select %gt3A_14, %broadcast_in_dim3A_17, %broadcast_in_dim3A_18 : vector<8x400xi1>, vector<8x400xf32>
    %slice3A = vector.extract_strided_slice %get3A_1 {offsets = [0, 0], sizes = [10, 9600], strides = [1, 1]} : vector<10x10000xf32> to vector<10x9600xf32>
    %dot_general3A = arith.constant dense<0.000000e+00> : vector<8x10xf32>
    %dot_general3A_20 = tpu.matmul %select_n3A, %slice3A, %dot_general3A {dimension_numbers = #tpu.dot_dimension_numbers<[1], [1], [0], [0], [0, 0, 1, 0], [], []>, transpose_lhs_hint = false} : vector<8x9600xf32>, vector<10x9600xf32>, vector<8x10xf32> -> vector<8x10xf32>
    %slice3A_21 = vector.extract_strided_slice %get3A_1 {offsets = [0, 9600], sizes = [10, 400], strides = [1, 1]} : vector<10x10000xf32> to vector<10x400xf32>
    %dot_general3A_22 = arith.constant dense<0.000000e+00> : vector<8x10xf32>
    %dot_general3A_23 = tpu.matmul %select_n3A_19, %slice3A_21, %dot_general3A_22 {dimension_numbers = #tpu.dot_dimension_numbers<[1], [1], [0], [0], [0, 0, 1, 0], [], []>, transpose_lhs_hint = false} : vector<8x400xf32>, vector<10x400xf32>, vector<8x10xf32> -> vector<8x10xf32>
    %add3A = arith.addf %dot_general3A_20, %dot_general3A_23 : vector<8x10xf32>
    %swap3A = arith.constant 0 : index
    %swap3A_24 = arith.constant 0 : index
    %swap3A_25 = vector.load %arg3[%swap3A, %swap3A_24] : memref<8x10xf32, #tpu.memory_space<vmem>>, vector<8x10xf32>
    tpu.vector_store %arg3[%swap3A, %swap3A_24], %add3A {strides = array<i32>} : memref<8x10xf32, #tpu.memory_space<vmem>>, vector<8x10xf32>,
    return
  }
}

</mosaic_0001>

<sc_bundles>
// kernel: kernel.5.cloned.1.call-start
scs
__scs_entry_jumppad:
0x0: {  	(pc) =	sbr.rel $0x88, $3  }
0x1: {  	(tag) =	ssettag $0x0;
	lr =	simm.s32 $0x1  }
0x2: {  	[smem:$0x3F9D] =	sst lr;
	_ =	strace $0xD0000000  }
0x3: {  	_ = 	snop  }
0x4: {  	_ = 	snop  }
0x5: {  	_ = 	snop  }
0x6: {  	_ = 	snop  }
0x7: {  	_ = 	snop  }
__scs_overlays_trampoline_lowered:
0x8: {  	[smem:$0x3FAC] =	sst s0  }
0x9: {  	[smem:$0x3FAD] =	sst s1  }
0xa: {  	[smem:$0x3FAE] =	sst s2  }
0xb: {  	[smem:$0x3FAF] =	sst s3  }
0xc: {  	[smem:$0x3FB0] =	sst s4  }
0xd: {  	[smem:$0x3FB1] =	sst s5  }
0xe: {  	[smem:$0x3FB2] =	sst s6  }
0xf: {  	[smem:$0x3FB3] =	sst s7  }
0x10: {  	[smem:$0x3FB4] =	sst s8  }
0x11: {  	[smem:$0x3FB5] =	sst s9;
	s0 =	simm.s32 @!p0 $0x0  }
0x12: {  	s1 =	sld [smem:$0x3F9B];
	s0 =	simm.s32 @p0 $0x1  }
0x13: {  	[smem:$0x3FB6] =	sst s0;
	s0 =	simm.s32 @!p1 $0x0  }
0x14: {  	s2 =	sld [smem:$0x3F9A];
	s0 =	simm.s32 @p1 $0x1  }
0x15: {  	[smem:$0x3FB7] =	sst s0;
	s0 =	simm.s32 @!p2 $0x0  }
0x16: {  	s3 =	sld [smem:$0x3FDB];
	s0 =	simm.s32 @p2 $0x1  }
0x17: {  	s4 =	simm.s32 $0x1BF5;
	[smem:$0x3FB9] =	sst s0  }
0x18: {  	s0 =	sld [smem:$0x3F9C];
	_ =	swait.ge [sflag:s4], $0x0  }
0x19: {  	s7 =	sld [smem:$0x3F9D]  }
0x1a: {  	s8 =	sadd.s32 $0xFFFFE003, lr  }
0x1b: {  	s9 =	sadd.s32 $0xFFFFFEF7, lr;
	s5 =	simm.s32 $0xFFFFFFFF;
	p2 =	slt.u32 s8, $0xFFFFF086  }
0x1c: {  	p1 =	slt.u32 s9, $0xF7A;
	s5 =	simm.s32 @!p2 $0x0  }
0x1d: {  	s5 =	simm.s32 @p1 $0x1;
	p0 =	seq.s32 s7, s2  }
0x1e: {  	s7 =	smul.u32 @!p0 $0xF7A, s2;
	p2 =	seq.s32 @!p0 s5, $0x0  }
0x1f: {  	s9 =	smul.u32 $0xF7A, s1;
	s8 =	simm.s32 @!p0 $0x1BF5;
	p2 =	por !p2, p0  }
0x20: {  	[sflag:s8] =	ssyncset.s32 @!p0 $0xFFFFF086;
	s6 =	sadd.s32 @!p0 s3, s7;
	s7 =	simm.s32 @!p0 $0x108  }
0x21: {  	s3 =	sadd.s32 s3, s9;
	s6 =	sadd.s32 @!p0 $0x88, s6;
	s7 =	simm.s32 @p2 $0x1082  }
0x22: {  	[simem:s7], [sflag:s8] =	dma.local @!p0 [hbm:s6], $0xF7A  }
0x23: {  	s9 =	sor.u32 $0xD0000000, s2;
	s6 =	simm.s32 $0x108;
	_ =	swait.ge @!p0 [sflag:s8], $0x0  }
0x24: {  	s3 =	sadd.s32 $0x88, s3;
	s6 =	simm.s32 @!p1 $0x1082;
	[sflag:s4] =	ssyncset.s32 $0xFFFFF086  }
0x25: {  	[simem:s6], [sflag:s4] =	dma.local [hbm:s3], $0xF7A  }
0x26: {  	[smem:$0x3F9D] =	sst s1;
	(tag) =	ssettag s2;
	_ =	strace s9  }
0x27: {  	s1 =	sld [smem:$0x3FAD]  }
0x28: {  	s2 =	sld [smem:$0x3FAE]  }
0x29: {  	s4 =	sld [smem:$0x3FB0]  }
0x2a: {  	p0 =	seq.s32 s5, $0x0;
	s5 =	sld [smem:$0x3FB1]  }
0x2b: {  	s6 =	sld [smem:$0x3FB2]  }
0x2c: {  	s7 =	sld [smem:$0x3FB3]  }
0x2d: {  	s3 =	simm.s32 $0x108;
	s8 =	sld [smem:$0x3FB4]  }
0x2e: {  	s3 =	simm.s32 @!p0 $0x1082;
	s9 =	sld [smem:$0x3FB5]  }
0x2f: {  	lr =	sadd.s32 s0, s3;
	s0 =	sld [smem:$0x3FAC]  }
0x30: {  	s3 =	sld [smem:$0x3FAF]  }
0x31: {  	[smem:$0x3FB8] =	sst s10  }
0x32: {  	s10 =	sld [smem:$0x3FB6];
	_ =	sdelay $0x3  }
0x33: {  	p0 =	seq.s32 s10, $0x1;
	s10 =	sld [smem:$0x3FB8];
	_ =	sdelay $0x3  }
0x34: {  	[smem:$0x3FB8] =	sst s10  }
0x35: {  	s10 =	sld [smem:$0x3FB7];
	_ =	sdelay $0x3  }
0x36: {  	p1 =	seq.s32 s10, $0x1;
	s10 =	sld [smem:$0x3FB8];
	_ =	sdelay $0x3  }
0x37: {  	[smem:$0x3FB8] =	sst s10  }
0x38: {  	s10 =	sld [smem:$0x3FB9]  }
0x39: {  	_ = 	snop;
	(pc) =	sbr.ind lr, $3  }
0x3a: {  	_ = 	snop  }
0x3b: {  	_ = 	snop  }
0x3c: {  	p2 =	seq.s32 s10, $0x1;
	s10 =	sld [smem:$0x3FB8]  }
0x3d: {  	_ =	shalt  }
0x3e: {  	_ =	shalt  }
0x3f: {  	_ =	shalt  }
0x40: {  	_ =	shalt  }
0x41: {  	_ =	shalt  }
0x42: {  	_ =	shalt  }
0x43: {  	_ =	shalt  }
0x44: {  	_ =	shalt  }
0x45: {  	_ =	shalt  }
0x46: {  	_ =	shalt  }
0x47: {  	_ =	shalt  }
0x48: {  	_ =	shalt  }
0x49: {  	_ =	shalt  }
0x4a: {  	_ =	shalt  }
0x4b: {  	_ =	shalt  }
0x4c: {  	_ =	shalt  }
0x4d: {  	_ =	shalt  }
0x4e: {  	_ =	shalt  }
0x4f: {  	_ =	shalt  }
0x50: {  	_ =	shalt  }
0x51: {  	_ =	shalt  }
0x52: {  	_ =	shalt  }
0x53: {  	_ =	shalt  }
0x54: {  	_ =	shalt  }
0x55: {  	_ =	shalt  }
0x56: {  	_ =	shalt  }
0x57: {  	_ =	shalt  }
0x58: {  	_ =	shalt  }
0x59: {  	_ =	shalt  }
0x5a: {  	_ =	shalt  }
0x5b: {  	_ =	shalt  }
0x5c: {  	_ =	shalt  }
0x5d: {  	_ =	shalt  }
0x5e: {  	_ =	shalt  }
0x5f: {  	_ =	shalt  }
0x60: {  	_ =	shalt  }
0x61: {  	_ =	shalt  }
0x62: {  	_ =	shalt  }
0x63: {  	_ =	shalt  }
0x64: {  	_ =	shalt  }
0x65: {  	_ =	shalt  }
0x66: {  	_ =	shalt  }
0x67: {  	_ =	shalt  }
0x68: {  	_ =	shalt  }
0x69: {  	_ =	shalt  }
0x6a: {  	_ =	shalt  }
0x6b: {  	_ =	shalt  }
0x6c: {  	_ =	shalt  }
0x6d: {  	_ =	shalt  }
0x6e: {  	_ =	shalt  }
0x6f: {  	_ =	shalt  }
0x70: {  	_ =	shalt  }
0x71: {  	_ =	shalt  }
0x72: {  	_ =	shalt  }
0x73: {  	_ =	shalt  }
0x74: {  	_ =	shalt  }
0x75: {  	_ =	shalt  }
0x76: {  	_ =	shalt  }
0x77: {  	_ =	shalt  }
0x78: {  	_ =	shalt  }
0x79: {  	_ =	shalt  }
0x7a: {  	_ =	shalt  }
0x7b: {  	_ =	shalt  }
0x7c: {  	_ =	shalt  }
0x7d: {  	_ =	shalt  }
0x7e: {  	_ =	shalt  }
0x7f: {  	_ =	shalt  }
0x80: {  	_ =	shalt  }
0x81: {  	_ =	shalt  }
0x82: {  	_ =	shalt  }
0x83: {  	_ =	shalt  }
0x84: {  	_ =	shalt  }
0x85: {  	_ =	shalt  }
0x86: {  	_ =	shalt  }
0x87: {  	_ =	shalt  }
.Lfunc_end0:
.L_simem_size_0:
called_computation_lowered:
.L_overlay_start_0:
0x88: {  	s2 =	sld [smem:$0x3FD9]  }
0x89: {  	s3 =	sld [smem:$0x3FFE];
	_ =	sdelay $0x1  }
0x8a: {  	s1 =	srdreg.scid  }
0x8b: {  	s0 =	sand.u32 $0x1, s1  }
0x8c: {  	s16 =	sshll.u32 s0, $0xA;
	s2 =	sadd.s32 s3, s2  }
0x8d: {  	s2 =	sadd.s32 s2, s16  }
0x8e: {  	[smem:$0x3FC4] =	sst s2  }
0x8f: {  	_ = 	snop  }
0x90: {  	(tm) =	ssettm $0x1  }
0x91: {  	s17 =	sld [smem:$0x3FFB];
	_ =	sdelay $0x3  }
0x92: {  	_ =	strace s17  }
0x93: {  	s2 =	sld [smem:$0x3FFC];
	_ =	sdelay $0x3  }
0x94: {  	_ =	strace s2  }
0x95: {  	s2 =	sld [smem:$0x3FFD];
	_ =	sdelay $0x3  }
0x96: {  	_ =	strace s2  }
0x97: {  	_ =	strace $0x8FFFFFFF  }
0x98: {  	s18 =	sld [smem:$0x3FDB];
	_ =	sdelay $0x1  }
0x99: {  	s19 =	simm.s32 $_scs_section_size  }
0x9a: {  	s4 =	simm.s32 $_size__tile_overlayer_lowered;
	s5 =	simm.s32 $_tile_overlayer_lowered  }
0x9b: {  	s22 =	simm.s32 $0x1BFF;
	s21 =	sshll.u32 s5, $0x1;
	s2 =	sadd.s32 s19, s18  }
0x9c: {  	s6 =	simm.s32 $0x0;
	s20 =	sshll.u32 s4, $0x1;
	s4 =	sadd.s32 s21, s2  }
0x9d: {  	[timem:s6], [sflag:s22] =	dma.local [hbm:s4], s20  }
0x9e: {  	_ =	swait.ge [sflag:s22], s20  }
0x9f: {  	s3 =	ssub.s32 $0x0, s20;
	[sflag:s22] =	ssyncset.done $0x0  }
0xa0: {  	[sflag:s22] =	ssyncadd.s32 s3;
	_ =	sdelay $0x1  }
0xa1: {  	s23 =	simm.s32 $0x1B8B  }
0xa2: {  	_ =	swait.ge [sflag:s23], $0x1  }
0xa3: {  	[sflag:s23] =	ssyncset.done $0x0  }
0xa4: {  	s25 =	simm.s32 $0x1B8E;
	s24 =	sld [smem:$0x3FFE];
	[sflag:s23] =	ssyncadd.s32 $0xFFFFFFFF  }
0xa5: {  	s26 =	simm.s32 $execute0_lowered;
	[smem:$0x3FD2] =	sst s25  }
0xa6: {  	s4 =	sshll.u32 s26, $0x1;
	_ =	strace $0x80000046;
	[dreg:$0x1] =	wrdreg $0xFFFFFFFF  }
0xa7: {  	s28 =	simm.s32 $_size_execute0_lowered;
	s2 =	sadd.s32 s2, s4;
	[dreg:$0x0] =	wrdreg $0x0  }
0xa8: {  	s4 =	sshll.u32 s28, $0x1;
	[dreg:$0x2] =	wrdreg s2  }
0xa9: {  	[dreg:$0x3] =	wrdreg s4  }
0xaa: {  	[dreg:$0x4] =	wrdreg $0xC0  }
0xab: {  	_ =	task [dreg:s6], $0x5FFFF  }
0xac: {  	[dreg:$0x1] =	wrdreg $0xFFFFFFFF  }
0xad: {  	[dreg:$0x0] =	wrdreg $0x60  }
0xae: {  	[dreg:$0x2] =	wrdreg s24  }
0xaf: {  	[dreg:$0x3] =	wrdreg $0x9  }
0xb0: {  	_ =	task.clear_ibuf [dreg:s6], $0x4FFFF;
	_ =	strace $0x90000046  }
0xb1: {  	s29 =	simm.s32 $0x9;
	_ =	strace $0x80000048  }
0xb2: {  	_ =	swait.ge [sflag:s29], $0x1  }
0xb3: {  	[sflag:s29] =	ssyncadd.s32 $0xFFFFFFFF  }
0xb4: {  	_ =	strace $0x90000048  }
0xb5: {  	_ =	sfence  }
0xb6: {  	s30 =	sld [smem:$0x0];
	_ =	sdelay $0x2  }
0xb7: {  	s31 =	sshll.u32 s1, $0xD;
	s1 =	sshrl.u32 s1, $0x2  }
0xb8: {  	s3 =	sand.u32 $0x4000, s31;
	s1 =	sadd.s32 s1, s30  }
0xb9: {  	s0 =	sor.u32 s3, s0;
	s1 =	sshll.u32 s1, $0x11  }
0xba: {  	s0 =	sor.u32 s1, s0  }
0xbb: {  	s0 =	sadd.s32 $0x8F2B, s0  }
0xbc: {  	[sflag:s0] =	ssyncadd.remote.s32 $0x1  }
0xbd: {  	_ =	sfence.sel $0xFFFF  }
0xbe: {  	[dreg:$0x0] =	wrdreg $0xFFFFFFFF;
	(pc) =	sbr.abs _section_cstart, $3  }
0xbf: {  	[dreg:$0x1] =	wrdreg $0xFFFFFFFF  }
0xc0: {  	_ =	task.clear_ibuf [dreg:s6], $0x2FFFF;
	_ =	strace $0x9FFFFFFF  }
0xc1: {  	(tm) =	ssettm $0x7FFFFFFF  }
tec
execute0_lowered:
.L_overlay_start_1:
0x0: {  	(tag) =	ssettag $0x1  }
0x1: {  	s1 =	stileid.u32  }
0x2: {  	p0 =	sgt.u32 s1, $0x9  }
.Ltmp0:
0x3: {  	_ = 	snop;
	(pc) =	sbr.rel @p0 .LBB2_9-.Ltmp0, $4  }
0x4: {  	_ = 	snop  }
0x5: {  	s2 =	simm.s32 $0x0  }
0x6: {  	[smem:$0x7FF] =	sst s2  }
0x7: {  	s0 =	rddreg [dreg:$0x0];
	_ =	strace $0x80000047  }
0x8: {  	s1 =	srdreg.scid;
	s4 =	stileid.u32  }
0x9: {  	s8 =	sadd.s32 $0x400, s0;
	s11 =	simm.s32 $0x38;
	s16 =	simm.s32 $0x50  }
0xa: {  	s17 =	simm.s32 $0x2710;
	s19 =	simm.s32 $0x2F40;
	s20 =	simm.s32 $0x40C0  }
0xb: {  	s21 =	simm.s32 $0x63C0;
	s22 =	simm.s32 $0x1;
	s28 =	simm.s32 $0x7580  }
0xc: {  	s29 =	simm.s32 $0x7590;
	s30 =	simm.s32 $0x75A0;
	s3 =	sshll.u32 s4, $0x1  }
0xd: {  	s1 =	sand.u32 $0x1, s1;
	s4 =	sshrl.u32 s4, $0x1;
	s3 =	sand.u32 $0x2, s3  }
0xe: {  	s31 =	simm.s32 $0x75B0;
	s7 =	smul.u32 $0x50, s4;
	s6 =	sor.u32 s1, s3  }
0xf: {  	s12 =	sor.u32 $0x78, s4;
	s1 =	ssub.s32 $0x2, s1;
	s5 =	smul.u32 $0x320, s6  }
0x10: {  	s4 =	sadd.s32 $0x131C00, s0;
	s9 =	sshrl.u32 s1, $0x1;
	s10 =	smul.u32 $0xC4, s6  }
0x11: {  	s3 =	sadd.s32 $0x800, s0;
	s26 =	ssub.s32 s1, s9;
	s1 =	simm.s32 $0x75D0  }
0x12: {  	s5 =	sadd.s32 s7, s5;
	s8 =	sadd.s32 s8, s10;
	s9 =	smax.u32 s26, $0x1  }
0x13: {  	s10 =	simm.s32 $0x3;
	s7 =	sshrl.u32 s5, $0x3;
	s5 =	smul.u32 $0x50, s12  }
0x14: {  	v0 =	vmov s12;
	s26 =	simm.s32 $0x7570;
	s12 =	simm.s32 $0x2;
	s23 =	sadd.s32 s7, s0  }
0x15: {  	s24 =	sshrl.u32 s5, $0x3;
	s0 =	sadd.s32 $0x221200, s23;
	s23 =	simm.s32 $0x7540  }
0x16: {  	s25 =	sadd.s32 s4, s24;
	[dreg:$0x3] =	wrdreg s0;
	s24 =	simm.s32 $0x7550  }
0x17: {  	v1 =	vimm.f32 $0.0e+00;
	s0 =	simm.s32 $0x75C0;
	[dreg:$0x2] =	wrdreg s25;
	s25 =	simm.s32 $0x7560  }
.LBB2_2:
0x18: {  	s14 =	simm.s32 $0x0  }
0x19: {  	[tilespmem:s14], [sflag:$0x3] =	stream.linear.gather [hbm4b:s8+s14], $0x620, $0x38;
	[tilespmem:$0x75E0] =	vst v63  }
0x1a: {  	_ =	swait.ge [sflag:s10], $0x620  }
0x1b: {  	[sflag:s10] =	ssyncset.done $0x0  }
0x1c: {  	[sflag:s10] =	ssyncadd.s32 $0xFFFFF9E0  }
0x1d: {  	[tilespmem:$0x7540] =	vst v1  }
0x1e: {  	[tilespmem:$0x7550] =	vst v1  }
0x1f: {  	v2 =	vld [tilespmem:$0x0];
	[tilespmem:$0x7560] =	vst v1  }
0x20: {  	v3 =	vld [tilespmem:$0x10];
	[tilespmem:$0x7570] =	vst v1  }
0x21: {  	v4 =	vld [tilespmem:$0x20];
	[tilespmem:$0x7580] =	vst v1  }
0x22: {  	v5 =	vld [tilespmem:$0x30];
	[tilespmem:$0x7590] =	vst v1  }
0x23: {  	v6 =	vld [tilespmem:$0x40];
	[tilespmem:$0x75A0] =	vst v1  }
0x24: {  	v7 =	vld [tilespmem:$0x50];
	[tilespmem:$0x75B0] =	vst v1;
	v2 =	vmul.u32 $0x7D, v2  }
0x25: {  	v8 =	vld [tilespmem:$0x60];
	[tilespmem:$0x75C0] =	vst v1;
	v3 =	vmul.u32 $0x7D, v3  }
0x26: {  	v9 =	vld [tilespmem:$0x70];
	[tilespmem:$0x75D0] =	vst v1;
	v4 =	vmul.u32 $0x7D, v4;
	v2 =	vadd.s32 v0, v2  }
0x27: {  	v31 =	vld [tilespmem:$0x80];
	[tilespmem:$0x620] =	vst v2;
	v2 =	vadd.s32 v0, v3;
	v3 =	vmul.u32 $0x7D, v5  }
0x28: {  	v33 =	vld [tilespmem:$0x90];
	v32 =	vmul.u32 $0x7D, v6;
	[tilespmem:$0x630] =	vst v2;
	v2 =	vadd.s32 v0, v4  }
0x29: {  	v34 =	vld [tilespmem:$0xA0];
	[tilespmem:$0x640] =	vst v2;
	v2 =	vadd.s32 v0, v3;
	v3 =	vmul.u32 $0x7D, v7  }
0x2a: {  	v36 =	vld [tilespmem:$0xB0];
	v35 =	vmul.u32 $0x7D, v8;
	[tilespmem:$0x650] =	vst v2;
	v2 =	vadd.s32 v0, v32  }
0x2b: {  	v37 =	vld [tilespmem:$0xC0];
	[tilespmem:$0x660] =	vst v2;
	v2 =	vadd.s32 v0, v3;
	v3 =	vmul.u32 $0x7D, v9  }
0x2c: {  	v39 =	vld [tilespmem:$0xD0];
	v38 =	vmul.u32 $0x7D, v31;
	[tilespmem:$0x670] =	vst v2;
	v2 =	vadd.s32 v0, v35  }
0x2d: {  	v40 =	vld [tilespmem:$0xE0];
	[tilespmem:$0x680] =	vst v2;
	v2 =	vadd.s32 v0, v3;
	v3 =	vmul.u32 $0x7D, v33  }
0x2e: {  	v42 =	vld [tilespmem:$0xF0];
	v41 =	vmul.u32 $0x7D, v34;
	[tilespmem:$0x690] =	vst v2;
	v2 =	vadd.s32 v0, v38  }
0x2f: {  	v43 =	vld [tilespmem:$0x100];
	[tilespmem:$0x6A0] =	vst v2;
	v2 =	vadd.s32 v0, v3;
	v3 =	vmul.u32 $0x7D, v36  }
0x30: {  	v45 =	vld [tilespmem:$0x110];
	v44 =	vmul.u32 $0x7D, v37;
	[tilespmem:$0x6B0] =	vst v2;
	v2 =	vadd.s32 v0, v41  }
0x31: {  	v46 =	vld [tilespmem:$0x120];
	[tilespmem:$0x6C0] =	vst v2;
	v2 =	vadd.s32 v0, v3;
	v3 =	vmul.u32 $0x7D, v39  }
0x32: {  	v48 =	vld [tilespmem:$0x130];
	v47 =	vmul.u32 $0x7D, v40;
	[tilespmem:$0x6D0] =	vst v2;
	v2 =	vadd.s32 v0, v44  }
0x33: {  	v49 =	vld [tilespmem:$0x140];
	[tilespmem:$0x6E0] =	vst v2;
	v2 =	vadd.s32 v0, v3;
	v3 =	vmul.u32 $0x7D, v42  }
0x34: {  	v51 =	vld [tilespmem:$0x150];
	v50 =	vmul.u32 $0x7D, v43;
	[tilespmem:$0x6F0] =	vst v2;
	v2 =	vadd.s32 v0, v47  }
0x35: {  	v52 =	vld [tilespmem:$0x160];
	[tilespmem:$0x700] =	vst v2;
	v2 =	vadd.s32 v0, v3;
	v3 =	vmul.u32 $0x7D, v45  }
0x36: {  	v54 =	vld [tilespmem:$0x170];
	v53 =	vmul.u32 $0x7D, v46;
	[tilespmem:$0x710] =	vst v2;
	v2 =	vadd.s32 v0, v50  }
0x37: {  	v55 =	vld [tilespmem:$0x180];
	[tilespmem:$0x720] =	vst v2;
	v2 =	vadd.s32 v0, v3;
	v3 =	vmul.u32 $0x7D, v48  }
0x38: {  	v57 =	vld [tilespmem:$0x190];
	v56 =	vmul.u32 $0x7D, v49;
	[tilespmem:$0x730] =	vst v2;
	v2 =	vadd.s32 v0, v53  }
0x39: {  	v58 =	vld [tilespmem:$0x1A0];
	[tilespmem:$0x740] =	vst v2;
	v2 =	vadd.s32 v0, v3;
	v3 =	vmul.u32 $0x7D, v51  }
0x3a: {  	v60 =	vld [tilespmem:$0x1B0];
	v59 =	vmul.u32 $0x7D, v52;
	[tilespmem:$0x750] =	vst v2;
	v2 =	vadd.s32 v0, v56  }
0x3b: {  	v61 =	vld [tilespmem:$0x1C0];
	[tilespmem:$0x760] =	vst v2;
	v2 =	vadd.s32 v0, v3;
	v3 =	vmul.u32 $0x7D, v54  }
0x3c: {  	v63 =	vld [tilespmem:$0x1D0];
	v62 =	vmul.u32 $0x7D, v55;
	[tilespmem:$0x770] =	vst v2;
	v2 =	vadd.s32 v0, v59  }
0x3d: {  	v12 =	vld [tilespmem:$0x1E0];
	[tilespmem:$0x780] =	vst v2;
	v2 =	vadd.s32 v0, v3;
	v3 =	vmul.u32 $0x7D, v57  }
0x3e: {  	v14 =	vld [tilespmem:$0x1F0];
	v13 =	vmul.u32 $0x7D, v58;
	[tilespmem:$0x790] =	vst v2;
	v2 =	vadd.s32 v0, v62  }
0x3f: {  	v15 =	vld [tilespmem:$0x200];
	[tilespmem:$0x7A0] =	vst v2;
	v2 =	vadd.s32 v0, v3;
	v3 =	vmul.u32 $0x7D, v60  }
0x40: {  	v17 =	vld [tilespmem:$0x210];
	v16 =	vmul.u32 $0x7D, v61;
	[tilespmem:$0x7B0] =	vst v2;
	v2 =	vadd.s32 v0, v13  }
0x41: {  	v18 =	vld [tilespmem:$0x220];
	[tilespmem:$0x7C0] =	vst v2;
	v2 =	vadd.s32 v0, v3;
	v3 =	vmul.u32 $0x7D, v63  }
0x42: {  	v20 =	vld [tilespmem:$0x230];
	v19 =	vmul.u32 $0x7D, v12;
	[tilespmem:$0x7D0] =	vst v2;
	v2 =	vadd.s32 v0, v16  }
0x43: {  	v21 =	vld [tilespmem:$0x240];
	[tilespmem:$0x7E0] =	vst v2;
	v2 =	vadd.s32 v0, v3;
	v3 =	vmul.u32 $0x7D, v14  }
0x44: {  	v23 =	vld [tilespmem:$0x250];
	v22 =	vmul.u32 $0x7D, v15;
	[tilespmem:$0x7F0] =	vst v2;
	v2 =	vadd.s32 v0, v19  }
0x45: {  	v24 =	vld [tilespmem:$0x260];
	[tilespmem:$0x800] =	vst v2;
	v2 =	vadd.s32 v0, v3;
	v3 =	vmul.u32 $0x7D, v17  }
0x46: {  	v26 =	vld [tilespmem:$0x270];
	v25 =	vmul.u32 $0x7D, v18;
	[tilespmem:$0x810] =	vst v2;
	v2 =	vadd.s32 v0, v22  }
0x47: {  	v27 =	vld [tilespmem:$0x280];
	[tilespmem:$0x820] =	vst v2;
	v2 =	vadd.s32 v0, v3;
	v3 =	vmul.u32 $0x7D, v20  }
0x48: {  	v29 =	vld [tilespmem:$0x290];
	v28 =	vmul.u32 $0x7D, v21;
	[tilespmem:$0x830] =	vst v2;
	v2 =	vadd.s32 v0, v25  }
0x49: {  	v30 =	vld [tilespmem:$0x2A0];
	[tilespmem:$0x840] =	vst v2;
	v2 =	vadd.s32 v0, v3;
	v3 =	vmul.u32 $0x7D, v23  }
0x4a: {  	v31 =	vmul.u32 $0x7D, v24;
	v32 =	vld [tilespmem:$0x2B0];
	[tilespmem:$0x850] =	vst v2;
	v2 =	vadd.s32 v0, v28  }
0x4b: {  	v33 =	vld [tilespmem:$0x2C0];
	[tilespmem:$0x860] =	vst v2;
	v2 =	vadd.s32 v0, v3;
	v3 =	vmul.u32 $0x7D, v26  }
0x4c: {  	v34 =	vmul.u32 $0x7D, v27;
	v35 =	vld [tilespmem:$0x2D0];
	[tilespmem:$0x870] =	vst v2;
	v2 =	vadd.s32 v0, v31  }
0x4d: {  	v36 =	vld [tilespmem:$0x2E0];
	[tilespmem:$0x880] =	vst v2;
	v2 =	vadd.s32 v0, v3;
	v3 =	vmul.u32 $0x7D, v29  }
0x4e: {  	v37 =	vmul.u32 $0x7D, v30;
	v38 =	vld [tilespmem:$0x2F0];
	[tilespmem:$0x890] =	vst v2;
	v2 =	vadd.s32 v0, v34  }
0x4f: {  	v39 =	vld [tilespmem:$0x300];
	[tilespmem:$0x8A0] =	vst v2;
	v2 =	vadd.s32 v0, v3;
	v3 =	vmul.u32 $0x7D, v32  }
0x50: {  	v41 =	vld [tilespmem:$0x310];
	v40 =	vmul.u32 $0x7D, v33;
	[tilespmem:$0x8B0] =	vst v2;
	v2 =	vadd.s32 v0, v37  }
0x51: {  	v42 =	vld [tilespmem:$0x320];
	[tilespmem:$0x8C0] =	vst v2;
	v2 =	vadd.s32 v0, v3;
	v3 =	vmul.u32 $0x7D, v35  }
0x52: {  	v44 =	vld [tilespmem:$0x330];
	v43 =	vmul.u32 $0x7D, v36;
	[tilespmem:$0x8D0] =	vst v2;
	v2 =	vadd.s32 v0, v40  }
0x53: {  	v45 =	vld [tilespmem:$0x340];
	[tilespmem:$0x8E0] =	vst v2;
	v2 =	vadd.s32 v0, v3;
	v3 =	vmul.u32 $0x7D, v38  }
0x54: {  	v47 =	vld [tilespmem:$0x350];
	v46 =	vmul.u32 $0x7D, v39;
	[tilespmem:$0x8F0] =	vst v2;
	v2 =	vadd.s32 v0, v43  }
0x55: {  	v48 =	vld [tilespmem:$0x360];
	[tilespmem:$0x900] =	vst v2;
	v2 =	vadd.s32 v0, v3;
	v3 =	vmul.u32 $0x7D, v41  }
0x56: {  	v50 =	vld [tilespmem:$0x370];
	v49 =	vmul.u32 $0x7D, v42;
	[tilespmem:$0x910] =	vst v2;
	v2 =	vadd.s32 v0, v46  }
0x57: {  	v51 =	vld [tilespmem:$0x380];
	[tilespmem:$0x920] =	vst v2;
	v2 =	vadd.s32 v0, v3;
	v3 =	vmul.u32 $0x7D, v44  }
0x58: {  	v53 =	vld [tilespmem:$0x390];
	v52 =	vmul.u32 $0x7D, v45;
	[tilespmem:$0x930] =	vst v2;
	v2 =	vadd.s32 v0, v49  }
0x59: {  	v54 =	vld [tilespmem:$0x3A0];
	[tilespmem:$0x940] =	vst v2;
	v2 =	vadd.s32 v0, v3;
	v3 =	vmul.u32 $0x7D, v47  }
0x5a: {  	v56 =	vld [tilespmem:$0x3B0];
	v55 =	vmul.u32 $0x7D, v48;
	[tilespmem:$0x950] =	vst v2;
	v2 =	vadd.s32 v0, v52  }
0x5b: {  	v57 =	vld [tilespmem:$0x3C0];
	[tilespmem:$0x960] =	vst v2;
	v2 =	vadd.s32 v0, v3;
	v3 =	vmul.u32 $0x7D, v50  }
0x5c: {  	v59 =	vld [tilespmem:$0x3D0];
	v58 =	vmul.u32 $0x7D, v51;
	[tilespmem:$0x970] =	vst v2;
	v2 =	vadd.s32 v0, v55  }
0x5d: {  	v60 =	vld [tilespmem:$0x3E0];
	[tilespmem:$0x980] =	vst v2;
	v2 =	vadd.s32 v0, v3;
	v3 =	vmul.u32 $0x7D, v53  }
0x5e: {  	v62 =	vld [tilespmem:$0x3F0];
	v61 =	vmul.u32 $0x7D, v54;
	[tilespmem:$0x990] =	vst v2;
	v2 =	vadd.s32 v0, v58  }
0x5f: {  	v63 =	vld [tilespmem:$0x400];
	[tilespmem:$0x9A0] =	vst v2;
	v2 =	vadd.s32 v0, v3;
	v3 =	vmul.u32 $0x7D, v56  }
0x60: {  	v13 =	vld [tilespmem:$0x410];
	v12 =	vmul.u32 $0x7D, v57;
	[tilespmem:$0x9B0] =	vst v2;
	v2 =	vadd.s32 v0, v61  }
0x61: {  	v14 =	vld [tilespmem:$0x420];
	[tilespmem:$0x9C0] =	vst v2;
	v2 =	vadd.s32 v0, v3;
	v3 =	vmul.u32 $0x7D, v59  }
0x62: {  	v16 =	vld [tilespmem:$0x430];
	v15 =	vmul.u32 $0x7D, v60;
	[tilespmem:$0x9D0] =	vst v2;
	v2 =	vadd.s32 v0, v12  }
0x63: {  	v17 =	vld [tilespmem:$0x440];
	[tilespmem:$0x9E0] =	vst v2;
	v2 =	vadd.s32 v0, v3;
	v3 =	vmul.u32 $0x7D, v62  }
0x64: {  	v19 =	vld [tilespmem:$0x450];
	v18 =	vmul.u32 $0x7D, v63;
	[tilespmem:$0x9F0] =	vst v2;
	v2 =	vadd.s32 v0, v15  }
0x65: {  	v20 =	vld [tilespmem:$0x460];
	[tilespmem:$0xA00] =	vst v2;
	v2 =	vadd.s32 v0, v3;
	v3 =	vmul.u32 $0x7D, v13  }
0x66: {  	v22 =	vld [tilespmem:$0x470];
	v21 =	vmul.u32 $0x7D, v14;
	[tilespmem:$0xA10] =	vst v2;
	v2 =	vadd.s32 v0, v18  }
0x67: {  	v23 =	vld [tilespmem:$0x480];
	[tilespmem:$0xA20] =	vst v2;
	v2 =	vadd.s32 v0, v3;
	v3 =	vmul.u32 $0x7D, v16  }
0x68: {  	v25 =	vld [tilespmem:$0x490];
	v24 =	vmul.u32 $0x7D, v17;
	[tilespmem:$0xA30] =	vst v2;
	v2 =	vadd.s32 v0, v21  }
0x69: {  	v26 =	vld [tilespmem:$0x4A0];
	[tilespmem:$0xA40] =	vst v2;
	v2 =	vadd.s32 v0, v3;
	v3 =	vmul.u32 $0x7D, v19  }
0x6a: {  	v28 =	vld [tilespmem:$0x4B0];
	v27 =	vmul.u32 $0x7D, v20;
	[tilespmem:$0xA50] =	vst v2;
	v2 =	vadd.s32 v0, v24  }
0x6b: {  	v29 =	vld [tilespmem:$0x4C0];
	[tilespmem:$0xA60] =	vst v2;
	v2 =	vadd.s32 v0, v3;
	v3 =	vmul.u32 $0x7D, v22  }
0x6c: {  	v31 =	vld [tilespmem:$0x4D0];
	v30 =	vmul.u32 $0x7D, v23;
	[tilespmem:$0xA70] =	vst v2;
	v2 =	vadd.s32 v0, v27  }
0x6d: {  	v32 =	vld [tilespmem:$0x4E0];
	[tilespmem:$0xA80] =	vst v2;
	v2 =	vadd.s32 v0, v3;
	v3 =	vmul.u32 $0x7D, v25  }
0x6e: {  	v34 =	vld [tilespmem:$0x4F0];
	v33 =	vmul.u32 $0x7D, v26;
	[tilespmem:$0xA90] =	vst v2;
	v2 =	vadd.s32 v0, v30  }
0x6f: {  	v35 =	vld [tilespmem:$0x500];
	[tilespmem:$0xAA0] =	vst v2;
	v2 =	vadd.s32 v0, v3;
	v3 =	vmul.u32 $0x7D, v28  }
0x70: {  	v37 =	vld [tilespmem:$0x510];
	v36 =	vmul.u32 $0x7D, v29;
	[tilespmem:$0xAB0] =	vst v2;
	v2 =	vadd.s32 v0, v33  }
0x71: {  	v38 =	vld [tilespmem:$0x520];
	[tilespmem:$0xAC0] =	vst v2;
	v2 =	vadd.s32 v0, v3;
	v3 =	vmul.u32 $0x7D, v31  }
0x72: {  	v40 =	vld [tilespmem:$0x530];
	v39 =	vmul.u32 $0x7D, v32;
	[tilespmem:$0xAD0] =	vst v2;
	v2 =	vadd.s32 v0, v36  }
0x73: {  	v41 =	vld [tilespmem:$0x540];
	[tilespmem:$0xAE0] =	vst v2;
	v2 =	vadd.s32 v0, v3;
	v3 =	vmul.u32 $0x7D, v34  }
0x74: {  	v43 =	vld [tilespmem:$0x550];
	v42 =	vmul.u32 $0x7D, v35;
	[tilespmem:$0xAF0] =	vst v2;
	v2 =	vadd.s32 v0, v39  }
0x75: {  	v44 =	vld [tilespmem:$0x560];
	[tilespmem:$0xB00] =	vst v2;
	v2 =	vadd.s32 v0, v3;
	v3 =	vmul.u32 $0x7D, v37  }
0x76: {  	v46 =	vld [tilespmem:$0x570];
	v45 =	vmul.u32 $0x7D, v38;
	[tilespmem:$0xB10] =	vst v2;
	v2 =	vadd.s32 v0, v42  }
0x77: {  	v47 =	vld [tilespmem:$0x580];
	[tilespmem:$0xB20] =	vst v2;
	v2 =	vadd.s32 v0, v3;
	v3 =	vmul.u32 $0x7D, v40  }
0x78: {  	v49 =	vld [tilespmem:$0x590];
	v48 =	vmul.u32 $0x7D, v41;
	[tilespmem:$0xB30] =	vst v2;
	v2 =	vadd.s32 v0, v45  }
0x79: {  	v50 =	vld [tilespmem:$0x5A0];
	[tilespmem:$0xB40] =	vst v2;
	v2 =	vadd.s32 v0, v3;
	v3 =	vmul.u32 $0x7D, v43  }
0x7a: {  	v52 =	vld [tilespmem:$0x5B0];
	v51 =	vmul.u32 $0x7D, v44;
	[tilespmem:$0xB50] =	vst v2;
	v2 =	vadd.s32 v0, v48  }
0x7b: {  	v53 =	vld [tilespmem:$0x5C0];
	[tilespmem:$0xB60] =	vst v2;
	v2 =	vadd.s32 v0, v3;
	v3 =	vmul.u32 $0x7D, v46  }
0x7c: {  	v55 =	vld [tilespmem:$0x5D0];
	v54 =	vmul.u32 $0x7D, v47;
	[tilespmem:$0xB70] =	vst v2;
	v2 =	vadd.s32 v0, v51  }
0x7d: {  	v56 =	vld [tilespmem:$0x5E0];
	[tilespmem:$0xB80] =	vst v2;
	v2 =	vadd.s32 v0, v3;
	v3 =	vmul.u32 $0x7D, v49  }
0x7e: {  	v58 =	vld [tilespmem:$0x5F0];
	v57 =	vmul.u32 $0x7D, v50;
	[tilespmem:$0xB90] =	vst v2;
	v2 =	vadd.s32 v0, v54  }
0x7f: {  	v59 =	vld [tilespmem:$0x600];
	[tilespmem:$0xBA0] =	vst v2;
	v2 =	vadd.s32 v0, v3;
	v3 =	vmul.u32 $0x7D, v52  }
0x80: {  	v61 =	vld [tilespmem:$0x610];
	v60 =	vmul.u32 $0x7D, v53;
	[tilespmem:$0xBB0] =	vst v2;
	v2 =	vadd.s32 v0, v57  }
0x81: {  	[tilespmem:$0xBC0] =	vst v2;
	v2 =	vadd.s32 v0, v3;
	v3 =	vmul.u32 $0x7D, v55  }
0x82: {  	v62 =	vmul.u32 $0x7D, v56;
	[tilespmem:$0xBD0] =	vst v2;
	v2 =	vadd.s32 v0, v60  }
0x83: {  	[tilespmem:$0xBE0] =	vst v2;
	v2 =	vadd.s32 v0, v3;
	v3 =	vmul.u32 $0x7D, v58  }
0x84: {  	v63 =	vmul.u32 $0x7D, v59;
	[tilespmem:$0xBF0] =	vst v2;
	v2 =	vadd.s32 v0, v62  }
0x85: {  	[tilespmem:$0xC00] =	vst v2;
	v2 =	vadd.s32 v0, v3;
	v3 =	vmul.u32 $0x7D, v61  }
0x86: {  	[tilespmem:$0xC10] =	vst v2;
	v2 =	vadd.s32 v0, v63  }
0x87: {  	[tilespmem:$0xC20] =	vst v2;
	v2 =	vadd.s32 v0, v3  }
0x88: {  	s6 =	simm.s32 $0x620;
	s7 =	simm.s32 $0xC40;
	[tilespmem:$0xC30] =	vst v2  }
0x89: {  	[tilespmem:s7], [sflag:$0x1] =	stream.indirect.gather [hbm4b:s3+s11], $0x50, s6, s11, $0xb8;
	[tilespmem:$0x75E0] =	vst v63  }
0x8a: {  	s13 =	simm.s32 $0x1DC0;
	s7 =	simm.s32 $0x930  }
0x8b: {  	[tilespmem:s13], [sflag:$0x1] =	stream.indirect.gather [hbm4b:s3+s11], $0x50, s7, s11, $0xb8;
	[tilespmem:$0x75E0] =	vst v63  }
0x8c: {  	s18 =	simm.s32 $0x5240;
	s15 =	rddreg [dreg:$0x2]  }
0x8d: {  	[tilespmem:s18], [sflag:$0x1] =	stream.strided.gather [hbm4b:s15+s16], $0x1180, s17, s16, $0x38;
	[tilespmem:$0x75E0] =	vst v63  }
.LBB2_3:
0x8e: {  	s15 =	smul.u32 $0x70, s14;
	_ =	sdelay $0x1  }
0x8f: {  	s7 =	smul.u32 $0x111700, s14;
	s18 =	sadd.s32 $0x658, s15  }
0x90: {  	[tilespmem:s19], [sflag:$0x2] =	stream.indirect.gather [hbm4b:s3+s11], $0x50, s18, s11, $0xb8;
	[tilespmem:$0x75E0] =	vst v63  }
0x91: {  	s15 =	sadd.s32 $0x968, s15;
	s13 =	sadd.s32 s5, s7  }
0x92: {  	[tilespmem:s20], [sflag:$0x2] =	stream.indirect.gather [hbm4b:s3+s11], $0x50, s15, s11, $0xb8;
	[tilespmem:$0x75E0] =	vst v63  }
0x93: {  	s15 =	sadd.s32 $0x88B80, s13  }
0x94: {  	s15 =	sshrl.u32 s15, $0x3  }
0x95: {  	s15 =	sadd.s32 s4, s15  }
0x96: {  	[tilespmem:s21], [sflag:$0x2] =	stream.strided.gather [hbm4b:s15+s16], $0x1180, s17, s16, $0x38;
	[tilespmem:$0x75E0] =	vst v63  }
0x97: {  	_ =	swait.ge [sflag:s22], $0x1180  }
0x98: {  	[sflag:s22] =	ssyncset.done $0x0  }
0x99: {  	[sflag:s22] =	ssyncadd.s32 $0xFFFFEE80  }
0x9a: {  	_ =	swait.ge [sflag:s22], $0x1180  }
0x9b: {  	[sflag:s22] =	ssyncset.done $0x0  }
0x9c: {  	[sflag:s22] =	ssyncadd.s32 $0xFFFFEE80  }
0x9d: {  	_ =	swait.ge [sflag:s22], $0x1180  }
0x9e: {  	[sflag:s22] =	ssyncset.done $0x0  }
0x9f: {  	s18 =	simm.s32 $0x0;
	[sflag:s22] =	ssyncadd.s32 $0xFFFFEE80  }
0xa0: {  	v2 =	vld [tilespmem:s18+$0x5240]  }
0xa1: {  	v3 =	vld [tilespmem:s18+$0xC40];
	_ =	sdelay $0x2  }
0xa2: {  	v4 =	vld [tilespmem:s18+$0x5280]  }
0xa3: {  	v5 =	vld [tilespmem:s18+$0x5270]  }
0xa4: {  	v6 =	vld [tilespmem:s18+$0x5260];
	v3 =	vmul.f32 v3, v2  }
0xa5: {  	v7 =	vld [tilespmem:s18+$0x5250]  }
0xa6: {  	[tilespmem:s23+$0x0] =	vst.add.f32.msk $0xffff, v3  }
0xa7: {  	v3 =	vld [tilespmem:s18+$0xC50];
	_ =	sdelay $0x4  }
0xa8: {  	v3 =	vmul.f32 v3, v7;
	_ =	sdelay $0x1  }
0xa9: {  	[tilespmem:s24+$0x0] =	vst.add.f32.msk $0xffff, v3  }
0xaa: {  	v3 =	vld [tilespmem:s18+$0xC60];
	_ =	sdelay $0x4  }
0xab: {  	v3 =	vmul.f32 v3, v6;
	_ =	sdelay $0x1  }
0xac: {  	[tilespmem:s25+$0x0] =	vst.add.f32.msk $0xffff, v3  }
0xad: {  	v3 =	vld [tilespmem:s18+$0xC70];
	_ =	sdelay $0x4  }
0xae: {  	v3 =	vmul.f32 v3, v5;
	_ =	sdelay $0x1  }
0xaf: {  	[tilespmem:s26+$0x0] =	vst.add.f32.msk $0xffff, v3  }
0xb0: {  	v3 =	vld [tilespmem:s18+$0xC80];
	_ =	sdelay $0x4  }
0xb1: {  	v3 =	vmul.f32 v3, v4;
	_ =	sdelay $0x1  }
0xb2: {  	[tilespmem:s28+$0x0] =	vst.add.f32.msk $0xffff, v3  }
0xb3: {  	v3 =	vld [tilespmem:s18+$0x1DC0];
	_ =	sdelay $0x4  }
0xb4: {  	v2 =	vmul.f32 v3, v2;
	_ =	sdelay $0x1  }
0xb5: {  	[tilespmem:s29+$0x0] =	vst.add.f32.msk $0xffff, v2  }
0xb6: {  	v2 =	vld [tilespmem:s18+$0x1DD0];
	_ =	sdelay $0x4  }
0xb7: {  	v2 =	vmul.f32 v2, v7;
	_ =	sdelay $0x1  }
0xb8: {  	[tilespmem:s30+$0x0] =	vst.add.f32.msk $0xffff, v2  }
0xb9: {  	v2 =	vld [tilespmem:s18+$0x1DE0];
	_ =	sdelay $0x4  }
0xba: {  	v2 =	vmul.f32 v2, v6;
	_ =	sdelay $0x1  }
0xbb: {  	[tilespmem:s31+$0x0] =	vst.add.f32.msk $0xffff, v2  }
0xbc: {  	v2 =	vld [tilespmem:s18+$0x1DF0];
	_ =	sdelay $0x4  }
0xbd: {  	v2 =	vmul.f32 v2, v5;
	_ =	sdelay $0x1  }
0xbe: {  	[tilespmem:s0+$0x0] =	vst.add.f32.msk $0xffff, v2  }
0xbf: {  	v2 =	vld [tilespmem:s18+$0x1E00];
	_ =	sdelay $0x4  }
0xc0: {  	s15 =	simm.s32 $0x140;
	v2 =	vmul.f32 v2, v4  }
.LBB2_4:
0xc1: {  	p0 =	sne.s32 s15, $0x44C0;
	s18 =	smov.u32 s15;
	s15 =	sadd.s32 $0x140, s15  }
0xc2: {  	s18 =	sshra.s32 s18, $0x2;
	[tilespmem:s1+$0x0] =	vst.add.f32.msk $0xffff, v2  }
0xc3: {  	v2 =	vld [tilespmem:s18+$0x5240]  }
0xc4: {  	v3 =	vld [tilespmem:s18+$0xC40];
	_ =	sdelay $0x1  }
0xc5: {  	v4 =	vld [tilespmem:s18+$0x5280]  }
0xc6: {  	v5 =	vld [tilespmem:s18+$0x5270]  }
0xc7: {  	v6 =	vld [tilespmem:s18+$0x5260]  }
0xc8: {  	v7 =	vld [tilespmem:s18+$0x5250];
	v3 =	vmul.f32 v3, v2;
	_ =	sdelay $0x1  }
0xc9: {  	[tilespmem:s23+$0x0] =	vst.add.f32.msk $0xffff, v3  }
0xca: {  	v3 =	vld [tilespmem:s18+$0xC50];
	_ =	sdelay $0x4  }
0xcb: {  	v3 =	vmul.f32 v3, v7;
	_ =	sdelay $0x1  }
0xcc: {  	[tilespmem:s24+$0x0] =	vst.add.f32.msk $0xffff, v3  }
0xcd: {  	v3 =	vld [tilespmem:s18+$0xC60];
	_ =	sdelay $0x4  }
0xce: {  	v3 =	vmul.f32 v3, v6;
	_ =	sdelay $0x1  }
0xcf: {  	[tilespmem:s25+$0x0] =	vst.add.f32.msk $0xffff, v3  }
0xd0: {  	v3 =	vld [tilespmem:s18+$0xC70];
	_ =	sdelay $0x4  }
0xd1: {  	v3 =	vmul.f32 v3, v5;
	_ =	sdelay $0x1  }
0xd2: {  	[tilespmem:s26+$0x0] =	vst.add.f32.msk $0xffff, v3  }
0xd3: {  	v3 =	vld [tilespmem:s18+$0xC80];
	_ =	sdelay $0x4  }
0xd4: {  	v3 =	vmul.f32 v3, v4;
	_ =	sdelay $0x1  }
0xd5: {  	[tilespmem:s28+$0x0] =	vst.add.f32.msk $0xffff, v3  }
0xd6: {  	v3 =	vld [tilespmem:s18+$0x1DC0];
	_ =	sdelay $0x4  }
0xd7: {  	v2 =	vmul.f32 v3, v2;
	_ =	sdelay $0x1  }
0xd8: {  	[tilespmem:s29+$0x0] =	vst.add.f32.msk $0xffff, v2  }
0xd9: {  	v2 =	vld [tilespmem:s18+$0x1DD0];
	_ =	sdelay $0x4  }
0xda: {  	v2 =	vmul.f32 v2, v7;
	_ =	sdelay $0x1  }
0xdb: {  	[tilespmem:s30+$0x0] =	vst.add.f32.msk $0xffff, v2  }
0xdc: {  	v2 =	vld [tilespmem:s18+$0x1DE0];
	_ =	sdelay $0x4  }
0xdd: {  	v2 =	vmul.f32 v2, v6;
	_ =	sdelay $0x1  }
0xde: {  	[tilespmem:s31+$0x0] =	vst.add.f32.msk $0xffff, v2  }
0xdf: {  	v2 =	vld [tilespmem:s18+$0x1DF0];
	_ =	sdelay $0x4  }
0xe0: {  	v2 =	vmul.f32 v2, v5;
	_ =	sdelay $0x1  }
0xe1: {  	[tilespmem:s0+$0x0] =	vst.add.f32.msk $0xffff, v2  }
0xe2: {  	v2 =	vld [tilespmem:s18+$0x1E00]  }
.Ltmp1:
0xe3: {  	(pc) =	sbr.rel @p0 .LBB2_4-.Ltmp1, $2  }
0xe4: {  	_ =	sdelay $0x2  }
0xe5: {  	v2 =	vmul.f32 v2, v4  }
0xe6: {  	p0 =	seq.s32 s14, $0x6  }
0xe7: {  	s15 =	sshll.u32 @!p0 s14, $0x1  }
0xe8: {  	s15 =	sadd.s32 @!p0 $0x2, s15  }
0xe9: {  	s18 =	smul.u32 @!p0 $0xE0, s15;
	_ =	sdelay $0x1  }
0xea: {  	s18 =	sshra.s32 @!p0 s18, $0x2  }
0xeb: {  	[tilespmem:s1+$0x0] =	vst.add.f32.msk $0xffff, v2;
	s6 =	simm.s32 @!p0 $0x38;
	s7 =	simm.s32 @!p0 $0xC40;
	s13 =	sadd.s32 @!p0 $0x620, s18  }
0xec: {  	[tilespmem:s7], [sflag:$0x1] =	stream.indirect.gather @!p0 [hbm4b:s3+s6], $0x50, s13, s6, $0xb8;
	[tilespmem:$0x75E0] =	vst v63  }
0xed: {  	s15 =	smul.u32 @!p0 $0x88B80, s15;
	s7 =	sadd.s32 @!p0 $0x930, s18;
	s13 =	simm.s32 @!p0 $0x1DC0  }
0xee: {  	[tilespmem:s13], [sflag:$0x1] =	stream.indirect.gather @!p0 [hbm4b:s3+s6], $0x50, s7, s6, $0xb8;
	[tilespmem:$0x75E0] =	vst v63  }
0xef: {  	s6 =	sadd.s32 @!p0 s5, s15  }
0xf0: {  	s7 =	simm.s32 @!p0 $0x50;
	s6 =	sshrl.u32 @!p0 s6, $0x3  }
0xf1: {  	s13 =	simm.s32 @!p0 $0x2710;
	s15 =	simm.s32 @!p0 $0x5240;
	s6 =	sadd.s32 @!p0 s4, s6  }
0xf2: {  	[tilespmem:s15], [sflag:$0x1] =	stream.strided.gather @!p0 [hbm4b:s6+s7], $0x1180, s13, s7, $0x38;
	[tilespmem:$0x75E0] =	vst v63  }
0xf3: {  	_ =	swait.ge [sflag:s12], $0x1180  }
0xf4: {  	[sflag:s12] =	ssyncset.done $0x0  }
0xf5: {  	[sflag:s12] =	ssyncadd.s32 $0xFFFFEE80  }
0xf6: {  	_ =	swait.ge [sflag:s12], $0x1180  }
0xf7: {  	[sflag:s12] =	ssyncset.done $0x0  }
0xf8: {  	[sflag:s12] =	ssyncadd.s32 $0xFFFFEE80  }
0xf9: {  	_ =	swait.ge [sflag:s12], $0x1180  }
0xfa: {  	[sflag:s12] =	ssyncset.done $0x0  }
0xfb: {  	s18 =	simm.s32 $0x0;
	[sflag:s12] =	ssyncadd.s32 $0xFFFFEE80  }
0xfc: {  	v2 =	vld [tilespmem:s18+$0x63C0]  }
0xfd: {  	v3 =	vld [tilespmem:s18+$0x2F40];
	_ =	sdelay $0x2  }
0xfe: {  	v4 =	vld [tilespmem:s18+$0x6400]  }
0xff: {  	v5 =	vld [tilespmem:s18+$0x63F0]  }
0x100: {  	v6 =	vld [tilespmem:s18+$0x63E0];
	v3 =	vmul.f32 v3, v2  }
0x101: {  	v7 =	vld [tilespmem:s18+$0x63D0]  }
0x102: {  	[tilespmem:s23+$0x0] =	vst.add.f32.msk $0xffff, v3  }
0x103: {  	v3 =	vld [tilespmem:s18+$0x2F50];
	_ =	sdelay $0x4  }
0x104: {  	v3 =	vmul.f32 v3, v7;
	_ =	sdelay $0x1  }
0x105: {  	[tilespmem:s24+$0x0] =	vst.add.f32.msk $0xffff, v3  }
0x106: {  	v3 =	vld [tilespmem:s18+$0x2F60];
	_ =	sdelay $0x4  }
0x107: {  	v3 =	vmul.f32 v3, v6;
	_ =	sdelay $0x1  }
0x108: {  	[tilespmem:s25+$0x0] =	vst.add.f32.msk $0xffff, v3  }
0x109: {  	v3 =	vld [tilespmem:s18+$0x2F70];
	_ =	sdelay $0x4  }
0x10a: {  	v3 =	vmul.f32 v3, v5;
	_ =	sdelay $0x1  }
0x10b: {  	[tilespmem:s26+$0x0] =	vst.add.f32.msk $0xffff, v3  }
0x10c: {  	v3 =	vld [tilespmem:s18+$0x2F80];
	_ =	sdelay $0x4  }
0x10d: {  	v3 =	vmul.f32 v3, v4;
	_ =	sdelay $0x1  }
0x10e: {  	[tilespmem:s28+$0x0] =	vst.add.f32.msk $0xffff, v3  }
0x10f: {  	v3 =	vld [tilespmem:s18+$0x40C0];
	_ =	sdelay $0x4  }
0x110: {  	v2 =	vmul.f32 v3, v2;
	_ =	sdelay $0x1  }
0x111: {  	[tilespmem:s29+$0x0] =	vst.add.f32.msk $0xffff, v2  }
0x112: {  	v2 =	vld [tilespmem:s18+$0x40D0];
	_ =	sdelay $0x4  }
0x113: {  	v2 =	vmul.f32 v2, v7;
	_ =	sdelay $0x1  }
0x114: {  	[tilespmem:s30+$0x0] =	vst.add.f32.msk $0xffff, v2  }
0x115: {  	v2 =	vld [tilespmem:s18+$0x40E0];
	_ =	sdelay $0x4  }
0x116: {  	v2 =	vmul.f32 v2, v6;
	_ =	sdelay $0x1  }
0x117: {  	[tilespmem:s31+$0x0] =	vst.add.f32.msk $0xffff, v2  }
0x118: {  	v2 =	vld [tilespmem:s18+$0x40F0];
	_ =	sdelay $0x4  }
0x119: {  	v2 =	vmul.f32 v2, v5;
	_ =	sdelay $0x1  }
0x11a: {  	[tilespmem:s0+$0x0] =	vst.add.f32.msk $0xffff, v2  }
0x11b: {  	v2 =	vld [tilespmem:s18+$0x4100];
	_ =	sdelay $0x4  }
0x11c: {  	s15 =	simm.s32 $0x140;
	v2 =	vmul.f32 v2, v4  }
.LBB2_6:
0x11d: {  	p0 =	sne.s32 s15, $0x44C0;
	s6 =	smov.u32 s15;
	s15 =	sadd.s32 $0x140, s15  }
0x11e: {  	s18 =	sshra.s32 s6, $0x2;
	[tilespmem:s1+$0x0] =	vst.add.f32.msk $0xffff, v2  }
0x11f: {  	v2 =	vld [tilespmem:s18+$0x63C0]  }
0x120: {  	v3 =	vld [tilespmem:s18+$0x2F40];
	_ =	sdelay $0x1  }
0x121: {  	v4 =	vld [tilespmem:s18+$0x6400]  }
0x122: {  	v5 =	vld [tilespmem:s18+$0x63F0]  }
0x123: {  	v6 =	vld [tilespmem:s18+$0x63E0]  }
0x124: {  	v7 =	vld [tilespmem:s18+$0x63D0];
	v3 =	vmul.f32 v3, v2;
	_ =	sdelay $0x1  }
0x125: {  	[tilespmem:s23+$0x0] =	vst.add.f32.msk $0xffff, v3  }
0x126: {  	v3 =	vld [tilespmem:s18+$0x2F50];
	_ =	sdelay $0x4  }
0x127: {  	v3 =	vmul.f32 v3, v7;
	_ =	sdelay $0x1  }
0x128: {  	[tilespmem:s24+$0x0] =	vst.add.f32.msk $0xffff, v3  }
0x129: {  	v3 =	vld [tilespmem:s18+$0x2F60];
	_ =	sdelay $0x4  }
0x12a: {  	v3 =	vmul.f32 v3, v6;
	_ =	sdelay $0x1  }
0x12b: {  	[tilespmem:s25+$0x0] =	vst.add.f32.msk $0xffff, v3  }
0x12c: {  	v3 =	vld [tilespmem:s18+$0x2F70];
	_ =	sdelay $0x4  }
0x12d: {  	v3 =	vmul.f32 v3, v5;
	_ =	sdelay $0x1  }
0x12e: {  	[tilespmem:s26+$0x0] =	vst.add.f32.msk $0xffff, v3  }
0x12f: {  	v3 =	vld [tilespmem:s18+$0x2F80];
	_ =	sdelay $0x4  }
0x130: {  	v3 =	vmul.f32 v3, v4;
	_ =	sdelay $0x1  }
0x131: {  	[tilespmem:s28+$0x0] =	vst.add.f32.msk $0xffff, v3  }
0x132: {  	v3 =	vld [tilespmem:s18+$0x40C0];
	_ =	sdelay $0x4  }
0x133: {  	v2 =	vmul.f32 v3, v2;
	_ =	sdelay $0x1  }
0x134: {  	[tilespmem:s29+$0x0] =	vst.add.f32.msk $0xffff, v2  }
0x135: {  	v2 =	vld [tilespmem:s18+$0x40D0];
	_ =	sdelay $0x4  }
0x136: {  	v2 =	vmul.f32 v2, v7;
	_ =	sdelay $0x1  }
0x137: {  	[tilespmem:s30+$0x0] =	vst.add.f32.msk $0xffff, v2  }
0x138: {  	v2 =	vld [tilespmem:s18+$0x40E0];
	_ =	sdelay $0x4  }
0x139: {  	v2 =	vmul.f32 v2, v6;
	_ =	sdelay $0x1  }
0x13a: {  	[tilespmem:s31+$0x0] =	vst.add.f32.msk $0xffff, v2  }
0x13b: {  	v2 =	vld [tilespmem:s18+$0x40F0];
	_ =	sdelay $0x4  }
0x13c: {  	v2 =	vmul.f32 v2, v5;
	_ =	sdelay $0x1  }
0x13d: {  	[tilespmem:s0+$0x0] =	vst.add.f32.msk $0xffff, v2  }
0x13e: {  	v2 =	vld [tilespmem:s18+$0x4100]  }
.Ltmp2:
0x13f: {  	(pc) =	sbr.rel @p0 .LBB2_6-.Ltmp2, $2  }
0x140: {  	_ =	sdelay $0x2  }
0x141: {  	v2 =	vmul.f32 v2, v4  }
0x142: {  	s14 =	sadd.s32 $0x1, s14  }
0x143: {  	p0 =	sne.s32 s14, $0x7  }
.Ltmp3:
0x144: {  	_ = 	snop;
	(pc) =	sbr.rel @p0 .LBB2_3-.Ltmp3, $2  }
0x145: {  	_ =	sdelay $0x2  }
0x146: {  	[tilespmem:s1+$0x0] =	vst.add.f32.msk $0xffff, v2  }
0x147: {  	s2 =	sadd.s32 $0x1, s2  }
0x148: {  	p0 =	sne.s32 s2, s9  }
.Ltmp4:
0x149: {  	s6 =	rddreg [dreg:$0x3];
	s7 =	simm.s32 $0x190;
	(pc) =	sbr.rel @p0 .LBB2_2-.Ltmp4, $4  }
0x14a: {  	[hbm4b:s6+s16] =	stream.strided.scatter [tilespmem:s23], [sflag:$0x3], $0xA0, s7, s16, $0x38;
	[tilespmem:$0x75E0] =	vst v63  }
0x14b: {  	_ =	swait.ge [sflag:s10], $0xA0  }
0x14c: {  	[sflag:s10] =	ssyncset.done $0x0  }
0x14d: {  	[sflag:s10] =	ssyncadd.s32 $0xFFFFFF60  }
.LBB2_9:
0x14e: {  	_ =	sfence.sel $0x180000  }
0x14f: {  	[bflag:$0x0] =	sbarrier.arrive $0xFFFF  }
0x150: {  	_ =	strace $0x90000047  }
0x151: {  	s0 =	stileid.u32;
	[bflag:$0x2] =	sbarrier.arrive $0xFFFF  }
0x152: {  	p0 =	sne.s32 s0, $0x0;
	s0 =	rddreg [dreg:$0x1]  }
0x153: {  	s0 =	sadd.s32 @!p0 $0x100000, s0  }
0x154: {  	[sflag:s0] =	ssyncadd.tile.s32 @!p0 $0x1;
	_ =	shalt  }
.Lfunc_end2:
_tile_overlayer_lowered:
.L_overlay_start_2:
0x155: {  	(tag) =	ssettag $0x2  }
0x156: {  	s0 =	rddreg [dreg:$0x0];
	s2 =	stileid.u32  }
0x157: {  	s1 =	rddreg [dreg:$0x1];
	p0 =	sne.s32 s2, $0x0  }
0x158: {  	s3 =	rddreg [dreg:$0x2];
	[bflag:$0x3] =	sbarrier.arrive $0xFFFF;
	s2 =	simm.s32 @!p0 $0x1C03  }
0x159: {  	[timem:s3], [sflag:s2] =	dma.local @!p0 [hbm:s0], s1  }
0x15a: {  	s0 =	simm.s32 @!p0 $0x3  }
0x15b: {  	_ =	swait.ge @!p0 [sflag:s0], s1  }
0x15c: {  	s1 =	ssub.s32 @!p0 $0x0, s1;
	[sflag:s0] =	ssyncset.done @!p0 $0x0  }
0x15d: {  	[sflag:s0] =	ssyncadd.s32 @!p0 s1  }
0x15e: {  	[bflag:$0x3] =	sbarrier.arrive $0xFFFF  }
0x15f: {  	_ =	shalt  }

</sc_bundles>
